<compile_context>
chip_gen: v7x
topology: tpu7x:2x2x1
jax: 0.10.2.dev20260603
libtpu: 0.0.44.dev20260713+nightly
codegen_flags: <defaults>
</compile_context>

<pallas_src>
import functools

import jax
import jax.numpy as jnp
from jax import lax
from jax.experimental import pallas as pl
from jax.experimental.pallas import tpu as pltpu
from jax.experimental.pallas import tpu_sc as plsc

N_EXP = 256
TOPK = 6
SCALE = 1.5
TBLK = 512
NW = 32
L = 16
TSTAGE = 128
NGRP = 4
UNROLL = 4


def _score_block(x_ref, w_ref, b_ref, out_ref):
    scores = lax.dot_general(
        w_ref[...], x_ref[...],
        (((1,), (1,)), ((), ())),
        preferred_element_type=jnp.float32,
    )
    out_ref[...] = jnp.sqrt(jax.nn.softplus(scores)) + b_ref[...].reshape(N_EXP, 1)


def _insert(vs, ids, newv, newi):
    vs = list(vs)
    ids = list(ids)
    for j in range(TOPK):
        gt = newv > vs[j]
        vj = jnp.where(gt, newv, vs[j])
        ij = jnp.where(gt, newi, ids[j])
        newv = jnp.where(gt, vs[j], newv)
        newi = jnp.where(gt, ids[j], newi)
        vs[j] = vj
        ids[j] = ij
    return tuple(vs), tuple(ids)


def _make_topk_sc(tpw):

    def _topk_sc(bsc_hbm, bias_hbm, w_hbm, i_hbm, bs_v, bias_v, wout_v, iout_v):
        wid = lax.axis_index("s") * 2 + lax.axis_index("c")
        base = wid * tpw
        pltpu.sync_copy(bias_hbm, bias_v)

        lane = lax.broadcasted_iota(jnp.int32, (L,), 0)
        neg = jnp.full((L,), -jnp.inf, jnp.float32)
        zero = jnp.zeros((L,), jnp.int32)

        for sub in range(tpw // TSTAGE):
            pltpu.sync_copy(
                bsc_hbm.at[:, pl.ds(base + sub * TSTAGE, TSTAGE)], bs_v)

            def tile_body(t, _unused, sub=sub):
                gbase = t * (NGRP * L)

                def body(e, carry):
                    ei = jnp.full((L,), e, jnp.int32)
                    out = []
                    for k in range(NGRP):
                        sv = bs_v[e, pl.ds(gbase + k * L, L)]
                        vk, ik = _insert(carry[2 * k], carry[2 * k + 1],
                                         sv, ei)
                        out.append(vk)
                        out.append(ik)
                    return tuple(out)

                init = ((neg,) * TOPK, (zero,) * TOPK) * NGRP
                fin = lax.fori_loop(0, N_EXP, body, init, unroll=UNROLL)

                for k in range(NGRP):
                    vs, ids = fin[2 * k], fin[2 * k + 1]
                    ws = []
                    for j in range(TOPK):
                        bj = plsc.load_gather(bias_v, [ids[j]])
                        ws.append(vs[j] - bj)
                    tot = ws[0] + ws[1] + ws[2] + ws[3] + ws[4] + ws[5]
                    inv = SCALE / tot
                    cols = sub * TSTAGE + gbase + k * L + lane
                    for j in range(TOPK):
                        row = jnp.full((L,), j, jnp.int32)
                        plsc.store_scatter(wout_v, [row, cols], ws[j] * inv)
                        plsc.store_scatter(iout_v, [row, cols], ids[j])
                return 0

            lax.fori_loop(0, TSTAGE // (NGRP * L), tile_body, 0)

        pltpu.sync_copy(wout_v, w_hbm.at[:, pl.ds(base, tpw)])
        pltpu.sync_copy(iout_v, i_hbm.at[:, pl.ds(base, tpw)])

    return _topk_sc


@jax.jit
def kernel(x, W, bias):
    n_tokens = x.shape[0]
    tpw = n_tokens // NW

    bsc = pl.pallas_call(
        _score_block,
        grid=(n_tokens // TBLK,),
        in_specs=[
            pl.BlockSpec((TBLK, x.shape[1]), lambda i: (i, 0)),
            pl.BlockSpec((N_EXP, x.shape[1]), lambda i: (0, 0)),
            pl.BlockSpec((N_EXP,), lambda i: (0,)),
        ],
        out_specs=pl.BlockSpec((N_EXP, TBLK), lambda i: (0, i)),
        out_shape=jax.ShapeDtypeStruct((N_EXP, n_tokens), jnp.float32),
    )(x, W, bias)

    mesh = plsc.VectorSubcoreMesh(core_axis_name="c", subcore_axis_name="s")
    topk = functools.partial(
        pl.kernel,
        mesh=mesh,
        out_type=[
            jax.ShapeDtypeStruct((TOPK, n_tokens), jnp.float32),
            jax.ShapeDtypeStruct((TOPK, n_tokens), jnp.int32),
        ],
        scratch_types=[
            pltpu.VMEM((N_EXP, TSTAGE), jnp.float32),
            pltpu.VMEM((N_EXP,), jnp.float32),
            pltpu.VMEM((TOPK, tpw), jnp.float32),
            pltpu.VMEM((TOPK, tpw), jnp.int32),
        ],
        compiler_params=pltpu.CompilerParams(
            needs_layout_passes=False, use_tc_tiling_on_sc=True),
    )(_make_topk_sc(tpw))
    wout_t, iout_t = topk(bsc, bias)
    return (wout_t.T, iout_t.T)

# --- scband reference (transcript-rebuilt; emitter-appended) ---
"""Pipeline reference for scband-gate-78228534329540 (READ-ONLY COPY).

The authoritative reference and input builder live on the scoring server;
editing this copy changes nothing except your own understanding.
"""

import jax, jax.numpy as jnp
import numpy as np

DIM = 4096
N_EXPERTS = 256
TOPK = 6
ROUTE_SCALE = 1.5
N_TOKENS = 8192


def setup_inputs(seed: int = 0) -> dict:
    key = jax.random.key(seed)
    k1, k2, k3 = jax.random.split(key, 3)
    x = jax.random.normal(k1, (N_TOKENS, DIM), dtype=jnp.float32)
    W = jax.random.normal(k2, (N_EXPERTS, DIM), dtype=jnp.float32) * 0.02
    bias = jax.random.normal(k3, (N_EXPERTS,), dtype=jnp.float32) * 0.01
    return {"x": x, "W": W, "bias": bias}


def reference(x, W, bias):
    # scores = linear(x.float(), weight.float())
    scores = jnp.dot(x.astype(jnp.float32), W.astype(jnp.float32).T)
    # score_func == 'sqrtsoftplus'
    scores = jnp.sqrt(jax.nn.softplus(scores))
    original_scores = scores
    # bias is not None (non-hash layer, layer_id=3 >= n_hash_layers=3)
    scores = scores + bias
    # indices = scores.topk(topk, dim=-1)[1]
    _, indices = jax.lax.top_k(scores, TOPK)
    # weights = original_scores.gather(1, indices)
    weights = jnp.take_along_axis(original_scores, indices, axis=1)
    # score_func != 'softmax' -> normalize
    weights = weights / jnp.sum(weights, axis=-1, keepdims=True)
    weights = weights * ROUTE_SCALE
    return (weights, indices)

if __name__ == "__main__":
    import jax
    _d = setup_inputs()
    print(jax.jit(kernel)(*tuple(_d.values())))

</pallas_src>

<mosaic_0001>
#map = affine_map<(d0, d1) -> (0, 0)>
#map1 = affine_map<(d0, d1) -> (0)>
module attributes {stable_mosaic.version = 14 : i64} {
  func.func @_topk_sc(%arg0: i32, %arg1: i32, %arg2: memref<256x8192xf32, #tpu.memory_space<hbm>>, %arg3: memref<256xf32, #tpu.memory_space<hbm>>, %arg4: memref<6x8192xf32, #tpu.memory_space<hbm>>, %arg5: memref<6x8192xi32, #tpu.memory_space<hbm>>, %arg6: memref<256x128xf32, #tpu.memory_space<vmem>>, %arg7: memref<256xf32, #tpu.memory_space<vmem>>, %arg8: memref<6x256xf32, #tpu.memory_space<vmem>>, %arg9: memref<6x256xi32, #tpu.memory_space<vmem>>) attributes {dimension_semantics = [#tpu.dimension_semantics<core_parallel>, #tpu.dimension_semantics<subcore_parallel>], iteration_bounds = array<i64: 2, 16>, scalar_prefetch = 0 : i64, scratch_operands = 4 : i64, tpu.core_type = #tpu.core_type<sc_vector_subcore>, window_params = [{transform_indices = #map}, {transform_indices = #map1}, {transform_indices = #map}, {transform_indices = #map}]} {
    %mul3A = arith.constant 2 : i32
    %mul3A_0 = arith.muli %arg1, %mul3A : i32
    %add3A = arith.addi %mul3A_0, %arg0 : i32
    %mul3A_1 = arith.constant 256 : i32
    %mul3A_2 = arith.muli %add3A, %mul3A_1 : i32
    "tpu.region"() ({
      %run_scoped3A = tpu.sem_alloc : memref<!tpu.dma_semaphore, #tpu.memory_space<semaphore_mem>>
      tpu.enqueue_dma source(%arg3 : memref<256xf32, #tpu.memory_space<hbm>>) target(%arg7 : memref<256xf32, #tpu.memory_space<vmem>>) target_semaphore(%run_scoped3A : memref<!tpu.dma_semaphore, #tpu.memory_space<semaphore_mem>>)
      tpu.wait_dma2 semaphore(%run_scoped3A : memref<!tpu.dma_semaphore, #tpu.memory_space<semaphore_mem>>) src(%arg3 : memref<256xf32, #tpu.memory_space<hbm>>) dst(%arg7 : memref<256xf32, #tpu.memory_space<vmem>>)
      tpu.yield
    }) : () -> ()
    %iota3A = tpu.iota {dimensions = array<i32: 0>} : vector<16xi32>
    %broadcast_in_dim3A = arith.constant 0xFF800000 : f32
    %broadcast_in_dim3A_3 = vector.broadcast %broadcast_in_dim3A : f32 to vector<16xf32>
    %broadcast_in_dim3A_4 = arith.constant 0 : i32
    %broadcast_in_dim3A_5 = vector.broadcast %broadcast_in_dim3A_4 : i32 to vector<16xi32>
    %add3A_6 = arith.constant 0 : i32
    %add3A_7 = arith.addi %mul3A_2, %add3A_6 : i32
    "tpu.region"() ({
      %run_scoped3A = tpu.sem_alloc : memref<!tpu.dma_semaphore, #tpu.memory_space<semaphore_mem>>
      %dma_start3A = arith.constant 0 : i32
      %dma_start3A_23 = tpu.memref_slice %arg2[%dma_start3A, %add3A_7] : memref<256x8192xf32, #tpu.memory_space<hbm>> -> memref<256x128xf32, #tpu.memory_space<hbm>>
      %dma_start3A_24 = arith.constant 0 : i32
      %dma_start3A_25 = tpu.memref_slice %arg2[%dma_start3A_24, %add3A_7] : memref<256x8192xf32, #tpu.memory_space<hbm>> -> memref<256x128xf32, #tpu.memory_space<hbm>>
      tpu.enqueue_dma source(%dma_start3A_25 : memref<256x128xf32, #tpu.memory_space<hbm>>) target(%arg6 : memref<256x128xf32, #tpu.memory_space<vmem>>) target_semaphore(%run_scoped3A : memref<!tpu.dma_semaphore, #tpu.memory_space<semaphore_mem>>)
      %dma_wait3A = arith.constant 0 : i32
      %dma_wait3A_26 = tpu.memref_slice %arg2[%dma_wait3A, %add3A_7] : memref<256x8192xf32, #tpu.memory_space<hbm>> -> memref<256x128xf32, #tpu.memory_space<hbm>>
      %dma_wait3A_27 = arith.constant 0 : i32
      %dma_wait3A_28 = tpu.memref_slice %arg2[%dma_wait3A_27, %add3A_7] : memref<256x8192xf32, #tpu.memory_space<hbm>> -> memref<256x128xf32, #tpu.memory_space<hbm>>
      tpu.wait_dma2 semaphore(%run_scoped3A : memref<!tpu.dma_semaphore, #tpu.memory_space<semaphore_mem>>) src(%dma_wait3A_28 : memref<256x128xf32, #tpu.memory_space<hbm>>) dst(%arg6 : memref<256x128xf32, #tpu.memory_space<vmem>>)
      tpu.yield
    }) : () -> ()
    %scan3A = arith.constant 0 : i32
    %scan3A_8 = arith.constant 0 : i32
    %scan3A_9 = arith.constant 2 : i32
    %scan3A_10 = arith.addi %scan3A_8, %scan3A_9 : i32
    %scan3A_11 = arith.constant 1 : i32
    %scan3A_12 = scf.for %scan3A_23 = %scan3A_8 to %scan3A_10 step %scan3A_11 iter_args(%scan3A_24 = %scan3A) -> (i32)  : i32 {
      %mul3A_25 = arith.constant 64 : i32
      %mul3A_26 = arith.muli %scan3A_23, %mul3A_25 : i32
      %scan3A_27 = arith.constant 0 : i32
      %scan3A_28 = arith.constant 256 : i32
      %scan3A_29 = arith.addi %scan3A_27, %scan3A_28 : i32
      %scan3A_30 = arith.constant 4 : i32
      %scan3A_31:48 = scf.for %scan3A_207 = %scan3A_27 to %scan3A_29 step %scan3A_30 iter_args(%scan3A_208 = %broadcast_in_dim3A_3, %scan3A_209 = %broadcast_in_dim3A_3, %scan3A_210 = %broadcast_in_dim3A_3, %scan3A_211 = %broadcast_in_dim3A_3, %scan3A_212 = %broadcast_in_dim3A_3, %scan3A_213 = %broadcast_in_dim3A_3, %scan3A_214 = %broadcast_in_dim3A_5, %scan3A_215 = %broadcast_in_dim3A_5, %scan3A_216 = %broadcast_in_dim3A_5, %scan3A_217 = %broadcast_in_dim3A_5, %scan3A_218 = %broadcast_in_dim3A_5, %scan3A_219 = %broadcast_in_dim3A_5, %scan3A_220 = %broadcast_in_dim3A_3, %scan3A_221 = %broadcast_in_dim3A_3, %scan3A_222 = %broadcast_in_dim3A_3, %scan3A_223 = %broadcast_in_dim3A_3, %scan3A_224 = %broadcast_in_dim3A_3, %scan3A_225 = %broadcast_in_dim3A_3, %scan3A_226 = %broadcast_in_dim3A_5, %scan3A_227 = %broadcast_in_dim3A_5, %scan3A_228 = %broadcast_in_dim3A_5, %scan3A_229 = %broadcast_in_dim3A_5, %scan3A_230 = %broadcast_in_dim3A_5, %scan3A_231 = %broadcast_in_dim3A_5, %scan3A_232 = %broadcast_in_dim3A_3, %scan3A_233 = %broadcast_in_dim3A_3, %scan3A_234 = %broadcast_in_dim3A_3, %scan3A_235 = %broadcast_in_dim3A_3, %scan3A_236 = %broadcast_in_dim3A_3, %scan3A_237 = %broadcast_in_dim3A_3, %scan3A_238 = %broadcast_in_dim3A_5, %scan3A_239 = %broadcast_in_dim3A_5, %scan3A_240 = %broadcast_in_dim3A_5, %scan3A_241 = %broadcast_in_dim3A_5, %scan3A_242 = %broadcast_in_dim3A_5, %scan3A_243 = %broadcast_in_dim3A_5, %scan3A_244 = %broadcast_in_dim3A_3, %scan3A_245 = %broadcast_in_dim3A_3, %scan3A_246 = %broadcast_in_dim3A_3, %scan3A_247 = %broadcast_in_dim3A_3, %scan3A_248 = %broadcast_in_dim3A_3, %scan3A_249 = %broadcast_in_dim3A_3, %scan3A_250 = %broadcast_in_dim3A_5, %scan3A_251 = %broadcast_in_dim3A_5, %scan3A_252 = %broadcast_in_dim3A_5, %scan3A_253 = %broadcast_in_dim3A_5, %scan3A_254 = %broadcast_in_dim3A_5, %scan3A_255 = %broadcast_in_dim3A_5) -> (vector<16xf32>, vector<16xf32>, vector<16xf32>, vector<16xf32>, vector<16xf32>, vector<16xf32>, vector<16xi32>, vector<16xi32>, vector<16xi32>, vector<16xi32>, vector<16xi32>, vector<16xi32>, vector<16xf32>, vector<16xf32>, vector<16xf32>, vector<16xf32>, vector<16xf32>, vector<16xf32>, vector<16xi32>, vector<16xi32>, vector<16xi32>, vector<16xi32>, vector<16xi32>, vector<16xi32>, vector<16xf32>, vector<16xf32>, vector<16xf32>, vector<16xf32>, vector<16xf32>, vector<16xf32>, vector<16xi32>, vector<16xi32>, vector<16xi32>, vector<16xi32>, vector<16xi32>, vector<16xi32>, vector<16xf32>, vector<16xf32>, vector<16xf32>, vector<16xf32>, vector<16xf32>, vector<16xf32>, vector<16xi32>, vector<16xi32>, vector<16xi32>, vector<16xi32>, vector<16xi32>, vector<16xi32>)  : i32 {
        %broadcast_in_dim3A_256 = vector.broadcast %scan3A_207 : i32 to vector<16xi32>
        %add3A_257 = arith.constant 0 : i32
        %add3A_258 = arith.addi %mul3A_26, %add3A_257 : i32
        %get3A = arith.index_cast %scan3A_207 : i32 to index
        %get3A_259 = arith.index_cast %add3A_258 : i32 to index
        %get3A_260 = tpu.vector_load %arg6[%get3A, %get3A_259] {strides = array<i32>} : memref<256x128xf32, #tpu.memory_space<vmem>>, vector<16xf32>,
        %gt3A = arith.cmpf ogt, %get3A_260, %scan3A_208 : vector<16xf32>
        %select_n3A = arith.select %gt3A, %get3A_260, %scan3A_208 : vector<16xi1>, vector<16xf32>
        %select_n3A_261 = arith.select %gt3A, %broadcast_in_dim3A_256, %scan3A_214 : vector<16xi1>, vector<16xi32>
        %select_n3A_262 = arith.select %gt3A, %scan3A_208, %get3A_260 : vector<16xi1>, vector<16xf32>
        %select_n3A_263 = arith.select %gt3A, %scan3A_214, %broadcast_in_dim3A_256 : vector<16xi1>, vector<16xi32>
        %gt3A_264 = arith.cmpf ogt, %select_n3A_262, %scan3A_209 : vector<16xf32>
        %select_n3A_265 = arith.select %gt3A_264, %select_n3A_262, %scan3A_209 : vector<16xi1>, vector<16xf32>
        %select_n3A_266 = arith.select %gt3A_264, %select_n3A_263, %scan3A_215 : vector<16xi1>, vector<16xi32>
        %select_n3A_267 = arith.select %gt3A_264, %scan3A_209, %select_n3A_262 : vector<16xi1>, vector<16xf32>
        %select_n3A_268 = arith.select %gt3A_264, %scan3A_215, %select_n3A_263 : vector<16xi1>, vector<16xi32>
        %gt3A_269 = arith.cmpf ogt, %select_n3A_267, %scan3A_210 : vector<16xf32>
        %select_n3A_270 = arith.select %gt3A_269, %select_n3A_267, %scan3A_210 : vector<16xi1>, vector<16xf32>
        %select_n3A_271 = arith.select %gt3A_269, %select_n3A_268, %scan3A_216 : vector<16xi1>, vector<16xi32>
        %select_n3A_272 = arith.select %gt3A_269, %scan3A_210, %select_n3A_267 : vector<16xi1>, vector<16xf32>
        %select_n3A_273 = arith.select %gt3A_269, %scan3A_216, %select_n3A_268 : vector<16xi1>, vector<16xi32>
        %gt3A_274 = arith.cmpf ogt, %select_n3A_272, %scan3A_211 : vector<16xf32>
        %select_n3A_275 = arith.select %gt3A_274, %select_n3A_272, %scan3A_211 : vector<16xi1>, vector<16xf32>
        %select_n3A_276 = arith.select %gt3A_274, %select_n3A_273, %scan3A_217 : vector<16xi1>, vector<16xi32>
        %select_n3A_277 = arith.select %gt3A_274, %scan3A_211, %select_n3A_272 : vector<16xi1>, vector<16xf32>
        %select_n3A_278 = arith.select %gt3A_274, %scan3A_217, %select_n3A_273 : vector<16xi1>, vector<16xi32>
        %gt3A_279 = arith.cmpf ogt, %select_n3A_277, %scan3A_212 : vector<16xf32>
        %select_n3A_280 = arith.select %gt3A_279, %select_n3A_277, %scan3A_212 : vector<16xi1>, vector<16xf32>
        %select_n3A_281 = arith.select %gt3A_279, %select_n3A_278, %scan3A_218 : vector<16xi1>, vector<16xi32>
        %select_n3A_282 = arith.select %gt3A_279, %scan3A_212, %select_n3A_277 : vector<16xi1>, vector<16xf32>
        %select_n3A_283 = arith.select %gt3A_279, %scan3A_218, %select_n3A_278 : vector<16xi1>, vector<16xi32>
        %gt3A_284 = arith.cmpf ogt, %select_n3A_282, %scan3A_213 : vector<16xf32>
        %select_n3A_285 = arith.select %gt3A_284, %select_n3A_282, %scan3A_213 : vector<16xi1>, vector<16xf32>
        %select_n3A_286 = arith.select %gt3A_284, %select_n3A_283, %scan3A_219 : vector<16xi1>, vector<16xi32>
        %select_n3A_287 = arith.select %gt3A_284, %scan3A_213, %select_n3A_282 : vector<16xi1>, vector<16xf32>
        %select_n3A_288 = arith.select %gt3A_284, %scan3A_219, %select_n3A_283 : vector<16xi1>, vector<16xi32>
        %add3A_289 = arith.constant 16 : i32
        %add3A_290 = arith.addi %mul3A_26, %add3A_289 : i32
        %get3A_291 = arith.index_cast %scan3A_207 : i32 to index
        %get3A_292 = arith.index_cast %add3A_290 : i32 to index
        %get3A_293 = tpu.vector_load %arg6[%get3A_291, %get3A_292] {strides = array<i32>} : memref<256x128xf32, #tpu.memory_space<vmem>>, vector<16xf32>,
        %gt3A_294 = arith.cmpf ogt, %get3A_293, %scan3A_220 : vector<16xf32>
        %select_n3A_295 = arith.select %gt3A_294, %get3A_293, %scan3A_220 : vector<16xi1>, vector<16xf32>
        %select_n3A_296 = arith.select %gt3A_294, %broadcast_in_dim3A_256, %scan3A_226 : vector<16xi1>, vector<16xi32>
        %select_n3A_297 = arith.select %gt3A_294, %scan3A_220, %get3A_293 : vector<16xi1>, vector<16xf32>
        %select_n3A_298 = arith.select %gt3A_294, %scan3A_226, %broadcast_in_dim3A_256 : vector<16xi1>, vector<16xi32>
        %gt3A_299 = arith.cmpf ogt, %select_n3A_297, %scan3A_221 : vector<16xf32>
        %select_n3A_300 = arith.select %gt3A_299, %select_n3A_297, %scan3A_221 : vector<16xi1>, vector<16xf32>
        %select_n3A_301 = arith.select %gt3A_299, %select_n3A_298, %scan3A_227 : vector<16xi1>, vector<16xi32>
        %select_n3A_302 = arith.select %gt3A_299, %scan3A_221, %select_n3A_297 : vector<16xi1>, vector<16xf32>
        %select_n3A_303 = arith.select %gt3A_299, %scan3A_227, %select_n3A_298 : vector<16xi1>, vector<16xi32>
        %gt3A_304 = arith.cmpf ogt, %select_n3A_302, %scan3A_222 : vector<16xf32>
        %select_n3A_305 = arith.select %gt3A_304, %select_n3A_302, %scan3A_222 : vector<16xi1>, vector<16xf32>
        %select_n3A_306 = arith.select %gt3A_304, %select_n3A_303, %scan3A_228 : vector<16xi1>, vector<16xi32>
        %select_n3A_307 = arith.select %gt3A_304, %scan3A_222, %select_n3A_302 : vector<16xi1>, vector<16xf32>
        %select_n3A_308 = arith.select %gt3A_304, %scan3A_228, %select_n3A_303 : vector<16xi1>, vector<16xi32>
        %gt3A_309 = arith.cmpf ogt, %select_n3A_307, %scan3A_223 : vector<16xf32>
        %select_n3A_310 = arith.select %gt3A_309, %select_n3A_307, %scan3A_223 : vector<16xi1>, vector<16xf32>
        %select_n3A_311 = arith.select %gt3A_309, %select_n3A_308, %scan3A_229 : vector<16xi1>, vector<16xi32>
        %select_n3A_312 = arith.select %gt3A_309, %scan3A_223, %select_n3A_307 : vector<16xi1>, vector<16xf32>
        %select_n3A_313 = arith.select %gt3A_309, %scan3A_229, %select_n3A_308 : vector<16xi1>, vector<16xi32>
        %gt3A_314 = arith.cmpf ogt, %select_n3A_312, %scan3A_224 : vector<16xf32>
        %select_n3A_315 = arith.select %gt3A_314, %select_n3A_312, %scan3A_224 : vector<16xi1>, vector<16xf32>
        %select_n3A_316 = arith.select %gt3A_314, %select_n3A_313, %scan3A_230 : vector<16xi1>, vector<16xi32>
        %select_n3A_317 = arith.select %gt3A_314, %scan3A_224, %select_n3A_312 : vector<16xi1>, vector<16xf32>
        %select_n3A_318 = arith.select %gt3A_314, %scan3A_230, %select_n3A_313 : vector<16xi1>, vector<16xi32>
        %gt3A_319 = arith.cmpf ogt, %select_n3A_317, %scan3A_225 : vector<16xf32>
        %select_n3A_320 = arith.select %gt3A_319, %select_n3A_317, %scan3A_225 : vector<16xi1>, vector<16xf32>
        %select_n3A_321 = arith.select %gt3A_319, %select_n3A_318, %scan3A_231 : vector<16xi1>, vector<16xi32>
        %select_n3A_322 = arith.select %gt3A_319, %scan3A_225, %select_n3A_317 : vector<16xi1>, vector<16xf32>
        %select_n3A_323 = arith.select %gt3A_319, %scan3A_231, %select_n3A_318 : vector<16xi1>, vector<16xi32>
        %add3A_324 = arith.constant 32 : i32
        %add3A_325 = arith.addi %mul3A_26, %add3A_324 : i32
        %get3A_326 = arith.index_cast %scan3A_207 : i32 to index
        %get3A_327 = arith.index_cast %add3A_325 : i32 to index
        %get3A_328 = tpu.vector_load %arg6[%get3A_326, %get3A_327] {strides = array<i32>} : memref<256x128xf32, #tpu.memory_space<vmem>>, vector<16xf32>,
        %gt3A_329 = arith.cmpf ogt, %get3A_328, %scan3A_232 : vector<16xf32>
        %select_n3A_330 = arith.select %gt3A_329, %get3A_328, %scan3A_232 : vector<16xi1>, vector<16xf32>
        %select_n3A_331 = arith.select %gt3A_329, %broadcast_in_dim3A_256, %scan3A_238 : vector<16xi1>, vector<16xi32>
        %select_n3A_332 = arith.select %gt3A_329, %scan3A_232, %get3A_328 : vector<16xi1>, vector<16xf32>
        %select_n3A_333 = arith.select %gt3A_329, %scan3A_238, %broadcast_in_dim3A_256 : vector<16xi1>, vector<16xi32>
        %gt3A_334 = arith.cmpf ogt, %select_n3A_332, %scan3A_233 : vector<16xf32>
        %select_n3A_335 = arith.select %gt3A_334, %select_n3A_332, %scan3A_233 : vector<16xi1>, vector<16xf32>
        %select_n3A_336 = arith.select %gt3A_334, %select_n3A_333, %scan3A_239 : vector<16xi1>, vector<16xi32>
        %select_n3A_337 = arith.select %gt3A_334, %scan3A_233, %select_n3A_332 : vector<16xi1>, vector<16xf32>
        %select_n3A_338 = arith.select %gt3A_334, %scan3A_239, %select_n3A_333 : vector<16xi1>, vector<16xi32>
        %gt3A_339 = arith.cmpf ogt, %select_n3A_337, %scan3A_234 : vector<16xf32>
        %select_n3A_340 = arith.select %gt3A_339, %select_n3A_337, %scan3A_234 : vector<16xi1>, vector<16xf32>
        %select_n3A_341 = arith.select %gt3A_339, %select_n3A_338, %scan3A_240 : vector<16xi1>, vector<16xi32>
        %select_n3A_342 = arith.select %gt3A_339, %scan3A_234, %select_n3A_337 : vector<16xi1>, vector<16xf32>
        %select_n3A_343 = arith.select %gt3A_339, %scan3A_240, %select_n3A_338 : vector<16xi1>, vector<16xi32>
        %gt3A_344 = arith.cmpf ogt, %select_n3A_342, %scan3A_235 : vector<16xf32>
        %select_n3A_345 = arith.select %gt3A_344, %select_n3A_342, %scan3A_235 : vector<16xi1>, vector<16xf32>
        %select_n3A_346 = arith.select %gt3A_344, %select_n3A_343, %scan3A_241 : vector<16xi1>, vector<16xi32>
        %select_n3A_347 = arith.select %gt3A_344, %scan3A_235, %select_n3A_342 : vector<16xi1>, vector<16xf32>
        %select_n3A_348 = arith.select %gt3A_344, %scan3A_241, %select_n3A_343 : vector<16xi1>, vector<16xi32>
        %gt3A_349 = arith.cmpf ogt, %select_n3A_347, %scan3A_236 : vector<16xf32>
        %select_n3A_350 = arith.select %gt3A_349, %select_n3A_347, %scan3A_236 : vector<16xi1>, vector<16xf32>
        %select_n3A_351 = arith.select %gt3A_349, %select_n3A_348, %scan3A_242 : vector<16xi1>, vector<16xi32>
        %select_n3A_352 = arith.select %gt3A_349, %scan3A_236, %select_n3A_347 : vector<16xi1>, vector<16xf32>
        %select_n3A_353 = arith.select %gt3A_349, %scan3A_242, %select_n3A_348 : vector<16xi1>, vector<16xi32>
        %gt3A_354 = arith.cmpf ogt, %select_n3A_352, %scan3A_237 : vector<16xf32>
        %select_n3A_355 = arith.select %gt3A_354, %select_n3A_352, %scan3A_237 : vector<16xi1>, vector<16xf32>
        %select_n3A_356 = arith.select %gt3A_354, %select_n3A_353, %scan3A_243 : vector<16xi1>, vector<16xi32>
        %select_n3A_357 = arith.select %gt3A_354, %scan3A_237, %select_n3A_352 : vector<16xi1>, vector<16xf32>
        %select_n3A_358 = arith.select %gt3A_354, %scan3A_243, %select_n3A_353 : vector<16xi1>, vector<16xi32>
        %add3A_359 = arith.constant 48 : i32
        %add3A_360 = arith.addi %mul3A_26, %add3A_359 : i32
        %get3A_361 = arith.index_cast %scan3A_207 : i32 to index
        %get3A_362 = arith.index_cast %add3A_360 : i32 to index
        %get3A_363 = tpu.vector_load %arg6[%get3A_361, %get3A_362] {strides = array<i32>} : memref<256x128xf32, #tpu.memory_space<vmem>>, vector<16xf32>,
        %gt3A_364 = arith.cmpf ogt, %get3A_363, %scan3A_244 : vector<16xf32>
        %select_n3A_365 = arith.select %gt3A_364, %get3A_363, %scan3A_244 : vector<16xi1>, vector<16xf32>
        %select_n3A_366 = arith.select %gt3A_364, %broadcast_in_dim3A_256, %scan3A_250 : vector<16xi1>, vector<16xi32>
        %select_n3A_367 = arith.select %gt3A_364, %scan3A_244, %get3A_363 : vector<16xi1>, vector<16xf32>
        %select_n3A_368 = arith.select %gt3A_364, %scan3A_250, %broadcast_in_dim3A_256 : vector<16xi1>, vector<16xi32>
        %gt3A_369 = arith.cmpf ogt, %select_n3A_367, %scan3A_245 : vector<16xf32>
        %select_n3A_370 = arith.select %gt3A_369, %select_n3A_367, %scan3A_245 : vector<16xi1>, vector<16xf32>
        %select_n3A_371 = arith.select %gt3A_369, %select_n3A_368, %scan3A_251 : vector<16xi1>, vector<16xi32>
        %select_n3A_372 = arith.select %gt3A_369, %scan3A_245, %select_n3A_367 : vector<16xi1>, vector<16xf32>
        %select_n3A_373 = arith.select %gt3A_369, %scan3A_251, %select_n3A_368 : vector<16xi1>, vector<16xi32>
        %gt3A_374 = arith.cmpf ogt, %select_n3A_372, %scan3A_246 : vector<16xf32>
        %select_n3A_375 = arith.select %gt3A_374, %select_n3A_372, %scan3A_246 : vector<16xi1>, vector<16xf32>
        %select_n3A_376 = arith.select %gt3A_374, %select_n3A_373, %scan3A_252 : vector<16xi1>, vector<16xi32>
        %select_n3A_377 = arith.select %gt3A_374, %scan3A_246, %select_n3A_372 : vector<16xi1>, vector<16xf32>
        %select_n3A_378 = arith.select %gt3A_374, %scan3A_252, %select_n3A_373 : vector<16xi1>, vector<16xi32>
        %gt3A_379 = arith.cmpf ogt, %select_n3A_377, %scan3A_247 : vector<16xf32>
        %select_n3A_380 = arith.select %gt3A_379, %select_n3A_377, %scan3A_247 : vector<16xi1>, vector<16xf32>
        %select_n3A_381 = arith.select %gt3A_379, %select_n3A_378, %scan3A_253 : vector<16xi1>, vector<16xi32>
        %select_n3A_382 = arith.select %gt3A_379, %scan3A_247, %select_n3A_377 : vector<16xi1>, vector<16xf32>
        %select_n3A_383 = arith.select %gt3A_379, %scan3A_253, %select_n3A_378 : vector<16xi1>, vector<16xi32>
        %gt3A_384 = arith.cmpf ogt, %select_n3A_382, %scan3A_248 : vector<16xf32>
        %select_n3A_385 = arith.select %gt3A_384, %select_n3A_382, %scan3A_248 : vector<16xi1>, vector<16xf32>
        %select_n3A_386 = arith.select %gt3A_384, %select_n3A_383, %scan3A_254 : vector<16xi1>, vector<16xi32>
        %select_n3A_387 = arith.select %gt3A_384, %scan3A_248, %select_n3A_382 : vector<16xi1>, vector<16xf32>
        %select_n3A_388 = arith.select %gt3A_384, %scan3A_254, %select_n3A_383 : vector<16xi1>, vector<16xi32>
        %gt3A_389 = arith.cmpf ogt, %select_n3A_387, %scan3A_249 : vector<16xf32>
        %select_n3A_390 = arith.select %gt3A_389, %select_n3A_387, %scan3A_249 : vector<16xi1>, vector<16xf32>
        %select_n3A_391 = arith.select %gt3A_389, %select_n3A_388, %scan3A_255 : vector<16xi1>, vector<16xi32>
        %select_n3A_392 = arith.select %gt3A_389, %scan3A_249, %select_n3A_387 : vector<16xi1>, vector<16xf32>
        %select_n3A_393 = arith.select %gt3A_389, %scan3A_255, %select_n3A_388 : vector<16xi1>, vector<16xi32>
        %scan3A_394 = arith.constant 1 : i32
        %scan3A_395 = arith.addi %scan3A_207, %scan3A_394 : i32
        %broadcast_in_dim3A_396 = vector.broadcast %scan3A_395 : i32 to vector<16xi32>
        %add3A_397 = arith.constant 0 : i32
        %add3A_398 = arith.addi %mul3A_26, %add3A_397 : i32
        %get3A_399 = arith.index_cast %scan3A_395 : i32 to index
        %get3A_400 = arith.index_cast %add3A_398 : i32 to index
        %get3A_401 = tpu.vector_load %arg6[%get3A_399, %get3A_400] {strides = array<i32>} : memref<256x128xf32, #tpu.memory_space<vmem>>, vector<16xf32>,
        %gt3A_402 = arith.cmpf ogt, %get3A_401, %select_n3A : vector<16xf32>
        %select_n3A_403 = arith.select %gt3A_402, %get3A_401, %select_n3A : vector<16xi1>, vector<16xf32>
        %select_n3A_404 = arith.select %gt3A_402, %broadcast_in_dim3A_396, %select_n3A_261 : vector<16xi1>, vector<16xi32>
        %select_n3A_405 = arith.select %gt3A_402, %select_n3A, %get3A_401 : vector<16xi1>, vector<16xf32>
        %select_n3A_406 = arith.select %gt3A_402, %select_n3A_261, %broadcast_in_dim3A_396 : vector<16xi1>, vector<16xi32>
        %gt3A_407 = arith.cmpf ogt, %select_n3A_405, %select_n3A_265 : vector<16xf32>
        %select_n3A_408 = arith.select %gt3A_407, %select_n3A_405, %select_n3A_265 : vector<16xi1>, vector<16xf32>
        %select_n3A_409 = arith.select %gt3A_407, %select_n3A_406, %select_n3A_266 : vector<16xi1>, vector<16xi32>
        %select_n3A_410 = arith.select %gt3A_407, %select_n3A_265, %select_n3A_405 : vector<16xi1>, vector<16xf32>
        %select_n3A_411 = arith.select %gt3A_407, %select_n3A_266, %select_n3A_406 : vector<16xi1>, vector<16xi32>
        %gt3A_412 = arith.cmpf ogt, %select_n3A_410, %select_n3A_270 : vector<16xf32>
        %select_n3A_413 = arith.select %gt3A_412, %select_n3A_410, %select_n3A_270 : vector<16xi1>, vector<16xf32>
        %select_n3A_414 = arith.select %gt3A_412, %select_n3A_411, %select_n3A_271 : vector<16xi1>, vector<16xi32>
        %select_n3A_415 = arith.select %gt3A_412, %select_n3A_270, %select_n3A_410 : vector<16xi1>, vector<16xf32>
        %select_n3A_416 = arith.select %gt3A_412, %select_n3A_271, %select_n3A_411 : vector<16xi1>, vector<16xi32>
        %gt3A_417 = arith.cmpf ogt, %select_n3A_415, %select_n3A_275 : vector<16xf32>
        %select_n3A_418 = arith.select %gt3A_417, %select_n3A_415, %select_n3A_275 : vector<16xi1>, vector<16xf32>
        %select_n3A_419 = arith.select %gt3A_417, %select_n3A_416, %select_n3A_276 : vector<16xi1>, vector<16xi32>
        %select_n3A_420 = arith.select %gt3A_417, %select_n3A_275, %select_n3A_415 : vector<16xi1>, vector<16xf32>
        %select_n3A_421 = arith.select %gt3A_417, %select_n3A_276, %select_n3A_416 : vector<16xi1>, vector<16xi32>
        %gt3A_422 = arith.cmpf ogt, %select_n3A_420, %select_n3A_280 : vector<16xf32>
        %select_n3A_423 = arith.select %gt3A_422, %select_n3A_420, %select_n3A_280 : vector<16xi1>, vector<16xf32>
        %select_n3A_424 = arith.select %gt3A_422, %select_n3A_421, %select_n3A_281 : vector<16xi1>, vector<16xi32>
        %select_n3A_425 = arith.select %gt3A_422, %select_n3A_280, %select_n3A_420 : vector<16xi1>, vector<16xf32>
        %select_n3A_426 = arith.select %gt3A_422, %select_n3A_281, %select_n3A_421 : vector<16xi1>, vector<16xi32>
        %gt3A_427 = arith.cmpf ogt, %select_n3A_425, %select_n3A_285 : vector<16xf32>
        %select_n3A_428 = arith.select %gt3A_427, %select_n3A_425, %select_n3A_285 : vector<16xi1>, vector<16xf32>
        %select_n3A_429 = arith.select %gt3A_427, %select_n3A_426, %select_n3A_286 : vector<16xi1>, vector<16xi32>
        %select_n3A_430 = arith.select %gt3A_427, %select_n3A_285, %select_n3A_425 : vector<16xi1>, vector<16xf32>
        %select_n3A_431 = arith.select %gt3A_427, %select_n3A_286, %select_n3A_426 : vector<16xi1>, vector<16xi32>
        %add3A_432 = arith.constant 16 : i32
        %add3A_433 = arith.addi %mul3A_26, %add3A_432 : i32
        %get3A_434 = arith.index_cast %scan3A_395 : i32 to index
        %get3A_435 = arith.index_cast %add3A_433 : i32 to index
        %get3A_436 = tpu.vector_load %arg6[%get3A_434, %get3A_435] {strides = array<i32>} : memref<256x128xf32, #tpu.memory_space<vmem>>, vector<16xf32>,
        %gt3A_437 = arith.cmpf ogt, %get3A_436, %select_n3A_295 : vector<16xf32>
        %select_n3A_438 = arith.select %gt3A_437, %get3A_436, %select_n3A_295 : vector<16xi1>, vector<16xf32>
        %select_n3A_439 = arith.select %gt3A_437, %broadcast_in_dim3A_396, %select_n3A_296 : vector<16xi1>, vector<16xi32>
        %select_n3A_440 = arith.select %gt3A_437, %select_n3A_295, %get3A_436 : vector<16xi1>, vector<16xf32>
        %select_n3A_441 = arith.select %gt3A_437, %select_n3A_296, %broadcast_in_dim3A_396 : vector<16xi1>, vector<16xi32>
        %gt3A_442 = arith.cmpf ogt, %select_n3A_440, %select_n3A_300 : vector<16xf32>
        %select_n3A_443 = arith.select %gt3A_442, %select_n3A_440, %select_n3A_300 : vector<16xi1>, vector<16xf32>
        %select_n3A_444 = arith.select %gt3A_442, %select_n3A_441, %select_n3A_301 : vector<16xi1>, vector<16xi32>
        %select_n3A_445 = arith.select %gt3A_442, %select_n3A_300, %select_n3A_440 : vector<16xi1>, vector<16xf32>
        %select_n3A_446 = arith.select %gt3A_442, %select_n3A_301, %select_n3A_441 : vector<16xi1>, vector<16xi32>
        %gt3A_447 = arith.cmpf ogt, %select_n3A_445, %select_n3A_305 : vector<16xf32>
        %select_n3A_448 = arith.select %gt3A_447, %select_n3A_445, %select_n3A_305 : vector<16xi1>, vector<16xf32>
        %select_n3A_449 = arith.select %gt3A_447, %select_n3A_446, %select_n3A_306 : vector<16xi1>, vector<16xi32>
        %select_n3A_450 = arith.select %gt3A_447, %select_n3A_305, %select_n3A_445 : vector<16xi1>, vector<16xf32>
        %select_n3A_451 = arith.select %gt3A_447, %select_n3A_306, %select_n3A_446 : vector<16xi1>, vector<16xi32>
        %gt3A_452 = arith.cmpf ogt, %select_n3A_450, %select_n3A_310 : vector<16xf32>
        %select_n3A_453 = arith.select %gt3A_452, %select_n3A_450, %select_n3A_310 : vector<16xi1>, vector<16xf32>
        %select_n3A_454 = arith.select %gt3A_452, %select_n3A_451, %select_n3A_311 : vector<16xi1>, vector<16xi32>
        %select_n3A_455 = arith.select %gt3A_452, %select_n3A_310, %select_n3A_450 : vector<16xi1>, vector<16xf32>
        %select_n3A_456 = arith.select %gt3A_452, %select_n3A_311, %select_n3A_451 : vector<16xi1>, vector<16xi32>
        %gt3A_457 = arith.cmpf ogt, %select_n3A_455, %select_n3A_315 : vector<16xf32>
        %select_n3A_458 = arith.select %gt3A_457, %select_n3A_455, %select_n3A_315 : vector<16xi1>, vector<16xf32>
        %select_n3A_459 = arith.select %gt3A_457, %select_n3A_456, %select_n3A_316 : vector<16xi1>, vector<16xi32>
        %select_n3A_460 = arith.select %gt3A_457, %select_n3A_315, %select_n3A_455 : vector<16xi1>, vector<16xf32>
        %select_n3A_461 = arith.select %gt3A_457, %select_n3A_316, %select_n3A_456 : vector<16xi1>, vector<16xi32>
        %gt3A_462 = arith.cmpf ogt, %select_n3A_460, %select_n3A_320 : vector<16xf32>
        %select_n3A_463 = arith.select %gt3A_462, %select_n3A_460, %select_n3A_320 : vector<16xi1>, vector<16xf32>
        %select_n3A_464 = arith.select %gt3A_462, %select_n3A_461, %select_n3A_321 : vector<16xi1>, vector<16xi32>
        %select_n3A_465 = arith.select %gt3A_462, %select_n3A_320, %select_n3A_460 : vector<16xi1>, vector<16xf32>
        %select_n3A_466 = arith.select %gt3A_462, %select_n3A_321, %select_n3A_461 : vector<16xi1>, vector<16xi32>
        %add3A_467 = arith.constant 32 : i32
        %add3A_468 = arith.addi %mul3A_26, %add3A_467 : i32
        %get3A_469 = arith.index_cast %scan3A_395 : i32 to index
        %get3A_470 = arith.index_cast %add3A_468 : i32 to index
        %get3A_471 = tpu.vector_load %arg6[%get3A_469, %get3A_470] {strides = array<i32>} : memref<256x128xf32, #tpu.memory_space<vmem>>, vector<16xf32>,
        %gt3A_472 = arith.cmpf ogt, %get3A_471, %select_n3A_330 : vector<16xf32>
        %select_n3A_473 = arith.select %gt3A_472, %get3A_471, %select_n3A_330 : vector<16xi1>, vector<16xf32>
        %select_n3A_474 = arith.select %gt3A_472, %broadcast_in_dim3A_396, %select_n3A_331 : vector<16xi1>, vector<16xi32>
        %select_n3A_475 = arith.select %gt3A_472, %select_n3A_330, %get3A_471 : vector<16xi1>, vector<16xf32>
        %select_n3A_476 = arith.select %gt3A_472, %select_n3A_331, %broadcast_in_dim3A_396 : vector<16xi1>, vector<16xi32>
        %gt3A_477 = arith.cmpf ogt, %select_n3A_475, %select_n3A_335 : vector<16xf32>
        %select_n3A_478 = arith.select %gt3A_477, %select_n3A_475, %select_n3A_335 : vector<16xi1>, vector<16xf32>
        %select_n3A_479 = arith.select %gt3A_477, %select_n3A_476, %select_n3A_336 : vector<16xi1>, vector<16xi32>
        %select_n3A_480 = arith.select %gt3A_477, %select_n3A_335, %select_n3A_475 : vector<16xi1>, vector<16xf32>
        %select_n3A_481 = arith.select %gt3A_477, %select_n3A_336, %select_n3A_476 : vector<16xi1>, vector<16xi32>
        %gt3A_482 = arith.cmpf ogt, %select_n3A_480, %select_n3A_340 : vector<16xf32>
        %select_n3A_483 = arith.select %gt3A_482, %select_n3A_480, %select_n3A_340 : vector<16xi1>, vector<16xf32>
        %select_n3A_484 = arith.select %gt3A_482, %select_n3A_481, %select_n3A_341 : vector<16xi1>, vector<16xi32>
        %select_n3A_485 = arith.select %gt3A_482, %select_n3A_340, %select_n3A_480 : vector<16xi1>, vector<16xf32>
        %select_n3A_486 = arith.select %gt3A_482, %select_n3A_341, %select_n3A_481 : vector<16xi1>, vector<16xi32>
        %gt3A_487 = arith.cmpf ogt, %select_n3A_485, %select_n3A_345 : vector<16xf32>
        %select_n3A_488 = arith.select %gt3A_487, %select_n3A_485, %select_n3A_345 : vector<16xi1>, vector<16xf32>
        %select_n3A_489 = arith.select %gt3A_487, %select_n3A_486, %select_n3A_346 : vector<16xi1>, vector<16xi32>
        %select_n3A_490 = arith.select %gt3A_487, %select_n3A_345, %select_n3A_485 : vector<16xi1>, vector<16xf32>
        %select_n3A_491 = arith.select %gt3A_487, %select_n3A_346, %select_n3A_486 : vector<16xi1>, vector<16xi32>
        %gt3A_492 = arith.cmpf ogt, %select_n3A_490, %select_n3A_350 : vector<16xf32>
        %select_n3A_493 = arith.select %gt3A_492, %select_n3A_490, %select_n3A_350 : vector<16xi1>, vector<16xf32>
        %select_n3A_494 = arith.select %gt3A_492, %select_n3A_491, %select_n3A_351 : vector<16xi1>, vector<16xi32>
        %select_n3A_495 = arith.select %gt3A_492, %select_n3A_350, %select_n3A_490 : vector<16xi1>, vector<16xf32>
        %select_n3A_496 = arith.select %gt3A_492, %select_n3A_351, %select_n3A_491 : vector<16xi1>, vector<16xi32>
        %gt3A_497 = arith.cmpf ogt, %select_n3A_495, %select_n3A_355 : vector<16xf32>
        %select_n3A_498 = arith.select %gt3A_497, %select_n3A_495, %select_n3A_355 : vector<16xi1>, vector<16xf32>
        %select_n3A_499 = arith.select %gt3A_497, %select_n3A_496, %select_n3A_356 : vector<16xi1>, vector<16xi32>
        %select_n3A_500 = arith.select %gt3A_497, %select_n3A_355, %select_n3A_495 : vector<16xi1>, vector<16xf32>
        %select_n3A_501 = arith.select %gt3A_497, %select_n3A_356, %select_n3A_496 : vector<16xi1>, vector<16xi32>
        %add3A_502 = arith.constant 48 : i32
        %add3A_503 = arith.addi %mul3A_26, %add3A_502 : i32
        %get3A_504 = arith.index_cast %scan3A_395 : i32 to index
        %get3A_505 = arith.index_cast %add3A_503 : i32 to index
        %get3A_506 = tpu.vector_load %arg6[%get3A_504, %get3A_505] {strides = array<i32>} : memref<256x128xf32, #tpu.memory_space<vmem>>, vector<16xf32>,
        %gt3A_507 = arith.cmpf ogt, %get3A_506, %select_n3A_365 : vector<16xf32>
        %select_n3A_508 = arith.select %gt3A_507, %get3A_506, %select_n3A_365 : vector<16xi1>, vector<16xf32>
        %select_n3A_509 = arith.select %gt3A_507, %broadcast_in_dim3A_396, %select_n3A_366 : vector<16xi1>, vector<16xi32>
        %select_n3A_510 = arith.select %gt3A_507, %select_n3A_365, %get3A_506 : vector<16xi1>, vector<16xf32>
        %select_n3A_511 = arith.select %gt3A_507, %select_n3A_366, %broadcast_in_dim3A_396 : vector<16xi1>, vector<16xi32>
        %gt3A_512 = arith.cmpf ogt, %select_n3A_510, %select_n3A_370 : vector<16xf32>
        %select_n3A_513 = arith.select %gt3A_512, %select_n3A_510, %select_n3A_370 : vector<16xi1>, vector<16xf32>
        %select_n3A_514 = arith.select %gt3A_512, %select_n3A_511, %select_n3A_371 : vector<16xi1>, vector<16xi32>
        %select_n3A_515 = arith.select %gt3A_512, %select_n3A_370, %select_n3A_510 : vector<16xi1>, vector<16xf32>
        %select_n3A_516 = arith.select %gt3A_512, %select_n3A_371, %select_n3A_511 : vector<16xi1>, vector<16xi32>
        %gt3A_517 = arith.cmpf ogt, %select_n3A_515, %select_n3A_375 : vector<16xf32>
        %select_n3A_518 = arith.select %gt3A_517, %select_n3A_515, %select_n3A_375 : vector<16xi1>, vector<16xf32>
        %select_n3A_519 = arith.select %gt3A_517, %select_n3A_516, %select_n3A_376 : vector<16xi1>, vector<16xi32>
        %select_n3A_520 = arith.select %gt3A_517, %select_n3A_375, %select_n3A_515 : vector<16xi1>, vector<16xf32>
        %select_n3A_521 = arith.select %gt3A_517, %select_n3A_376, %select_n3A_516 : vector<16xi1>, vector<16xi32>
        %gt3A_522 = arith.cmpf ogt, %select_n3A_520, %select_n3A_380 : vector<16xf32>
        %select_n3A_523 = arith.select %gt3A_522, %select_n3A_520, %select_n3A_380 : vector<16xi1>, vector<16xf32>
        %select_n3A_524 = arith.select %gt3A_522, %select_n3A_521, %select_n3A_381 : vector<16xi1>, vector<16xi32>
        %select_n3A_525 = arith.select %gt3A_522, %select_n3A_380, %select_n3A_520 : vector<16xi1>, vector<16xf32>
        %select_n3A_526 = arith.select %gt3A_522, %select_n3A_381, %select_n3A_521 : vector<16xi1>, vector<16xi32>
        %gt3A_527 = arith.cmpf ogt, %select_n3A_525, %select_n3A_385 : vector<16xf32>
        %select_n3A_528 = arith.select %gt3A_527, %select_n3A_525, %select_n3A_385 : vector<16xi1>, vector<16xf32>
        %select_n3A_529 = arith.select %gt3A_527, %select_n3A_526, %select_n3A_386 : vector<16xi1>, vector<16xi32>
        %select_n3A_530 = arith.select %gt3A_527, %select_n3A_385, %select_n3A_525 : vector<16xi1>, vector<16xf32>
        %select_n3A_531 = arith.select %gt3A_527, %select_n3A_386, %select_n3A_526 : vector<16xi1>, vector<16xi32>
        %gt3A_532 = arith.cmpf ogt, %select_n3A_530, %select_n3A_390 : vector<16xf32>
        %select_n3A_533 = arith.select %gt3A_532, %select_n3A_530, %select_n3A_390 : vector<16xi1>, vector<16xf32>
        %select_n3A_534 = arith.select %gt3A_532, %select_n3A_531, %select_n3A_391 : vector<16xi1>, vector<16xi32>
        %select_n3A_535 = arith.select %gt3A_532, %select_n3A_390, %select_n3A_530 : vector<16xi1>, vector<16xf32>
        %select_n3A_536 = arith.select %gt3A_532, %select_n3A_391, %select_n3A_531 : vector<16xi1>, vector<16xi32>
        %scan3A_537 = arith.constant 2 : i32
        %scan3A_538 = arith.addi %scan3A_207, %scan3A_537 : i32
        %broadcast_in_dim3A_539 = vector.broadcast %scan3A_538 : i32 to vector<16xi32>
        %add3A_540 = arith.constant 0 : i32
        %add3A_541 = arith.addi %mul3A_26, %add3A_540 : i32
        %get3A_542 = arith.index_cast %scan3A_538 : i32 to index
        %get3A_543 = arith.index_cast %add3A_541 : i32 to index
        %get3A_544 = tpu.vector_load %arg6[%get3A_542, %get3A_543] {strides = array<i32>} : memref<256x128xf32, #tpu.memory_space<vmem>>, vector<16xf32>,
        %gt3A_545 = arith.cmpf ogt, %get3A_544, %select_n3A_403 : vector<16xf32>
        %select_n3A_546 = arith.select %gt3A_545, %get3A_544, %select_n3A_403 : vector<16xi1>, vector<16xf32>
        %select_n3A_547 = arith.select %gt3A_545, %broadcast_in_dim3A_539, %select_n3A_404 : vector<16xi1>, vector<16xi32>
        %select_n3A_548 = arith.select %gt3A_545, %select_n3A_403, %get3A_544 : vector<16xi1>, vector<16xf32>
        %select_n3A_549 = arith.select %gt3A_545, %select_n3A_404, %broadcast_in_dim3A_539 : vector<16xi1>, vector<16xi32>
        %gt3A_550 = arith.cmpf ogt, %select_n3A_548, %select_n3A_408 : vector<16xf32>
        %select_n3A_551 = arith.select %gt3A_550, %select_n3A_548, %select_n3A_408 : vector<16xi1>, vector<16xf32>
        %select_n3A_552 = arith.select %gt3A_550, %select_n3A_549, %select_n3A_409 : vector<16xi1>, vector<16xi32>
        %select_n3A_553 = arith.select %gt3A_550, %select_n3A_408, %select_n3A_548 : vector<16xi1>, vector<16xf32>
        %select_n3A_554 = arith.select %gt3A_550, %select_n3A_409, %select_n3A_549 : vector<16xi1>, vector<16xi32>
        %gt3A_555 = arith.cmpf ogt, %select_n3A_553, %select_n3A_413 : vector<16xf32>
        %select_n3A_556 = arith.select %gt3A_555, %select_n3A_553, %select_n3A_413 : vector<16xi1>, vector<16xf32>
        %select_n3A_557 = arith.select %gt3A_555, %select_n3A_554, %select_n3A_414 : vector<16xi1>, vector<16xi32>
        %select_n3A_558 = arith.select %gt3A_555, %select_n3A_413, %select_n3A_553 : vector<16xi1>, vector<16xf32>
        %select_n3A_559 = arith.select %gt3A_555, %select_n3A_414, %select_n3A_554 : vector<16xi1>, vector<16xi32>
        %gt3A_560 = arith.cmpf ogt, %select_n3A_558, %select_n3A_418 : vector<16xf32>
        %select_n3A_561 = arith.select %gt3A_560, %select_n3A_558, %select_n3A_418 : vector<16xi1>, vector<16xf32>
        %select_n3A_562 = arith.select %gt3A_560, %select_n3A_559, %select_n3A_419 : vector<16xi1>, vector<16xi32>
        %select_n3A_563 = arith.select %gt3A_560, %select_n3A_418, %select_n3A_558 : vector<16xi1>, vector<16xf32>
        %select_n3A_564 = arith.select %gt3A_560, %select_n3A_419, %select_n3A_559 : vector<16xi1>, vector<16xi32>
        %gt3A_565 = arith.cmpf ogt, %select_n3A_563, %select_n3A_423 : vector<16xf32>
        %select_n3A_566 = arith.select %gt3A_565, %select_n3A_563, %select_n3A_423 : vector<16xi1>, vector<16xf32>
        %select_n3A_567 = arith.select %gt3A_565, %select_n3A_564, %select_n3A_424 : vector<16xi1>, vector<16xi32>
        %select_n3A_568 = arith.select %gt3A_565, %select_n3A_423, %select_n3A_563 : vector<16xi1>, vector<16xf32>
        %select_n3A_569 = arith.select %gt3A_565, %select_n3A_424, %select_n3A_564 : vector<16xi1>, vector<16xi32>
        %gt3A_570 = arith.cmpf ogt, %select_n3A_568, %select_n3A_428 : vector<16xf32>
        %select_n3A_571 = arith.select %gt3A_570, %select_n3A_568, %select_n3A_428 : vector<16xi1>, vector<16xf32>
        %select_n3A_572 = arith.select %gt3A_570, %select_n3A_569, %select_n3A_429 : vector<16xi1>, vector<16xi32>
        %select_n3A_573 = arith.select %gt3A_570, %select_n3A_428, %select_n3A_568 : vector<16xi1>, vector<16xf32>
        %select_n3A_574 = arith.select %gt3A_570, %select_n3A_429, %select_n3A_569 : vector<16xi1>, vector<16xi32>
        %add3A_575 = arith.constant 16 : i32
        %add3A_576 = arith.addi %mul3A_26, %add3A_575 : i32
        %get3A_577 = arith.index_cast %scan3A_538 : i32 to index
        %get3A_578 = arith.index_cast %add3A_576 : i32 to index
        %get3A_579 = tpu.vector_load %arg6[%get3A_577, %get3A_578] {strides = array<i32>} : memref<256x128xf32, #tpu.memory_space<vmem>>, vector<16xf32>,
        %gt3A_580 = arith.cmpf ogt, %get3A_579, %select_n3A_438 : vector<16xf32>
        %select_n3A_581 = arith.select %gt3A_580, %get3A_579, %select_n3A_438 : vector<16xi1>, vector<16xf32>
        %select_n3A_582 = arith.select %gt3A_580, %broadcast_in_dim3A_539, %select_n3A_439 : vector<16xi1>, vector<16xi32>
        %select_n3A_583 = arith.select %gt3A_580, %select_n3A_438, %get3A_579 : vector<16xi1>, vector<16xf32>
        %select_n3A_584 = arith.select %gt3A_580, %select_n3A_439, %broadcast_in_dim3A_539 : vector<16xi1>, vector<16xi32>
        %gt3A_585 = arith.cmpf ogt, %select_n3A_583, %select_n3A_443 : vector<16xf32>
        %select_n3A_586 = arith.select %gt3A_585, %select_n3A_583, %select_n3A_443 : vector<16xi1>, vector<16xf32>
        %select_n3A_587 = arith.select %gt3A_585, %select_n3A_584, %select_n3A_444 : vector<16xi1>, vector<16xi32>
        %select_n3A_588 = arith.select %gt3A_585, %select_n3A_443, %select_n3A_583 : vector<16xi1>, vector<16xf32>
        %select_n3A_589 = arith.select %gt3A_585, %select_n3A_444, %select_n3A_584 : vector<16xi1>, vector<16xi32>
        %gt3A_590 = arith.cmpf ogt, %select_n3A_588, %select_n3A_448 : vector<16xf32>
        %select_n3A_591 = arith.select %gt3A_590, %select_n3A_588, %select_n3A_448 : vector<16xi1>, vector<16xf32>
        %select_n3A_592 = arith.select %gt3A_590, %select_n3A_589, %select_n3A_449 : vector<16xi1>, vector<16xi32>
        %select_n3A_593 = arith.select %gt3A_590, %select_n3A_448, %select_n3A_588 : vector<16xi1>, vector<16xf32>
        %select_n3A_594 = arith.select %gt3A_590, %select_n3A_449, %select_n3A_589 : vector<16xi1>, vector<16xi32>
        %gt3A_595 = arith.cmpf ogt, %select_n3A_593, %select_n3A_453 : vector<16xf32>
        %select_n3A_596 = arith.select %gt3A_595, %select_n3A_593, %select_n3A_453 : vector<16xi1>, vector<16xf32>
        %select_n3A_597 = arith.select %gt3A_595, %select_n3A_594, %select_n3A_454 : vector<16xi1>, vector<16xi32>
        %select_n3A_598 = arith.select %gt3A_595, %select_n3A_453, %select_n3A_593 : vector<16xi1>, vector<16xf32>
        %select_n3A_599 = arith.select %gt3A_595, %select_n3A_454, %select_n3A_594 : vector<16xi1>, vector<16xi32>
        %gt3A_600 = arith.cmpf ogt, %select_n3A_598, %select_n3A_458 : vector<16xf32>
        %select_n3A_601 = arith.select %gt3A_600, %select_n3A_598, %select_n3A_458 : vector<16xi1>, vector<16xf32>
        %select_n3A_602 = arith.select %gt3A_600, %select_n3A_599, %select_n3A_459 : vector<16xi1>, vector<16xi32>
        %select_n3A_603 = arith.select %gt3A_600, %select_n3A_458, %select_n3A_598 : vector<16xi1>, vector<16xf32>
        %select_n3A_604 = arith.select %gt3A_600, %select_n3A_459, %select_n3A_599 : vector<16xi1>, vector<16xi32>
        %gt3A_605 = arith.cmpf ogt, %select_n3A_603, %select_n3A_463 : vector<16xf32>
        %select_n3A_606 = arith.select %gt3A_605, %select_n3A_603, %select_n3A_463 : vector<16xi1>, vector<16xf32>
        %select_n3A_607 = arith.select %gt3A_605, %select_n3A_604, %select_n3A_464 : vector<16xi1>, vector<16xi32>
        %select_n3A_608 = arith.select %gt3A_605, %select_n3A_463, %select_n3A_603 : vector<16xi1>, vector<16xf32>
        %select_n3A_609 = arith.select %gt3A_605, %select_n3A_464, %select_n3A_604 : vector<16xi1>, vector<16xi32>
        %add3A_610 = arith.constant 32 : i32
        %add3A_611 = arith.addi %mul3A_26, %add3A_610 : i32
        %get3A_612 = arith.index_cast %scan3A_538 : i32 to index
        %get3A_613 = arith.index_cast %add3A_611 : i32 to index
        %get3A_614 = tpu.vector_load %arg6[%get3A_612, %get3A_613] {strides = array<i32>} : memref<256x128xf32, #tpu.memory_space<vmem>>, vector<16xf32>,
        %gt3A_615 = arith.cmpf ogt, %get3A_614, %select_n3A_473 : vector<16xf32>
        %select_n3A_616 = arith.select %gt3A_615, %get3A_614, %select_n3A_473 : vector<16xi1>, vector<16xf32>
        %select_n3A_617 = arith.select %gt3A_615, %broadcast_in_dim3A_539, %select_n3A_474 : vector<16xi1>, vector<16xi32>
        %select_n3A_618 = arith.select %gt3A_615, %select_n3A_473, %get3A_614 : vector<16xi1>, vector<16xf32>
        %select_n3A_619 = arith.select %gt3A_615, %select_n3A_474, %broadcast_in_dim3A_539 : vector<16xi1>, vector<16xi32>
        %gt3A_620 = arith.cmpf ogt, %select_n3A_618, %select_n3A_478 : vector<16xf32>
        %select_n3A_621 = arith.select %gt3A_620, %select_n3A_618, %select_n3A_478 : vector<16xi1>, vector<16xf32>
        %select_n3A_622 = arith.select %gt3A_620, %select_n3A_619, %select_n3A_479 : vector<16xi1>, vector<16xi32>
        %select_n3A_623 = arith.select %gt3A_620, %select_n3A_478, %select_n3A_618 : vector<16xi1>, vector<16xf32>
        %select_n3A_624 = arith.select %gt3A_620, %select_n3A_479, %select_n3A_619 : vector<16xi1>, vector<16xi32>
        %gt3A_625 = arith.cmpf ogt, %select_n3A_623, %select_n3A_483 : vector<16xf32>
        %select_n3A_626 = arith.select %gt3A_625, %select_n3A_623, %select_n3A_483 : vector<16xi1>, vector<16xf32>
        %select_n3A_627 = arith.select %gt3A_625, %select_n3A_624, %select_n3A_484 : vector<16xi1>, vector<16xi32>
        %select_n3A_628 = arith.select %gt3A_625, %select_n3A_483, %select_n3A_623 : vector<16xi1>, vector<16xf32>
        %select_n3A_629 = arith.select %gt3A_625, %select_n3A_484, %select_n3A_624 : vector<16xi1>, vector<16xi32>
        %gt3A_630 = arith.cmpf ogt, %select_n3A_628, %select_n3A_488 : vector<16xf32>
        %select_n3A_631 = arith.select %gt3A_630, %select_n3A_628, %select_n3A_488 : vector<16xi1>, vector<16xf32>
        %select_n3A_632 = arith.select %gt3A_630, %select_n3A_629, %select_n3A_489 : vector<16xi1>, vector<16xi32>
        %select_n3A_633 = arith.select %gt3A_630, %select_n3A_488, %select_n3A_628 : vector<16xi1>, vector<16xf32>
        %select_n3A_634 = arith.select %gt3A_630, %select_n3A_489, %select_n3A_629 : vector<16xi1>, vector<16xi32>
        %gt3A_635 = arith.cmpf ogt, %select_n3A_633, %select_n3A_493 : vector<16xf32>
        %select_n3A_636 = arith.select %gt3A_635, %select_n3A_633, %select_n3A_493 : vector<16xi1>, vector<16xf32>
        %select_n3A_637 = arith.select %gt3A_635, %select_n3A_634, %select_n3A_494 : vector<16xi1>, vector<16xi32>
        %select_n3A_638 = arith.select %gt3A_635, %select_n3A_493, %select_n3A_633 : vector<16xi1>, vector<16xf32>
        %select_n3A_639 = arith.select %gt3A_635, %select_n3A_494, %select_n3A_634 : vector<16xi1>, vector<16xi32>
        %gt3A_640 = arith.cmpf ogt, %select_n3A_638, %select_n3A_498 : vector<16xf32>
        %select_n3A_641 = arith.select %gt3A_640, %select_n3A_638, %select_n3A_498 : vector<16xi1>, vector<16xf32>
        %select_n3A_642 = arith.select %gt3A_640, %select_n3A_639, %select_n3A_499 : vector<16xi1>, vector<16xi32>
        %select_n3A_643 = arith.select %gt3A_640, %select_n3A_498, %select_n3A_638 : vector<16xi1>, vector<16xf32>
        %select_n3A_644 = arith.select %gt3A_640, %select_n3A_499, %select_n3A_639 : vector<16xi1>, vector<16xi32>
        %add3A_645 = arith.constant 48 : i32
        %add3A_646 = arith.addi %mul3A_26, %add3A_645 : i32
        %get3A_647 = arith.index_cast %scan3A_538 : i32 to index
        %get3A_648 = arith.index_cast %add3A_646 : i32 to index
        %get3A_649 = tpu.vector_load %arg6[%get3A_647, %get3A_648] {strides = array<i32>} : memref<256x128xf32, #tpu.memory_space<vmem>>, vector<16xf32>,
        %gt3A_650 = arith.cmpf ogt, %get3A_649, %select_n3A_508 : vector<16xf32>
        %select_n3A_651 = arith.select %gt3A_650, %get3A_649, %select_n3A_508 : vector<16xi1>, vector<16xf32>
        %select_n3A_652 = arith.select %gt3A_650, %broadcast_in_dim3A_539, %select_n3A_509 : vector<16xi1>, vector<16xi32>
        %select_n3A_653 = arith.select %gt3A_650, %select_n3A_508, %get3A_649 : vector<16xi1>, vector<16xf32>
        %select_n3A_654 = arith.select %gt3A_650, %select_n3A_509, %broadcast_in_dim3A_539 : vector<16xi1>, vector<16xi32>
        %gt3A_655 = arith.cmpf ogt, %select_n3A_653, %select_n3A_513 : vector<16xf32>
        %select_n3A_656 = arith.select %gt3A_655, %select_n3A_653, %select_n3A_513 : vector<16xi1>, vector<16xf32>
        %select_n3A_657 = arith.select %gt3A_655, %select_n3A_654, %select_n3A_514 : vector<16xi1>, vector<16xi32>
        %select_n3A_658 = arith.select %gt3A_655, %select_n3A_513, %select_n3A_653 : vector<16xi1>, vector<16xf32>
        %select_n3A_659 = arith.select %gt3A_655, %select_n3A_514, %select_n3A_654 : vector<16xi1>, vector<16xi32>
        %gt3A_660 = arith.cmpf ogt, %select_n3A_658, %select_n3A_518 : vector<16xf32>
        %select_n3A_661 = arith.select %gt3A_660, %select_n3A_658, %select_n3A_518 : vector<16xi1>, vector<16xf32>
        %select_n3A_662 = arith.select %gt3A_660, %select_n3A_659, %select_n3A_519 : vector<16xi1>, vector<16xi32>
        %select_n3A_663 = arith.select %gt3A_660, %select_n3A_518, %select_n3A_658 : vector<16xi1>, vector<16xf32>
        %select_n3A_664 = arith.select %gt3A_660, %select_n3A_519, %select_n3A_659 : vector<16xi1>, vector<16xi32>
        %gt3A_665 = arith.cmpf ogt, %select_n3A_663, %select_n3A_523 : vector<16xf32>
        %select_n3A_666 = arith.select %gt3A_665, %select_n3A_663, %select_n3A_523 : vector<16xi1>, vector<16xf32>
        %select_n3A_667 = arith.select %gt3A_665, %select_n3A_664, %select_n3A_524 : vector<16xi1>, vector<16xi32>
        %select_n3A_668 = arith.select %gt3A_665, %select_n3A_523, %select_n3A_663 : vector<16xi1>, vector<16xf32>
        %select_n3A_669 = arith.select %gt3A_665, %select_n3A_524, %select_n3A_664 : vector<16xi1>, vector<16xi32>
        %gt3A_670 = arith.cmpf ogt, %select_n3A_668, %select_n3A_528 : vector<16xf32>
        %select_n3A_671 = arith.select %gt3A_670, %select_n3A_668, %select_n3A_528 : vector<16xi1>, vector<16xf32>
        %select_n3A_672 = arith.select %gt3A_670, %select_n3A_669, %select_n3A_529 : vector<16xi1>, vector<16xi32>
        %select_n3A_673 = arith.select %gt3A_670, %select_n3A_528, %select_n3A_668 : vector<16xi1>, vector<16xf32>
        %select_n3A_674 = arith.select %gt3A_670, %select_n3A_529, %select_n3A_669 : vector<16xi1>, vector<16xi32>
        %gt3A_675 = arith.cmpf ogt, %select_n3A_673, %select_n3A_533 : vector<16xf32>
        %select_n3A_676 = arith.select %gt3A_675, %select_n3A_673, %select_n3A_533 : vector<16xi1>, vector<16xf32>
        %select_n3A_677 = arith.select %gt3A_675, %select_n3A_674, %select_n3A_534 : vector<16xi1>, vector<16xi32>
        %select_n3A_678 = arith.select %gt3A_675, %select_n3A_533, %select_n3A_673 : vector<16xi1>, vector<16xf32>
        %select_n3A_679 = arith.select %gt3A_675, %select_n3A_534, %select_n3A_674 : vector<16xi1>, vector<16xi32>
        %scan3A_680 = arith.constant 3 : i32
        %scan3A_681 = arith.addi %scan3A_207, %scan3A_680 : i32
        %broadcast_in_dim3A_682 = vector.broadcast %scan3A_681 : i32 to vector<16xi32>
        %add3A_683 = arith.constant 0 : i32
        %add3A_684 = arith.addi %mul3A_26, %add3A_683 : i32
        %get3A_685 = arith.index_cast %scan3A_681 : i32 to index
        %get3A_686 = arith.index_cast %add3A_684 : i32 to index
        %get3A_687 = tpu.vector_load %arg6[%get3A_685, %get3A_686] {strides = array<i32>} : memref<256x128xf32, #tpu.memory_space<vmem>>, vector<16xf32>,
        %gt3A_688 = arith.cmpf ogt, %get3A_687, %select_n3A_546 : vector<16xf32>
        %select_n3A_689 = arith.select %gt3A_688, %get3A_687, %select_n3A_546 : vector<16xi1>, vector<16xf32>
        %select_n3A_690 = arith.select %gt3A_688, %broadcast_in_dim3A_682, %select_n3A_547 : vector<16xi1>, vector<16xi32>
        %select_n3A_691 = arith.select %gt3A_688, %select_n3A_546, %get3A_687 : vector<16xi1>, vector<16xf32>
        %select_n3A_692 = arith.select %gt3A_688, %select_n3A_547, %broadcast_in_dim3A_682 : vector<16xi1>, vector<16xi32>
        %gt3A_693 = arith.cmpf ogt, %select_n3A_691, %select_n3A_551 : vector<16xf32>
        %select_n3A_694 = arith.select %gt3A_693, %select_n3A_691, %select_n3A_551 : vector<16xi1>, vector<16xf32>
        %select_n3A_695 = arith.select %gt3A_693, %select_n3A_692, %select_n3A_552 : vector<16xi1>, vector<16xi32>
        %select_n3A_696 = arith.select %gt3A_693, %select_n3A_551, %select_n3A_691 : vector<16xi1>, vector<16xf32>
        %select_n3A_697 = arith.select %gt3A_693, %select_n3A_552, %select_n3A_692 : vector<16xi1>, vector<16xi32>
        %gt3A_698 = arith.cmpf ogt, %select_n3A_696, %select_n3A_556 : vector<16xf32>
        %select_n3A_699 = arith.select %gt3A_698, %select_n3A_696, %select_n3A_556 : vector<16xi1>, vector<16xf32>
        %select_n3A_700 = arith.select %gt3A_698, %select_n3A_697, %select_n3A_557 : vector<16xi1>, vector<16xi32>
        %select_n3A_701 = arith.select %gt3A_698, %select_n3A_556, %select_n3A_696 : vector<16xi1>, vector<16xf32>
        %select_n3A_702 = arith.select %gt3A_698, %select_n3A_557, %select_n3A_697 : vector<16xi1>, vector<16xi32>
        %gt3A_703 = arith.cmpf ogt, %select_n3A_701, %select_n3A_561 : vector<16xf32>
        %select_n3A_704 = arith.select %gt3A_703, %select_n3A_701, %select_n3A_561 : vector<16xi1>, vector<16xf32>
        %select_n3A_705 = arith.select %gt3A_703, %select_n3A_702, %select_n3A_562 : vector<16xi1>, vector<16xi32>
        %select_n3A_706 = arith.select %gt3A_703, %select_n3A_561, %select_n3A_701 : vector<16xi1>, vector<16xf32>
        %select_n3A_707 = arith.select %gt3A_703, %select_n3A_562, %select_n3A_702 : vector<16xi1>, vector<16xi32>
        %gt3A_708 = arith.cmpf ogt, %select_n3A_706, %select_n3A_566 : vector<16xf32>
        %select_n3A_709 = arith.select %gt3A_708, %select_n3A_706, %select_n3A_566 : vector<16xi1>, vector<16xf32>
        %select_n3A_710 = arith.select %gt3A_708, %select_n3A_707, %select_n3A_567 : vector<16xi1>, vector<16xi32>
        %select_n3A_711 = arith.select %gt3A_708, %select_n3A_566, %select_n3A_706 : vector<16xi1>, vector<16xf32>
        %select_n3A_712 = arith.select %gt3A_708, %select_n3A_567, %select_n3A_707 : vector<16xi1>, vector<16xi32>
        %gt3A_713 = arith.cmpf ogt, %select_n3A_711, %select_n3A_571 : vector<16xf32>
        %select_n3A_714 = arith.select %gt3A_713, %select_n3A_711, %select_n3A_571 : vector<16xi1>, vector<16xf32>
        %select_n3A_715 = arith.select %gt3A_713, %select_n3A_712, %select_n3A_572 : vector<16xi1>, vector<16xi32>
        %select_n3A_716 = arith.select %gt3A_713, %select_n3A_571, %select_n3A_711 : vector<16xi1>, vector<16xf32>
        %select_n3A_717 = arith.select %gt3A_713, %select_n3A_572, %select_n3A_712 : vector<16xi1>, vector<16xi32>
        %add3A_718 = arith.constant 16 : i32
        %add3A_719 = arith.addi %mul3A_26, %add3A_718 : i32
        %get3A_720 = arith.index_cast %scan3A_681 : i32 to index
        %get3A_721 = arith.index_cast %add3A_719 : i32 to index
        %get3A_722 = tpu.vector_load %arg6[%get3A_720, %get3A_721] {strides = array<i32>} : memref<256x128xf32, #tpu.memory_space<vmem>>, vector<16xf32>,
        %gt3A_723 = arith.cmpf ogt, %get3A_722, %select_n3A_581 : vector<16xf32>
        %select_n3A_724 = arith.select %gt3A_723, %get3A_722, %select_n3A_581 : vector<16xi1>, vector<16xf32>
        %select_n3A_725 = arith.select %gt3A_723, %broadcast_in_dim3A_682, %select_n3A_582 : vector<16xi1>, vector<16xi32>
        %select_n3A_726 = arith.select %gt3A_723, %select_n3A_581, %get3A_722 : vector<16xi1>, vector<16xf32>
        %select_n3A_727 = arith.select %gt3A_723, %select_n3A_582, %broadcast_in_dim3A_682 : vector<16xi1>, vector<16xi32>
        %gt3A_728 = arith.cmpf ogt, %select_n3A_726, %select_n3A_586 : vector<16xf32>
        %select_n3A_729 = arith.select %gt3A_728, %select_n3A_726, %select_n3A_586 : vector<16xi1>, vector<16xf32>
        %select_n3A_730 = arith.select %gt3A_728, %select_n3A_727, %select_n3A_587 : vector<16xi1>, vector<16xi32>
        %select_n3A_731 = arith.select %gt3A_728, %select_n3A_586, %select_n3A_726 : vector<16xi1>, vector<16xf32>
        %select_n3A_732 = arith.select %gt3A_728, %select_n3A_587, %select_n3A_727 : vector<16xi1>, vector<16xi32>
        %gt3A_733 = arith.cmpf ogt, %select_n3A_731, %select_n3A_591 : vector<16xf32>
        %select_n3A_734 = arith.select %gt3A_733, %select_n3A_731, %select_n3A_591 : vector<16xi1>, vector<16xf32>
        %select_n3A_735 = arith.select %gt3A_733, %select_n3A_732, %select_n3A_592 : vector<16xi1>, vector<16xi32>
        %select_n3A_736 = arith.select %gt3A_733, %select_n3A_591, %select_n3A_731 : vector<16xi1>, vector<16xf32>
        %select_n3A_737 = arith.select %gt3A_733, %select_n3A_592, %select_n3A_732 : vector<16xi1>, vector<16xi32>
        %gt3A_738 = arith.cmpf ogt, %select_n3A_736, %select_n3A_596 : vector<16xf32>
        %select_n3A_739 = arith.select %gt3A_738, %select_n3A_736, %select_n3A_596 : vector<16xi1>, vector<16xf32>
        %select_n3A_740 = arith.select %gt3A_738, %select_n3A_737, %select_n3A_597 : vector<16xi1>, vector<16xi32>
        %select_n3A_741 = arith.select %gt3A_738, %select_n3A_596, %select_n3A_736 : vector<16xi1>, vector<16xf32>
        %select_n3A_742 = arith.select %gt3A_738, %select_n3A_597, %select_n3A_737 : vector<16xi1>, vector<16xi32>
        %gt3A_743 = arith.cmpf ogt, %select_n3A_741, %select_n3A_601 : vector<16xf32>
        %select_n3A_744 = arith.select %gt3A_743, %select_n3A_741, %select_n3A_601 : vector<16xi1>, vector<16xf32>
        %select_n3A_745 = arith.select %gt3A_743, %select_n3A_742, %select_n3A_602 : vector<16xi1>, vector<16xi32>
        %select_n3A_746 = arith.select %gt3A_743, %select_n3A_601, %select_n3A_741 : vector<16xi1>, vector<16xf32>
        %select_n3A_747 = arith.select %gt3A_743, %select_n3A_602, %select_n3A_742 : vector<16xi1>, vector<16xi32>
        %gt3A_748 = arith.cmpf ogt, %select_n3A_746, %select_n3A_606 : vector<16xf32>
        %select_n3A_749 = arith.select %gt3A_748, %select_n3A_746, %select_n3A_606 : vector<16xi1>, vector<16xf32>
        %select_n3A_750 = arith.select %gt3A_748, %select_n3A_747, %select_n3A_607 : vector<16xi1>, vector<16xi32>
        %select_n3A_751 = arith.select %gt3A_748, %select_n3A_606, %select_n3A_746 : vector<16xi1>, vector<16xf32>
        %select_n3A_752 = arith.select %gt3A_748, %select_n3A_607, %select_n3A_747 : vector<16xi1>, vector<16xi32>
        %add3A_753 = arith.constant 32 : i32
        %add3A_754 = arith.addi %mul3A_26, %add3A_753 : i32
        %get3A_755 = arith.index_cast %scan3A_681 : i32 to index
        %get3A_756 = arith.index_cast %add3A_754 : i32 to index
        %get3A_757 = tpu.vector_load %arg6[%get3A_755, %get3A_756] {strides = array<i32>} : memref<256x128xf32, #tpu.memory_space<vmem>>, vector<16xf32>,
        %gt3A_758 = arith.cmpf ogt, %get3A_757, %select_n3A_616 : vector<16xf32>
        %select_n3A_759 = arith.select %gt3A_758, %get3A_757, %select_n3A_616 : vector<16xi1>, vector<16xf32>
        %select_n3A_760 = arith.select %gt3A_758, %broadcast_in_dim3A_682, %select_n3A_617 : vector<16xi1>, vector<16xi32>
        %select_n3A_761 = arith.select %gt3A_758, %select_n3A_616, %get3A_757 : vector<16xi1>, vector<16xf32>
        %select_n3A_762 = arith.select %gt3A_758, %select_n3A_617, %broadcast_in_dim3A_682 : vector<16xi1>, vector<16xi32>
        %gt3A_763 = arith.cmpf ogt, %select_n3A_761, %select_n3A_621 : vector<16xf32>
        %select_n3A_764 = arith.select %gt3A_763, %select_n3A_761, %select_n3A_621 : vector<16xi1>, vector<16xf32>
        %select_n3A_765 = arith.select %gt3A_763, %select_n3A_762, %select_n3A_622 : vector<16xi1>, vector<16xi32>
        %select_n3A_766 = arith.select %gt3A_763, %select_n3A_621, %select_n3A_761 : vector<16xi1>, vector<16xf32>
        %select_n3A_767 = arith.select %gt3A_763, %select_n3A_622, %select_n3A_762 : vector<16xi1>, vector<16xi32>
        %gt3A_768 = arith.cmpf ogt, %select_n3A_766, %select_n3A_626 : vector<16xf32>
        %select_n3A_769 = arith.select %gt3A_768, %select_n3A_766, %select_n3A_626 : vector<16xi1>, vector<16xf32>
        %select_n3A_770 = arith.select %gt3A_768, %select_n3A_767, %select_n3A_627 : vector<16xi1>, vector<16xi32>
        %select_n3A_771 = arith.select %gt3A_768, %select_n3A_626, %select_n3A_766 : vector<16xi1>, vector<16xf32>
        %select_n3A_772 = arith.select %gt3A_768, %select_n3A_627, %select_n3A_767 : vector<16xi1>, vector<16xi32>
        %gt3A_773 = arith.cmpf ogt, %select_n3A_771, %select_n3A_631 : vector<16xf32>
        %select_n3A_774 = arith.select %gt3A_773, %select_n3A_771, %select_n3A_631 : vector<16xi1>, vector<16xf32>
        %select_n3A_775 = arith.select %gt3A_773, %select_n3A_772, %select_n3A_632 : vector<16xi1>, vector<16xi32>
        %select_n3A_776 = arith.select %gt3A_773, %select_n3A_631, %select_n3A_771 : vector<16xi1>, vector<16xf32>
        %select_n3A_777 = arith.select %gt3A_773, %select_n3A_632, %select_n3A_772 : vector<16xi1>, vector<16xi32>
        %gt3A_778 = arith.cmpf ogt, %select_n3A_776, %select_n3A_636 : vector<16xf32>
        %select_n3A_779 = arith.select %gt3A_778, %select_n3A_776, %select_n3A_636 : vector<16xi1>, vector<16xf32>
        %select_n3A_780 = arith.select %gt3A_778, %select_n3A_777, %select_n3A_637 : vector<16xi1>, vector<16xi32>
        %select_n3A_781 = arith.select %gt3A_778, %select_n3A_636, %select_n3A_776 : vector<16xi1>, vector<16xf32>
        %select_n3A_782 = arith.select %gt3A_778, %select_n3A_637, %select_n3A_777 : vector<16xi1>, vector<16xi32>
        %gt3A_783 = arith.cmpf ogt, %select_n3A_781, %select_n3A_641 : vector<16xf32>
        %select_n3A_784 = arith.select %gt3A_783, %select_n3A_781, %select_n3A_641 : vector<16xi1>, vector<16xf32>
        %select_n3A_785 = arith.select %gt3A_783, %select_n3A_782, %select_n3A_642 : vector<16xi1>, vector<16xi32>
        %select_n3A_786 = arith.select %gt3A_783, %select_n3A_641, %select_n3A_781 : vector<16xi1>, vector<16xf32>
        %select_n3A_787 = arith.select %gt3A_783, %select_n3A_642, %select_n3A_782 : vector<16xi1>, vector<16xi32>
        %add3A_788 = arith.constant 48 : i32
        %add3A_789 = arith.addi %mul3A_26, %add3A_788 : i32
        %get3A_790 = arith.index_cast %scan3A_681 : i32 to index
        %get3A_791 = arith.index_cast %add3A_789 : i32 to index
        %get3A_792 = tpu.vector_load %arg6[%get3A_790, %get3A_791] {strides = array<i32>} : memref<256x128xf32, #tpu.memory_space<vmem>>, vector<16xf32>,
        %gt3A_793 = arith.cmpf ogt, %get3A_792, %select_n3A_651 : vector<16xf32>
        %select_n3A_794 = arith.select %gt3A_793, %get3A_792, %select_n3A_651 : vector<16xi1>, vector<16xf32>
        %select_n3A_795 = arith.select %gt3A_793, %broadcast_in_dim3A_682, %select_n3A_652 : vector<16xi1>, vector<16xi32>
        %select_n3A_796 = arith.select %gt3A_793, %select_n3A_651, %get3A_792 : vector<16xi1>, vector<16xf32>
        %select_n3A_797 = arith.select %gt3A_793, %select_n3A_652, %broadcast_in_dim3A_682 : vector<16xi1>, vector<16xi32>
        %gt3A_798 = arith.cmpf ogt, %select_n3A_796, %select_n3A_656 : vector<16xf32>
        %select_n3A_799 = arith.select %gt3A_798, %select_n3A_796, %select_n3A_656 : vector<16xi1>, vector<16xf32>
        %select_n3A_800 = arith.select %gt3A_798, %select_n3A_797, %select_n3A_657 : vector<16xi1>, vector<16xi32>
        %select_n3A_801 = arith.select %gt3A_798, %select_n3A_656, %select_n3A_796 : vector<16xi1>, vector<16xf32>
        %select_n3A_802 = arith.select %gt3A_798, %select_n3A_657, %select_n3A_797 : vector<16xi1>, vector<16xi32>
        %gt3A_803 = arith.cmpf ogt, %select_n3A_801, %select_n3A_661 : vector<16xf32>
        %select_n3A_804 = arith.select %gt3A_803, %select_n3A_801, %select_n3A_661 : vector<16xi1>, vector<16xf32>
        %select_n3A_805 = arith.select %gt3A_803, %select_n3A_802, %select_n3A_662 : vector<16xi1>, vector<16xi32>
        %select_n3A_806 = arith.select %gt3A_803, %select_n3A_661, %select_n3A_801 : vector<16xi1>, vector<16xf32>
        %select_n3A_807 = arith.select %gt3A_803, %select_n3A_662, %select_n3A_802 : vector<16xi1>, vector<16xi32>
        %gt3A_808 = arith.cmpf ogt, %select_n3A_806, %select_n3A_666 : vector<16xf32>
        %select_n3A_809 = arith.select %gt3A_808, %select_n3A_806, %select_n3A_666 : vector<16xi1>, vector<16xf32>
        %select_n3A_810 = arith.select %gt3A_808, %select_n3A_807, %select_n3A_667 : vector<16xi1>, vector<16xi32>
        %select_n3A_811 = arith.select %gt3A_808, %select_n3A_666, %select_n3A_806 : vector<16xi1>, vector<16xf32>
        %select_n3A_812 = arith.select %gt3A_808, %select_n3A_667, %select_n3A_807 : vector<16xi1>, vector<16xi32>
        %gt3A_813 = arith.cmpf ogt, %select_n3A_811, %select_n3A_671 : vector<16xf32>
        %select_n3A_814 = arith.select %gt3A_813, %select_n3A_811, %select_n3A_671 : vector<16xi1>, vector<16xf32>
        %select_n3A_815 = arith.select %gt3A_813, %select_n3A_812, %select_n3A_672 : vector<16xi1>, vector<16xi32>
        %select_n3A_816 = arith.select %gt3A_813, %select_n3A_671, %select_n3A_811 : vector<16xi1>, vector<16xf32>
        %select_n3A_817 = arith.select %gt3A_813, %select_n3A_672, %select_n3A_812 : vector<16xi1>, vector<16xi32>
        %gt3A_818 = arith.cmpf ogt, %select_n3A_816, %select_n3A_676 : vector<16xf32>
        %select_n3A_819 = arith.select %gt3A_818, %select_n3A_816, %select_n3A_676 : vector<16xi1>, vector<16xf32>
        %select_n3A_820 = arith.select %gt3A_818, %select_n3A_817, %select_n3A_677 : vector<16xi1>, vector<16xi32>
        %select_n3A_821 = arith.select %gt3A_818, %select_n3A_676, %select_n3A_816 : vector<16xi1>, vector<16xf32>
        %select_n3A_822 = arith.select %gt3A_818, %select_n3A_677, %select_n3A_817 : vector<16xi1>, vector<16xi32>
        scf.yield %select_n3A_689, %select_n3A_694, %select_n3A_699, %select_n3A_704, %select_n3A_709, %select_n3A_714, %select_n3A_690, %select_n3A_695, %select_n3A_700, %select_n3A_705, %select_n3A_710, %select_n3A_715, %select_n3A_724, %select_n3A_729, %select_n3A_734, %select_n3A_739, %select_n3A_744, %select_n3A_749, %select_n3A_725, %select_n3A_730, %select_n3A_735, %select_n3A_740, %select_n3A_745, %select_n3A_750, %select_n3A_759, %select_n3A_764, %select_n3A_769, %select_n3A_774, %select_n3A_779, %select_n3A_784, %select_n3A_760, %select_n3A_765, %select_n3A_770, %select_n3A_775, %select_n3A_780, %select_n3A_785, %select_n3A_794, %select_n3A_799, %select_n3A_804, %select_n3A_809, %select_n3A_814, %select_n3A_819, %select_n3A_795, %select_n3A_800, %select_n3A_805, %select_n3A_810, %select_n3A_815, %select_n3A_820 : vector<16xf32>, vector<16xf32>, vector<16xf32>, vector<16xf32>, vector<16xf32>, vector<16xf32>, vector<16xi32>, vector<16xi32>, vector<16xi32>, vector<16xi32>, vector<16xi32>, vector<16xi32>, vector<16xf32>, vector<16xf32>, vector<16xf32>, vector<16xf32>, vector<16xf32>, vector<16xf32>, vector<16xi32>, vector<16xi32>, vector<16xi32>, vector<16xi32>, vector<16xi32>, vector<16xi32>, vector<16xf32>, vector<16xf32>, vector<16xf32>, vector<16xf32>, vector<16xf32>, vector<16xf32>, vector<16xi32>, vector<16xi32>, vector<16xi32>, vector<16xi32>, vector<16xi32>, vector<16xi32>, vector<16xf32>, vector<16xf32>, vector<16xf32>, vector<16xf32>, vector<16xf32>, vector<16xf32>, vector<16xi32>, vector<16xi32>, vector<16xi32>, vector<16xi32>, vector<16xi32>, vector<16xi32>
      }
      %scan3A_32 = arith.constant 256 : i32
      %gather3A = tpu.vector_load_idx %arg7[%scan3A_31#6] : memref<256xf32, #tpu.memory_space<vmem>>[vector<16xi32>], vector<16xf32>,
      %sub3A = arith.subf %scan3A_31#0, %gather3A : vector<16xf32>
      %gather3A_33 = tpu.vector_load_idx %arg7[%scan3A_31#7] : memref<256xf32, #tpu.memory_space<vmem>>[vector<16xi32>], vector<16xf32>,
      %sub3A_34 = arith.subf %scan3A_31#1, %gather3A_33 : vector<16xf32>
      %gather3A_35 = tpu.vector_load_idx %arg7[%scan3A_31#8] : memref<256xf32, #tpu.memory_space<vmem>>[vector<16xi32>], vector<16xf32>,
      %sub3A_36 = arith.subf %scan3A_31#2, %gather3A_35 : vector<16xf32>
      %gather3A_37 = tpu.vector_load_idx %arg7[%scan3A_31#9] : memref<256xf32, #tpu.memory_space<vmem>>[vector<16xi32>], vector<16xf32>,
      %sub3A_38 = arith.subf %scan3A_31#3, %gather3A_37 : vector<16xf32>
      %gather3A_39 = tpu.vector_load_idx %arg7[%scan3A_31#10] : memref<256xf32, #tpu.memory_space<vmem>>[vector<16xi32>], vector<16xf32>,
      %sub3A_40 = arith.subf %scan3A_31#4, %gather3A_39 : vector<16xf32>
      %gather3A_41 = tpu.vector_load_idx %arg7[%scan3A_31#11] : memref<256xf32, #tpu.memory_space<vmem>>[vector<16xi32>], vector<16xf32>,
      %sub3A_42 = arith.subf %scan3A_31#5, %gather3A_41 : vector<16xf32>
      %add3A_43 = arith.addf %sub3A, %sub3A_34 : vector<16xf32>
      %add3A_44 = arith.addf %add3A_43, %sub3A_36 : vector<16xf32>
      %add3A_45 = arith.addf %add3A_44, %sub3A_38 : vector<16xf32>
      %add3A_46 = arith.addf %add3A_45, %sub3A_40 : vector<16xf32>
      %add3A_47 = arith.addf %add3A_46, %sub3A_42 : vector<16xf32>
      %div3A = arith.constant 1.500000e+00 : f32
      %div3A_48 = vector.broadcast %div3A : f32 to vector<16xf32>
      %div3A_49 = arith.divf %div3A_48, %add3A_47 : vector<16xf32>
      %add3A_50 = arith.constant 0 : i32
      %add3A_51 = arith.addi %add3A_50, %mul3A_26 : i32
      %add3A_52 = arith.constant 0 : i32
      %add3A_53 = arith.addi %add3A_51, %add3A_52 : i32
      %add3A_54 = vector.broadcast %add3A_53 : i32 to vector<16xi32>
      %add3A_55 = arith.addi %add3A_54, %iota3A : vector<16xi32>
      %broadcast_in_dim3A_56 = arith.constant 0 : i32
      %broadcast_in_dim3A_57 = vector.broadcast %broadcast_in_dim3A_56 : i32 to vector<16xi32>
      %mul3A_58 = arith.mulf %sub3A, %div3A_49 : vector<16xf32>
      tpu.vector_store_idx %arg8[%broadcast_in_dim3A_57, %add3A_55], %mul3A_58 : memref<6x256xf32, #tpu.memory_space<vmem>>[vector<16xi32>, vector<16xi32>], vector<16xf32>,
      tpu.vector_store_idx %arg9[%broadcast_in_dim3A_57, %add3A_55], %scan3A_31#6 : memref<6x256xi32, #tpu.memory_space<vmem>>[vector<16xi32>, vector<16xi32>], vector<16xi32>,
      %broadcast_in_dim3A_59 = arith.constant 1 : i32
      %broadcast_in_dim3A_60 = vector.broadcast %broadcast_in_dim3A_59 : i32 to vector<16xi32>
      %mul3A_61 = arith.mulf %sub3A_34, %div3A_49 : vector<16xf32>
      tpu.vector_store_idx %arg8[%broadcast_in_dim3A_60, %add3A_55], %mul3A_61 : memref<6x256xf32, #tpu.memory_space<vmem>>[vector<16xi32>, vector<16xi32>], vector<16xf32>,
      tpu.vector_store_idx %arg9[%broadcast_in_dim3A_60, %add3A_55], %scan3A_31#7 : memref<6x256xi32, #tpu.memory_space<vmem>>[vector<16xi32>, vector<16xi32>], vector<16xi32>,
      %broadcast_in_dim3A_62 = arith.constant 2 : i32
      %broadcast_in_dim3A_63 = vector.broadcast %broadcast_in_dim3A_62 : i32 to vector<16xi32>
      %mul3A_64 = arith.mulf %sub3A_36, %div3A_49 : vector<16xf32>
      tpu.vector_store_idx %arg8[%broadcast_in_dim3A_63, %add3A_55], %mul3A_64 : memref<6x256xf32, #tpu.memory_space<vmem>>[vector<16xi32>, vector<16xi32>], vector<16xf32>,
      tpu.vector_store_idx %arg9[%broadcast_in_dim3A_63, %add3A_55], %scan3A_31#8 : memref<6x256xi32, #tpu.memory_space<vmem>>[vector<16xi32>, vector<16xi32>], vector<16xi32>,
      %broadcast_in_dim3A_65 = arith.constant 3 : i32
      %broadcast_in_dim3A_66 = vector.broadcast %broadcast_in_dim3A_65 : i32 to vector<16xi32>
      %mul3A_67 = arith.mulf %sub3A_38, %div3A_49 : vector<16xf32>
      tpu.vector_store_idx %arg8[%broadcast_in_dim3A_66, %add3A_55], %mul3A_67 : memref<6x256xf32, #tpu.memory_space<vmem>>[vector<16xi32>, vector<16xi32>], vector<16xf32>,
      tpu.vector_store_idx %arg9[%broadcast_in_dim3A_66, %add3A_55], %scan3A_31#9 : memref<6x256xi32, #tpu.memory_space<vmem>>[vector<16xi32>, vector<16xi32>], vector<16xi32>,
      %broadcast_in_dim3A_68 = arith.constant 4 : i32
      %broadcast_in_dim3A_69 = vector.broadcast %broadcast_in_dim3A_68 : i32 to vector<16xi32>
      %mul3A_70 = arith.mulf %sub3A_40, %div3A_49 : vector<16xf32>
      tpu.vector_store_idx %arg8[%broadcast_in_dim3A_69, %add3A_55], %mul3A_70 : memref<6x256xf32, #tpu.memory_space<vmem>>[vector<16xi32>, vector<16xi32>], vector<16xf32>,
      tpu.vector_store_idx %arg9[%broadcast_in_dim3A_69, %add3A_55], %scan3A_31#10 : memref<6x256xi32, #tpu.memory_space<vmem>>[vector<16xi32>, vector<16xi32>], vector<16xi32>,
      %broadcast_in_dim3A_71 = arith.constant 5 : i32
      %broadcast_in_dim3A_72 = vector.broadcast %broadcast_in_dim3A_71 : i32 to vector<16xi32>
      %mul3A_73 = arith.mulf %sub3A_42, %div3A_49 : vector<16xf32>
      tpu.vector_store_idx %arg8[%broadcast_in_dim3A_72, %add3A_55], %mul3A_73 : memref<6x256xf32, #tpu.memory_space<vmem>>[vector<16xi32>, vector<16xi32>], vector<16xf32>,
      tpu.vector_store_idx %arg9[%broadcast_in_dim3A_72, %add3A_55], %scan3A_31#11 : memref<6x256xi32, #tpu.memory_space<vmem>>[vector<16xi32>, vector<16xi32>], vector<16xi32>,
      %gather3A_74 = tpu.vector_load_idx %arg7[%scan3A_31#18] : memref<256xf32, #tpu.memory_space<vmem>>[vector<16xi32>], vector<16xf32>,
      %sub3A_75 = arith.subf %scan3A_31#12, %gather3A_74 : vector<16xf32>
      %gather3A_76 = tpu.vector_load_idx %arg7[%scan3A_31#19] : memref<256xf32, #tpu.memory_space<vmem>>[vector<16xi32>], vector<16xf32>,
      %sub3A_77 = arith.subf %scan3A_31#13, %gather3A_76 : vector<16xf32>
      %gather3A_78 = tpu.vector_load_idx %arg7[%scan3A_31#20] : memref<256xf32, #tpu.memory_space<vmem>>[vector<16xi32>], vector<16xf32>,
      %sub3A_79 = arith.subf %scan3A_31#14, %gather3A_78 : vector<16xf32>
      %gather3A_80 = tpu.vector_load_idx %arg7[%scan3A_31#21] : memref<256xf32, #tpu.memory_space<vmem>>[vector<16xi32>], vector<16xf32>,
      %sub3A_81 = arith.subf %scan3A_31#15, %gather3A_80 : vector<16xf32>
      %gather3A_82 = tpu.vector_load_idx %arg7[%scan3A_31#22] : memref<256xf32, #tpu.memory_space<vmem>>[vector<16xi32>], vector<16xf32>,
      %sub3A_83 = arith.subf %scan3A_31#16, %gather3A_82 : vector<16xf32>
      %gather3A_84 = tpu.vector_load_idx %arg7[%scan3A_31#23] : memref<256xf32, #tpu.memory_space<vmem>>[vector<16xi32>], vector<16xf32>,
      %sub3A_85 = arith.subf %scan3A_31#17, %gather3A_84 : vector<16xf32>
      %add3A_86 = arith.addf %sub3A_75, %sub3A_77 : vector<16xf32>
      %add3A_87 = arith.addf %add3A_86, %sub3A_79 : vector<16xf32>
      %add3A_88 = arith.addf %add3A_87, %sub3A_81 : vector<16xf32>
      %add3A_89 = arith.addf %add3A_88, %sub3A_83 : vector<16xf32>
      %add3A_90 = arith.addf %add3A_89, %sub3A_85 : vector<16xf32>
      %div3A_91 = arith.constant 1.500000e+00 : f32
      %div3A_92 = vector.broadcast %div3A_91 : f32 to vector<16xf32>
      %div3A_93 = arith.divf %div3A_92, %add3A_90 : vector<16xf32>
      %add3A_94 = arith.constant 0 : i32
      %add3A_95 = arith.addi %add3A_94, %mul3A_26 : i32
      %add3A_96 = arith.constant 16 : i32
      %add3A_97 = arith.addi %add3A_95, %add3A_96 : i32
      %add3A_98 = vector.broadcast %add3A_97 : i32 to vector<16xi32>
      %add3A_99 = arith.addi %add3A_98, %iota3A : vector<16xi32>
      %broadcast_in_dim3A_100 = arith.constant 0 : i32
      %broadcast_in_dim3A_101 = vector.broadcast %broadcast_in_dim3A_100 : i32 to vector<16xi32>
      %mul3A_102 = arith.mulf %sub3A_75, %div3A_93 : vector<16xf32>
      tpu.vector_store_idx %arg8[%broadcast_in_dim3A_101, %add3A_99], %mul3A_102 : memref<6x256xf32, #tpu.memory_space<vmem>>[vector<16xi32>, vector<16xi32>], vector<16xf32>,
      tpu.vector_store_idx %arg9[%broadcast_in_dim3A_101, %add3A_99], %scan3A_31#18 : memref<6x256xi32, #tpu.memory_space<vmem>>[vector<16xi32>, vector<16xi32>], vector<16xi32>,
      %broadcast_in_dim3A_103 = arith.constant 1 : i32
      %broadcast_in_dim3A_104 = vector.broadcast %broadcast_in_dim3A_103 : i32 to vector<16xi32>
      %mul3A_105 = arith.mulf %sub3A_77, %div3A_93 : vector<16xf32>
      tpu.vector_store_idx %arg8[%broadcast_in_dim3A_104, %add3A_99], %mul3A_105 : memref<6x256xf32, #tpu.memory_space<vmem>>[vector<16xi32>, vector<16xi32>], vector<16xf32>,
      tpu.vector_store_idx %arg9[%broadcast_in_dim3A_104, %add3A_99], %scan3A_31#19 : memref<6x256xi32, #tpu.memory_space<vmem>>[vector<16xi32>, vector<16xi32>], vector<16xi32>,
      %broadcast_in_dim3A_106 = arith.constant 2 : i32
      %broadcast_in_dim3A_107 = vector.broadcast %broadcast_in_dim3A_106 : i32 to vector<16xi32>
      %mul3A_108 = arith.mulf %sub3A_79, %div3A_93 : vector<16xf32>
      tpu.vector_store_idx %arg8[%broadcast_in_dim3A_107, %add3A_99], %mul3A_108 : memref<6x256xf32, #tpu.memory_space<vmem>>[vector<16xi32>, vector<16xi32>], vector<16xf32>,
      tpu.vector_store_idx %arg9[%broadcast_in_dim3A_107, %add3A_99], %scan3A_31#20 : memref<6x256xi32, #tpu.memory_space<vmem>>[vector<16xi32>, vector<16xi32>], vector<16xi32>,
      %broadcast_in_dim3A_109 = arith.constant 3 : i32
      %broadcast_in_dim3A_110 = vector.broadcast %broadcast_in_dim3A_109 : i32 to vector<16xi32>
      %mul3A_111 = arith.mulf %sub3A_81, %div3A_93 : vector<16xf32>
      tpu.vector_store_idx %arg8[%broadcast_in_dim3A_110, %add3A_99], %mul3A_111 : memref<6x256xf32, #tpu.memory_space<vmem>>[vector<16xi32>, vector<16xi32>], vector<16xf32>,
      tpu.vector_store_idx %arg9[%broadcast_in_dim3A_110, %add3A_99], %scan3A_31#21 : memref<6x256xi32, #tpu.memory_space<vmem>>[vector<16xi32>, vector<16xi32>], vector<16xi32>,
      %broadcast_in_dim3A_112 = arith.constant 4 : i32
      %broadcast_in_dim3A_113 = vector.broadcast %broadcast_in_dim3A_112 : i32 to vector<16xi32>
      %mul3A_114 = arith.mulf %sub3A_83, %div3A_93 : vector<16xf32>
      tpu.vector_store_idx %arg8[%broadcast_in_dim3A_113, %add3A_99], %mul3A_114 : memref<6x256xf32, #tpu.memory_space<vmem>>[vector<16xi32>, vector<16xi32>], vector<16xf32>,
      tpu.vector_store_idx %arg9[%broadcast_in_dim3A_113, %add3A_99], %scan3A_31#22 : memref<6x256xi32, #tpu.memory_space<vmem>>[vector<16xi32>, vector<16xi32>], vector<16xi32>,
      %broadcast_in_dim3A_115 = arith.constant 5 : i32
      %broadcast_in_dim3A_116 = vector.broadcast %broadcast_in_dim3A_115 : i32 to vector<16xi32>
      %mul3A_117 = arith.mulf %sub3A_85, %div3A_93 : vector<16xf32>
      tpu.vector_store_idx %arg8[%broadcast_in_dim3A_116, %add3A_99], %mul3A_117 : memref<6x256xf32, #tpu.memory_space<vmem>>[vector<16xi32>, vector<16xi32>], vector<16xf32>,
      tpu.vector_store_idx %arg9[%broadcast_in_dim3A_116, %add3A_99], %scan3A_31#23 : memref<6x256xi32, #tpu.memory_space<vmem>>[vector<16xi32>, vector<16xi32>], vector<16xi32>,
      %gather3A_118 = tpu.vector_load_idx %arg7[%scan3A_31#30] : memref<256xf32, #tpu.memory_space<vmem>>[vector<16xi32>], vector<16xf32>,
      %sub3A_119 = arith.subf %scan3A_31#24, %gather3A_118 : vector<16xf32>
      %gather3A_120 = tpu.vector_load_idx %arg7[%scan3A_31#31] : memref<256xf32, #tpu.memory_space<vmem>>[vector<16xi32>], vector<16xf32>,
      %sub3A_121 = arith.subf %scan3A_31#25, %gather3A_120 : vector<16xf32>
      %gather3A_122 = tpu.vector_load_idx %arg7[%scan3A_31#32] : memref<256xf32, #tpu.memory_space<vmem>>[vector<16xi32>], vector<16xf32>,
      %sub3A_123 = arith.subf %scan3A_31#26, %gather3A_122 : vector<16xf32>
      %gather3A_124 = tpu.vector_load_idx %arg7[%scan3A_31#33] : memref<256xf32, #tpu.memory_space<vmem>>[vector<16xi32>], vector<16xf32>,
      %sub3A_125 = arith.subf %scan3A_31#27, %gather3A_124 : vector<16xf32>
      %gather3A_126 = tpu.vector_load_idx %arg7[%scan3A_31#34] : memref<256xf32, #tpu.memory_space<vmem>>[vector<16xi32>], vector<16xf32>,
      %sub3A_127 = arith.subf %scan3A_31#28, %gather3A_126 : vector<16xf32>
      %gather3A_128 = tpu.vector_load_idx %arg7[%scan3A_31#35] : memref<256xf32, #tpu.memory_space<vmem>>[vector<16xi32>], vector<16xf32>,
      %sub3A_129 = arith.subf %scan3A_31#29, %gather3A_128 : vector<16xf32>
      %add3A_130 = arith.addf %sub3A_119, %sub3A_121 : vector<16xf32>
      %add3A_131 = arith.addf %add3A_130, %sub3A_123 : vector<16xf32>
      %add3A_132 = arith.addf %add3A_131, %sub3A_125 : vector<16xf32>
      %add3A_133 = arith.addf %add3A_132, %sub3A_127 : vector<16xf32>
      %add3A_134 = arith.addf %add3A_133, %sub3A_129 : vector<16xf32>
      %div3A_135 = arith.constant 1.500000e+00 : f32
      %div3A_136 = vector.broadcast %div3A_135 : f32 to vector<16xf32>
      %div3A_137 = arith.divf %div3A_136, %add3A_134 : vector<16xf32>
      %add3A_138 = arith.constant 0 : i32
      %add3A_139 = arith.addi %add3A_138, %mul3A_26 : i32
      %add3A_140 = arith.constant 32 : i32
      %add3A_141 = arith.addi %add3A_139, %add3A_140 : i32
      %add3A_142 = vector.broadcast %add3A_141 : i32 to vector<16xi32>
      %add3A_143 = arith.addi %add3A_142, %iota3A : vector<16xi32>
      %broadcast_in_dim3A_144 = arith.constant 0 : i32
      %broadcast_in_dim3A_145 = vector.broadcast %broadcast_in_dim3A_144 : i32 to vector<16xi32>
      %mul3A_146 = arith.mulf %sub3A_119, %div3A_137 : vector<16xf32>
      tpu.vector_store_idx %arg8[%broadcast_in_dim3A_145, %add3A_143], %mul3A_146 : memref<6x256xf32, #tpu.memory_space<vmem>>[vector<16xi32>, vector<16xi32>], vector<16xf32>,
      tpu.vector_store_idx %arg9[%broadcast_in_dim3A_145, %add3A_143], %scan3A_31#30 : memref<6x256xi32, #tpu.memory_space<vmem>>[vector<16xi32>, vector<16xi32>], vector<16xi32>,
      %broadcast_in_dim3A_147 = arith.constant 1 : i32
      %broadcast_in_dim3A_148 = vector.broadcast %broadcast_in_dim3A_147 : i32 to vector<16xi32>
      %mul3A_149 = arith.mulf %sub3A_121, %div3A_137 : vector<16xf32>
      tpu.vector_store_idx %arg8[%broadcast_in_dim3A_148, %add3A_143], %mul3A_149 : memref<6x256xf32, #tpu.memory_space<vmem>>[vector<16xi32>, vector<16xi32>], vector<16xf32>,
      tpu.vector_store_idx %arg9[%broadcast_in_dim3A_148, %add3A_143], %scan3A_31#31 : memref<6x256xi32, #tpu.memory_space<vmem>>[vector<16xi32>, vector<16xi32>], vector<16xi32>,
      %broadcast_in_dim3A_150 = arith.constant 2 : i32
      %broadcast_in_dim3A_151 = vector.broadcast %broadcast_in_dim3A_150 : i32 to vector<16xi32>
      %mul3A_152 = arith.mulf %sub3A_123, %div3A_137 : vector<16xf32>
      tpu.vector_store_idx %arg8[%broadcast_in_dim3A_151, %add3A_143], %mul3A_152 : memref<6x256xf32, #tpu.memory_space<vmem>>[vector<16xi32>, vector<16xi32>], vector<16xf32>,
      tpu.vector_store_idx %arg9[%broadcast_in_dim3A_151, %add3A_143], %scan3A_31#32 : memref<6x256xi32, #tpu.memory_space<vmem>>[vector<16xi32>, vector<16xi32>], vector<16xi32>,
      %broadcast_in_dim3A_153 = arith.constant 3 : i32
      %broadcast_in_dim3A_154 = vector.broadcast %broadcast_in_dim3A_153 : i32 to vector<16xi32>
      %mul3A_155 = arith.mulf %sub3A_125, %div3A_137 : vector<16xf32>
      tpu.vector_store_idx %arg8[%broadcast_in_dim3A_154, %add3A_143], %mul3A_155 : memref<6x256xf32, #tpu.memory_space<vmem>>[vector<16xi32>, vector<16xi32>], vector<16xf32>,
      tpu.vector_store_idx %arg9[%broadcast_in_dim3A_154, %add3A_143], %scan3A_31#33 : memref<6x256xi32, #tpu.memory_space<vmem>>[vector<16xi32>, vector<16xi32>], vector<16xi32>,
      %broadcast_in_dim3A_156 = arith.constant 4 : i32
      %broadcast_in_dim3A_157 = vector.broadcast %broadcast_in_dim3A_156 : i32 to vector<16xi32>
      %mul3A_158 = arith.mulf %sub3A_127, %div3A_137 : vector<16xf32>
      tpu.vector_store_idx %arg8[%broadcast_in_dim3A_157, %add3A_143], %mul3A_158 : memref<6x256xf32, #tpu.memory_space<vmem>>[vector<16xi32>, vector<16xi32>], vector<16xf32>,
      tpu.vector_store_idx %arg9[%broadcast_in_dim3A_157, %add3A_143], %scan3A_31#34 : memref<6x256xi32, #tpu.memory_space<vmem>>[vector<16xi32>, vector<16xi32>], vector<16xi32>,
      %broadcast_in_dim3A_159 = arith.constant 5 : i32
      %broadcast_in_dim3A_160 = vector.broadcast %broadcast_in_dim3A_159 : i32 to vector<16xi32>
      %mul3A_161 = arith.mulf %sub3A_129, %div3A_137 : vector<16xf32>
      tpu.vector_store_idx %arg8[%broadcast_in_dim3A_160, %add3A_143], %mul3A_161 : memref<6x256xf32, #tpu.memory_space<vmem>>[vector<16xi32>, vector<16xi32>], vector<16xf32>,
      tpu.vector_store_idx %arg9[%broadcast_in_dim3A_160, %add3A_143], %scan3A_31#35 : memref<6x256xi32, #tpu.memory_space<vmem>>[vector<16xi32>, vector<16xi32>], vector<16xi32>,
      %gather3A_162 = tpu.vector_load_idx %arg7[%scan3A_31#42] : memref<256xf32, #tpu.memory_space<vmem>>[vector<16xi32>], vector<16xf32>,
      %sub3A_163 = arith.subf %scan3A_31#36, %gather3A_162 : vector<16xf32>
      %gather3A_164 = tpu.vector_load_idx %arg7[%scan3A_31#43] : memref<256xf32, #tpu.memory_space<vmem>>[vector<16xi32>], vector<16xf32>,
      %sub3A_165 = arith.subf %scan3A_31#37, %gather3A_164 : vector<16xf32>
      %gather3A_166 = tpu.vector_load_idx %arg7[%scan3A_31#44] : memref<256xf32, #tpu.memory_space<vmem>>[vector<16xi32>], vector<16xf32>,
      %sub3A_167 = arith.subf %scan3A_31#38, %gather3A_166 : vector<16xf32>
      %gather3A_168 = tpu.vector_load_idx %arg7[%scan3A_31#45] : memref<256xf32, #tpu.memory_space<vmem>>[vector<16xi32>], vector<16xf32>,
      %sub3A_169 = arith.subf %scan3A_31#39, %gather3A_168 : vector<16xf32>
      %gather3A_170 = tpu.vector_load_idx %arg7[%scan3A_31#46] : memref<256xf32, #tpu.memory_space<vmem>>[vector<16xi32>], vector<16xf32>,
      %sub3A_171 = arith.subf %scan3A_31#40, %gather3A_170 : vector<16xf32>
      %gather3A_172 = tpu.vector_load_idx %arg7[%scan3A_31#47] : memref<256xf32, #tpu.memory_space<vmem>>[vector<16xi32>], vector<16xf32>,
      %sub3A_173 = arith.subf %scan3A_31#41, %gather3A_172 : vector<16xf32>
      %add3A_174 = arith.addf %sub3A_163, %sub3A_165 : vector<16xf32>
      %add3A_175 = arith.addf %add3A_174, %sub3A_167 : vector<16xf32>
      %add3A_176 = arith.addf %add3A_175, %sub3A_169 : vector<16xf32>
      %add3A_177 = arith.addf %add3A_176, %sub3A_171 : vector<16xf32>
      %add3A_178 = arith.addf %add3A_177, %sub3A_173 : vector<16xf32>
      %div3A_179 = arith.constant 1.500000e+00 : f32
      %div3A_180 = vector.broadcast %div3A_179 : f32 to vector<16xf32>
      %div3A_181 = arith.divf %div3A_180, %add3A_178 : vector<16xf32>
      %add3A_182 = arith.constant 0 : i32
      %add3A_183 = arith.addi %add3A_182, %mul3A_26 : i32
      %add3A_184 = arith.constant 48 : i32
      %add3A_185 = arith.addi %add3A_183, %add3A_184 : i32
      %add3A_186 = vector.broadcast %add3A_185 : i32 to vector<16xi32>
      %add3A_187 = arith.addi %add3A_186, %iota3A : vector<16xi32>
      %broadcast_in_dim3A_188 = arith.constant 0 : i32
      %broadcast_in_dim3A_189 = vector.broadcast %broadcast_in_dim3A_188 : i32 to vector<16xi32>
      %mul3A_190 = arith.mulf %sub3A_163, %div3A_181 : vector<16xf32>
      tpu.vector_store_idx %arg8[%broadcast_in_dim3A_189, %add3A_187], %mul3A_190 : memref<6x256xf32, #tpu.memory_space<vmem>>[vector<16xi32>, vector<16xi32>], vector<16xf32>,
      tpu.vector_store_idx %arg9[%broadcast_in_dim3A_189, %add3A_187], %scan3A_31#42 : memref<6x256xi32, #tpu.memory_space<vmem>>[vector<16xi32>, vector<16xi32>], vector<16xi32>,
      %broadcast_in_dim3A_191 = arith.constant 1 : i32
      %broadcast_in_dim3A_192 = vector.broadcast %broadcast_in_dim3A_191 : i32 to vector<16xi32>
      %mul3A_193 = arith.mulf %sub3A_165, %div3A_181 : vector<16xf32>
      tpu.vector_store_idx %arg8[%broadcast_in_dim3A_192, %add3A_187], %mul3A_193 : memref<6x256xf32, #tpu.memory_space<vmem>>[vector<16xi32>, vector<16xi32>], vector<16xf32>,
      tpu.vector_store_idx %arg9[%broadcast_in_dim3A_192, %add3A_187], %scan3A_31#43 : memref<6x256xi32, #tpu.memory_space<vmem>>[vector<16xi32>, vector<16xi32>], vector<16xi32>,
      %broadcast_in_dim3A_194 = arith.constant 2 : i32
      %broadcast_in_dim3A_195 = vector.broadcast %broadcast_in_dim3A_194 : i32 to vector<16xi32>
      %mul3A_196 = arith.mulf %sub3A_167, %div3A_181 : vector<16xf32>
      tpu.vector_store_idx %arg8[%broadcast_in_dim3A_195, %add3A_187], %mul3A_196 : memref<6x256xf32, #tpu.memory_space<vmem>>[vector<16xi32>, vector<16xi32>], vector<16xf32>,
      tpu.vector_store_idx %arg9[%broadcast_in_dim3A_195, %add3A_187], %scan3A_31#44 : memref<6x256xi32, #tpu.memory_space<vmem>>[vector<16xi32>, vector<16xi32>], vector<16xi32>,
      %broadcast_in_dim3A_197 = arith.constant 3 : i32
      %broadcast_in_dim3A_198 = vector.broadcast %broadcast_in_dim3A_197 : i32 to vector<16xi32>
      %mul3A_199 = arith.mulf %sub3A_169, %div3A_181 : vector<16xf32>
      tpu.vector_store_idx %arg8[%broadcast_in_dim3A_198, %add3A_187], %mul3A_199 : memref<6x256xf32, #tpu.memory_space<vmem>>[vector<16xi32>, vector<16xi32>], vector<16xf32>,
      tpu.vector_store_idx %arg9[%broadcast_in_dim3A_198, %add3A_187], %scan3A_31#45 : memref<6x256xi32, #tpu.memory_space<vmem>>[vector<16xi32>, vector<16xi32>], vector<16xi32>,
      %broadcast_in_dim3A_200 = arith.constant 4 : i32
      %broadcast_in_dim3A_201 = vector.broadcast %broadcast_in_dim3A_200 : i32 to vector<16xi32>
      %mul3A_202 = arith.mulf %sub3A_171, %div3A_181 : vector<16xf32>
      tpu.vector_store_idx %arg8[%broadcast_in_dim3A_201, %add3A_187], %mul3A_202 : memref<6x256xf32, #tpu.memory_space<vmem>>[vector<16xi32>, vector<16xi32>], vector<16xf32>,
      tpu.vector_store_idx %arg9[%broadcast_in_dim3A_201, %add3A_187], %scan3A_31#46 : memref<6x256xi32, #tpu.memory_space<vmem>>[vector<16xi32>, vector<16xi32>], vector<16xi32>,
      %broadcast_in_dim3A_203 = arith.constant 5 : i32
      %broadcast_in_dim3A_204 = vector.broadcast %broadcast_in_dim3A_203 : i32 to vector<16xi32>
      %mul3A_205 = arith.mulf %sub3A_173, %div3A_181 : vector<16xf32>
      tpu.vector_store_idx %arg8[%broadcast_in_dim3A_204, %add3A_187], %mul3A_205 : memref<6x256xf32, #tpu.memory_space<vmem>>[vector<16xi32>, vector<16xi32>], vector<16xf32>,
      tpu.vector_store_idx %arg9[%broadcast_in_dim3A_204, %add3A_187], %scan3A_31#47 : memref<6x256xi32, #tpu.memory_space<vmem>>[vector<16xi32>, vector<16xi32>], vector<16xi32>,
      %scan3A_206 = arith.constant 0 : i32
      scf.yield %scan3A_206 : i32
    }
    %scan3A_13 = arith.constant 2 : i32
    %add3A_14 = arith.constant 128 : i32
    %add3A_15 = arith.addi %mul3A_2, %add3A_14 : i32
    "tpu.region"() ({
      %run_scoped3A = tpu.sem_alloc : memref<!tpu.dma_semaphore, #tpu.memory_space<semaphore_mem>>
      %dma_start3A = arith.constant 0 : i32
      %dma_start3A_23 = tpu.memref_slice %arg2[%dma_start3A, %add3A_15] : memref<256x8192xf32, #tpu.memory_space<hbm>> -> memref<256x128xf32, #tpu.memory_space<hbm>>
      %dma_start3A_24 = arith.constant 0 : i32
      %dma_start3A_25 = tpu.memref_slice %arg2[%dma_start3A_24, %add3A_15] : memref<256x8192xf32, #tpu.memory_space<hbm>> -> memref<256x128xf32, #tpu.memory_space<hbm>>
      tpu.enqueue_dma source(%dma_start3A_25 : memref<256x128xf32, #tpu.memory_space<hbm>>) target(%arg6 : memref<256x128xf32, #tpu.memory_space<vmem>>) target_semaphore(%run_scoped3A : memref<!tpu.dma_semaphore, #tpu.memory_space<semaphore_mem>>)
      %dma_wait3A = arith.constant 0 : i32
      %dma_wait3A_26 = tpu.memref_slice %arg2[%dma_wait3A, %add3A_15] : memref<256x8192xf32, #tpu.memory_space<hbm>> -> memref<256x128xf32, #tpu.memory_space<hbm>>
      %dma_wait3A_27 = arith.constant 0 : i32
      %dma_wait3A_28 = tpu.memref_slice %arg2[%dma_wait3A_27, %add3A_15] : memref<256x8192xf32, #tpu.memory_space<hbm>> -> memref<256x128xf32, #tpu.memory_space<hbm>>
      tpu.wait_dma2 semaphore(%run_scoped3A : memref<!tpu.dma_semaphore, #tpu.memory_space<semaphore_mem>>) src(%dma_wait3A_28 : memref<256x128xf32, #tpu.memory_space<hbm>>) dst(%arg6 : memref<256x128xf32, #tpu.memory_space<vmem>>)
      tpu.yield
    }) : () -> ()
    %scan3A_16 = arith.constant 0 : i32
    %scan3A_17 = arith.constant 0 : i32
    %scan3A_18 = arith.constant 2 : i32
    %scan3A_19 = arith.addi %scan3A_17, %scan3A_18 : i32
    %scan3A_20 = arith.constant 1 : i32
    %scan3A_21 = scf.for %scan3A_23 = %scan3A_17 to %scan3A_19 step %scan3A_20 iter_args(%scan3A_24 = %scan3A_16) -> (i32)  : i32 {
      %mul3A_25 = arith.constant 64 : i32
      %mul3A_26 = arith.muli %scan3A_23, %mul3A_25 : i32
      %scan3A_27 = arith.constant 0 : i32
      %scan3A_28 = arith.constant 256 : i32
      %scan3A_29 = arith.addi %scan3A_27, %scan3A_28 : i32
      %scan3A_30 = arith.constant 4 : i32
      %scan3A_31:48 = scf.for %scan3A_207 = %scan3A_27 to %scan3A_29 step %scan3A_30 iter_args(%scan3A_208 = %broadcast_in_dim3A_3, %scan3A_209 = %broadcast_in_dim3A_3, %scan3A_210 = %broadcast_in_dim3A_3, %scan3A_211 = %broadcast_in_dim3A_3, %scan3A_212 = %broadcast_in_dim3A_3, %scan3A_213 = %broadcast_in_dim3A_3, %scan3A_214 = %broadcast_in_dim3A_5, %scan3A_215 = %broadcast_in_dim3A_5, %scan3A_216 = %broadcast_in_dim3A_5, %scan3A_217 = %broadcast_in_dim3A_5, %scan3A_218 = %broadcast_in_dim3A_5, %scan3A_219 = %broadcast_in_dim3A_5, %scan3A_220 = %broadcast_in_dim3A_3, %scan3A_221 = %broadcast_in_dim3A_3, %scan3A_222 = %broadcast_in_dim3A_3, %scan3A_223 = %broadcast_in_dim3A_3, %scan3A_224 = %broadcast_in_dim3A_3, %scan3A_225 = %broadcast_in_dim3A_3, %scan3A_226 = %broadcast_in_dim3A_5, %scan3A_227 = %broadcast_in_dim3A_5, %scan3A_228 = %broadcast_in_dim3A_5, %scan3A_229 = %broadcast_in_dim3A_5, %scan3A_230 = %broadcast_in_dim3A_5, %scan3A_231 = %broadcast_in_dim3A_5, %scan3A_232 = %broadcast_in_dim3A_3, %scan3A_233 = %broadcast_in_dim3A_3, %scan3A_234 = %broadcast_in_dim3A_3, %scan3A_235 = %broadcast_in_dim3A_3, %scan3A_236 = %broadcast_in_dim3A_3, %scan3A_237 = %broadcast_in_dim3A_3, %scan3A_238 = %broadcast_in_dim3A_5, %scan3A_239 = %broadcast_in_dim3A_5, %scan3A_240 = %broadcast_in_dim3A_5, %scan3A_241 = %broadcast_in_dim3A_5, %scan3A_242 = %broadcast_in_dim3A_5, %scan3A_243 = %broadcast_in_dim3A_5, %scan3A_244 = %broadcast_in_dim3A_3, %scan3A_245 = %broadcast_in_dim3A_3, %scan3A_246 = %broadcast_in_dim3A_3, %scan3A_247 = %broadcast_in_dim3A_3, %scan3A_248 = %broadcast_in_dim3A_3, %scan3A_249 = %broadcast_in_dim3A_3, %scan3A_250 = %broadcast_in_dim3A_5, %scan3A_251 = %broadcast_in_dim3A_5, %scan3A_252 = %broadcast_in_dim3A_5, %scan3A_253 = %broadcast_in_dim3A_5, %scan3A_254 = %broadcast_in_dim3A_5, %scan3A_255 = %broadcast_in_dim3A_5) -> (vector<16xf32>, vector<16xf32>, vector<16xf32>, vector<16xf32>, vector<16xf32>, vector<16xf32>, vector<16xi32>, vector<16xi32>, vector<16xi32>, vector<16xi32>, vector<16xi32>, vector<16xi32>, vector<16xf32>, vector<16xf32>, vector<16xf32>, vector<16xf32>, vector<16xf32>, vector<16xf32>, vector<16xi32>, vector<16xi32>, vector<16xi32>, vector<16xi32>, vector<16xi32>, vector<16xi32>, vector<16xf32>, vector<16xf32>, vector<16xf32>, vector<16xf32>, vector<16xf32>, vector<16xf32>, vector<16xi32>, vector<16xi32>, vector<16xi32>, vector<16xi32>, vector<16xi32>, vector<16xi32>, vector<16xf32>, vector<16xf32>, vector<16xf32>, vector<16xf32>, vector<16xf32>, vector<16xf32>, vector<16xi32>, vector<16xi32>, vector<16xi32>, vector<16xi32>, vector<16xi32>, vector<16xi32>)  : i32 {
        %broadcast_in_dim3A_256 = vector.broadcast %scan3A_207 : i32 to vector<16xi32>
        %add3A_257 = arith.constant 0 : i32
        %add3A_258 = arith.addi %mul3A_26, %add3A_257 : i32
        %get3A = arith.index_cast %scan3A_207 : i32 to index
        %get3A_259 = arith.index_cast %add3A_258 : i32 to index
        %get3A_260 = tpu.vector_load %arg6[%get3A, %get3A_259] {strides = array<i32>} : memref<256x128xf32, #tpu.memory_space<vmem>>, vector<16xf32>,
        %gt3A = arith.cmpf ogt, %get3A_260, %scan3A_208 : vector<16xf32>
        %select_n3A = arith.select %gt3A, %get3A_260, %scan3A_208 : vector<16xi1>, vector<16xf32>
        %select_n3A_261 = arith.select %gt3A, %broadcast_in_dim3A_256, %scan3A_214 : vector<16xi1>, vector<16xi32>
        %select_n3A_262 = arith.select %gt3A, %scan3A_208, %get3A_260 : vector<16xi1>, vector<16xf32>
        %select_n3A_263 = arith.select %gt3A, %scan3A_214, %broadcast_in_dim3A_256 : vector<16xi1>, vector<16xi32>
        %gt3A_264 = arith.cmpf ogt, %select_n3A_262, %scan3A_209 : vector<16xf32>
        %select_n3A_265 = arith.select %gt3A_264, %select_n3A_262, %scan3A_209 : vector<16xi1>, vector<16xf32>
        %select_n3A_266 = arith.select %gt3A_264, %select_n3A_263, %scan3A_215 : vector<16xi1>, vector<16xi32>
        %select_n3A_267 = arith.select %gt3A_264, %scan3A_209, %select_n3A_262 : vector<16xi1>, vector<16xf32>
        %select_n3A_268 = arith.select %gt3A_264, %scan3A_215, %select_n3A_263 : vector<16xi1>, vector<16xi32>
        %gt3A_269 = arith.cmpf ogt, %select_n3A_267, %scan3A_210 : vector<16xf32>
        %select_n3A_270 = arith.select %gt3A_269, %select_n3A_267, %scan3A_210 : vector<16xi1>, vector<16xf32>
        %select_n3A_271 = arith.select %gt3A_269, %select_n3A_268, %scan3A_216 : vector<16xi1>, vector<16xi32>
        %select_n3A_272 = arith.select %gt3A_269, %scan3A_210, %select_n3A_267 : vector<16xi1>, vector<16xf32>
        %select_n3A_273 = arith.select %gt3A_269, %scan3A_216, %select_n3A_268 : vector<16xi1>, vector<16xi32>
        %gt3A_274 = arith.cmpf ogt, %select_n3A_272, %scan3A_211 : vector<16xf32>
        %select_n3A_275 = arith.select %gt3A_274, %select_n3A_272, %scan3A_211 : vector<16xi1>, vector<16xf32>
        %select_n3A_276 = arith.select %gt3A_274, %select_n3A_273, %scan3A_217 : vector<16xi1>, vector<16xi32>
        %select_n3A_277 = arith.select %gt3A_274, %scan3A_211, %select_n3A_272 : vector<16xi1>, vector<16xf32>
        %select_n3A_278 = arith.select %gt3A_274, %scan3A_217, %select_n3A_273 : vector<16xi1>, vector<16xi32>
        %gt3A_279 = arith.cmpf ogt, %select_n3A_277, %scan3A_212 : vector<16xf32>
        %select_n3A_280 = arith.select %gt3A_279, %select_n3A_277, %scan3A_212 : vector<16xi1>, vector<16xf32>
        %select_n3A_281 = arith.select %gt3A_279, %select_n3A_278, %scan3A_218 : vector<16xi1>, vector<16xi32>
        %select_n3A_282 = arith.select %gt3A_279, %scan3A_212, %select_n3A_277 : vector<16xi1>, vector<16xf32>
        %select_n3A_283 = arith.select %gt3A_279, %scan3A_218, %select_n3A_278 : vector<16xi1>, vector<16xi32>
        %gt3A_284 = arith.cmpf ogt, %select_n3A_282, %scan3A_213 : vector<16xf32>
        %select_n3A_285 = arith.select %gt3A_284, %select_n3A_282, %scan3A_213 : vector<16xi1>, vector<16xf32>
        %select_n3A_286 = arith.select %gt3A_284, %select_n3A_283, %scan3A_219 : vector<16xi1>, vector<16xi32>
        %select_n3A_287 = arith.select %gt3A_284, %scan3A_213, %select_n3A_282 : vector<16xi1>, vector<16xf32>
        %select_n3A_288 = arith.select %gt3A_284, %scan3A_219, %select_n3A_283 : vector<16xi1>, vector<16xi32>
        %add3A_289 = arith.constant 16 : i32
        %add3A_290 = arith.addi %mul3A_26, %add3A_289 : i32
        %get3A_291 = arith.index_cast %scan3A_207 : i32 to index
        %get3A_292 = arith.index_cast %add3A_290 : i32 to index
        %get3A_293 = tpu.vector_load %arg6[%get3A_291, %get3A_292] {strides = array<i32>} : memref<256x128xf32, #tpu.memory_space<vmem>>, vector<16xf32>,
        %gt3A_294 = arith.cmpf ogt, %get3A_293, %scan3A_220 : vector<16xf32>
        %select_n3A_295 = arith.select %gt3A_294, %get3A_293, %scan3A_220 : vector<16xi1>, vector<16xf32>
        %select_n3A_296 = arith.select %gt3A_294, %broadcast_in_dim3A_256, %scan3A_226 : vector<16xi1>, vector<16xi32>
        %select_n3A_297 = arith.select %gt3A_294, %scan3A_220, %get3A_293 : vector<16xi1>, vector<16xf32>
        %select_n3A_298 = arith.select %gt3A_294, %scan3A_226, %broadcast_in_dim3A_256 : vector<16xi1>, vector<16xi32>
        %gt3A_299 = arith.cmpf ogt, %select_n3A_297, %scan3A_221 : vector<16xf32>
        %select_n3A_300 = arith.select %gt3A_299, %select_n3A_297, %scan3A_221 : vector<16xi1>, vector<16xf32>
        %select_n3A_301 = arith.select %gt3A_299, %select_n3A_298, %scan3A_227 : vector<16xi1>, vector<16xi32>
        %select_n3A_302 = arith.select %gt3A_299, %scan3A_221, %select_n3A_297 : vector<16xi1>, vector<16xf32>
        %select_n3A_303 = arith.select %gt3A_299, %scan3A_227, %select_n3A_298 : vector<16xi1>, vector<16xi32>
        %gt3A_304 = arith.cmpf ogt, %select_n3A_302, %scan3A_222 : vector<16xf32>
        %select_n3A_305 = arith.select %gt3A_304, %select_n3A_302, %scan3A_222 : vector<16xi1>, vector<16xf32>
        %select_n3A_306 = arith.select %gt3A_304, %select_n3A_303, %scan3A_228 : vector<16xi1>, vector<16xi32>
        %select_n3A_307 = arith.select %gt3A_304, %scan3A_222, %select_n3A_302 : vector<16xi1>, vector<16xf32>
        %select_n3A_308 = arith.select %gt3A_304, %scan3A_228, %select_n3A_303 : vector<16xi1>, vector<16xi32>
        %gt3A_309 = arith.cmpf ogt, %select_n3A_307, %scan3A_223 : vector<16xf32>
        %select_n3A_310 = arith.select %gt3A_309, %select_n3A_307, %scan3A_223 : vector<16xi1>, vector<16xf32>
        %select_n3A_311 = arith.select %gt3A_309, %select_n3A_308, %scan3A_229 : vector<16xi1>, vector<16xi32>
        %select_n3A_312 = arith.select %gt3A_309, %scan3A_223, %select_n3A_307 : vector<16xi1>, vector<16xf32>
        %select_n3A_313 = arith.select %gt3A_309, %scan3A_229, %select_n3A_308 : vector<16xi1>, vector<16xi32>
        %gt3A_314 = arith.cmpf ogt, %select_n3A_312, %scan3A_224 : vector<16xf32>
        %select_n3A_315 = arith.select %gt3A_314, %select_n3A_312, %scan3A_224 : vector<16xi1>, vector<16xf32>
        %select_n3A_316 = arith.select %gt3A_314, %select_n3A_313, %scan3A_230 : vector<16xi1>, vector<16xi32>
        %select_n3A_317 = arith.select %gt3A_314, %scan3A_224, %select_n3A_312 : vector<16xi1>, vector<16xf32>
        %select_n3A_318 = arith.select %gt3A_314, %scan3A_230, %select_n3A_313 : vector<16xi1>, vector<16xi32>
        %gt3A_319 = arith.cmpf ogt, %select_n3A_317, %scan3A_225 : vector<16xf32>
        %select_n3A_320 = arith.select %gt3A_319, %select_n3A_317, %scan3A_225 : vector<16xi1>, vector<16xf32>
        %select_n3A_321 = arith.select %gt3A_319, %select_n3A_318, %scan3A_231 : vector<16xi1>, vector<16xi32>
        %select_n3A_322 = arith.select %gt3A_319, %scan3A_225, %select_n3A_317 : vector<16xi1>, vector<16xf32>
        %select_n3A_323 = arith.select %gt3A_319, %scan3A_231, %select_n3A_318 : vector<16xi1>, vector<16xi32>
        %add3A_324 = arith.constant 32 : i32
        %add3A_325 = arith.addi %mul3A_26, %add3A_324 : i32
        %get3A_326 = arith.index_cast %scan3A_207 : i32 to index
        %get3A_327 = arith.index_cast %add3A_325 : i32 to index
        %get3A_328 = tpu.vector_load %arg6[%get3A_326, %get3A_327] {strides = array<i32>} : memref<256x128xf32, #tpu.memory_space<vmem>>, vector<16xf32>,
        %gt3A_329 = arith.cmpf ogt, %get3A_328, %scan3A_232 : vector<16xf32>
        %select_n3A_330 = arith.select %gt3A_329, %get3A_328, %scan3A_232 : vector<16xi1>, vector<16xf32>
        %select_n3A_331 = arith.select %gt3A_329, %broadcast_in_dim3A_256, %scan3A_238 : vector<16xi1>, vector<16xi32>
        %select_n3A_332 = arith.select %gt3A_329, %scan3A_232, %get3A_328 : vector<16xi1>, vector<16xf32>
        %select_n3A_333 = arith.select %gt3A_329, %scan3A_238, %broadcast_in_dim3A_256 : vector<16xi1>, vector<16xi32>
        %gt3A_334 = arith.cmpf ogt, %select_n3A_332, %scan3A_233 : vector<16xf32>
        %select_n3A_335 = arith.select %gt3A_334, %select_n3A_332, %scan3A_233 : vector<16xi1>, vector<16xf32>
        %select_n3A_336 = arith.select %gt3A_334, %select_n3A_333, %scan3A_239 : vector<16xi1>, vector<16xi32>
        %select_n3A_337 = arith.select %gt3A_334, %scan3A_233, %select_n3A_332 : vector<16xi1>, vector<16xf32>
        %select_n3A_338 = arith.select %gt3A_334, %scan3A_239, %select_n3A_333 : vector<16xi1>, vector<16xi32>
        %gt3A_339 = arith.cmpf ogt, %select_n3A_337, %scan3A_234 : vector<16xf32>
        %select_n3A_340 = arith.select %gt3A_339, %select_n3A_337, %scan3A_234 : vector<16xi1>, vector<16xf32>
        %select_n3A_341 = arith.select %gt3A_339, %select_n3A_338, %scan3A_240 : vector<16xi1>, vector<16xi32>
        %select_n3A_342 = arith.select %gt3A_339, %scan3A_234, %select_n3A_337 : vector<16xi1>, vector<16xf32>
        %select_n3A_343 = arith.select %gt3A_339, %scan3A_240, %select_n3A_338 : vector<16xi1>, vector<16xi32>
        %gt3A_344 = arith.cmpf ogt, %select_n3A_342, %scan3A_235 : vector<16xf32>
        %select_n3A_345 = arith.select %gt3A_344, %select_n3A_342, %scan3A_235 : vector<16xi1>, vector<16xf32>
        %select_n3A_346 = arith.select %gt3A_344, %select_n3A_343, %scan3A_241 : vector<16xi1>, vector<16xi32>
        %select_n3A_347 = arith.select %gt3A_344, %scan3A_235, %select_n3A_342 : vector<16xi1>, vector<16xf32>
        %select_n3A_348 = arith.select %gt3A_344, %scan3A_241, %select_n3A_343 : vector<16xi1>, vector<16xi32>
        %gt3A_349 = arith.cmpf ogt, %select_n3A_347, %scan3A_236 : vector<16xf32>
        %select_n3A_350 = arith.select %gt3A_349, %select_n3A_347, %scan3A_236 : vector<16xi1>, vector<16xf32>
        %select_n3A_351 = arith.select %gt3A_349, %select_n3A_348, %scan3A_242 : vector<16xi1>, vector<16xi32>
        %select_n3A_352 = arith.select %gt3A_349, %scan3A_236, %select_n3A_347 : vector<16xi1>, vector<16xf32>
        %select_n3A_353 = arith.select %gt3A_349, %scan3A_242, %select_n3A_348 : vector<16xi1>, vector<16xi32>
        %gt3A_354 = arith.cmpf ogt, %select_n3A_352, %scan3A_237 : vector<16xf32>
        %select_n3A_355 = arith.select %gt3A_354, %select_n3A_352, %scan3A_237 : vector<16xi1>, vector<16xf32>
        %select_n3A_356 = arith.select %gt3A_354, %select_n3A_353, %scan3A_243 : vector<16xi1>, vector<16xi32>
        %select_n3A_357 = arith.select %gt3A_354, %scan3A_237, %select_n3A_352 : vector<16xi1>, vector<16xf32>
        %select_n3A_358 = arith.select %gt3A_354, %scan3A_243, %select_n3A_353 : vector<16xi1>, vector<16xi32>
        %add3A_359 = arith.constant 48 : i32
        %add3A_360 = arith.addi %mul3A_26, %add3A_359 : i32
        %get3A_361 = arith.index_cast %scan3A_207 : i32 to index
        %get3A_362 = arith.index_cast %add3A_360 : i32 to index
        %get3A_363 = tpu.vector_load %arg6[%get3A_361, %get3A_362] {strides = array<i32>} : memref<256x128xf32, #tpu.memory_space<vmem>>, vector<16xf32>,
        %gt3A_364 = arith.cmpf ogt, %get3A_363, %scan3A_244 : vector<16xf32>
        %select_n3A_365 = arith.select %gt3A_364, %get3A_363, %scan3A_244 : vector<16xi1>, vector<16xf32>
        %select_n3A_366 = arith.select %gt3A_364, %broadcast_in_dim3A_256, %scan3A_250 : vector<16xi1>, vector<16xi32>
        %select_n3A_367 = arith.select %gt3A_364, %scan3A_244, %get3A_363 : vector<16xi1>, vector<16xf32>
        %select_n3A_368 = arith.select %gt3A_364, %scan3A_250, %broadcast_in_dim3A_256 : vector<16xi1>, vector<16xi32>
        %gt3A_369 = arith.cmpf ogt, %select_n3A_367, %scan3A_245 : vector<16xf32>
        %select_n3A_370 = arith.select %gt3A_369, %select_n3A_367, %scan3A_245 : vector<16xi1>, vector<16xf32>
        %select_n3A_371 = arith.select %gt3A_369, %select_n3A_368, %scan3A_251 : vector<16xi1>, vector<16xi32>
        %select_n3A_372 = arith.select %gt3A_369, %scan3A_245, %select_n3A_367 : vector<16xi1>, vector<16xf32>
        %select_n3A_373 = arith.select %gt3A_369, %scan3A_251, %select_n3A_368 : vector<16xi1>, vector<16xi32>
        %gt3A_374 = arith.cmpf ogt, %select_n3A_372, %scan3A_246 : vector<16xf32>
        %select_n3A_375 = arith.select %gt3A_374, %select_n3A_372, %scan3A_246 : vector<16xi1>, vector<16xf32>
        %select_n3A_376 = arith.select %gt3A_374, %select_n3A_373, %scan3A_252 : vector<16xi1>, vector<16xi32>
        %select_n3A_377 = arith.select %gt3A_374, %scan3A_246, %select_n3A_372 : vector<16xi1>, vector<16xf32>
        %select_n3A_378 = arith.select %gt3A_374, %scan3A_252, %select_n3A_373 : vector<16xi1>, vector<16xi32>
        %gt3A_379 = arith.cmpf ogt, %select_n3A_377, %scan3A_247 : vector<16xf32>
        %select_n3A_380 = arith.select %gt3A_379, %select_n3A_377, %scan3A_247 : vector<16xi1>, vector<16xf32>
        %select_n3A_381 = arith.select %gt3A_379, %select_n3A_378, %scan3A_253 : vector<16xi1>, vector<16xi32>
        %select_n3A_382 = arith.select %gt3A_379, %scan3A_247, %select_n3A_377 : vector<16xi1>, vector<16xf32>
        %select_n3A_383 = arith.select %gt3A_379, %scan3A_253, %select_n3A_378 : vector<16xi1>, vector<16xi32>
        %gt3A_384 = arith.cmpf ogt, %select_n3A_382, %scan3A_248 : vector<16xf32>
        %select_n3A_385 = arith.select %gt3A_384, %select_n3A_382, %scan3A_248 : vector<16xi1>, vector<16xf32>
        %select_n3A_386 = arith.select %gt3A_384, %select_n3A_383, %scan3A_254 : vector<16xi1>, vector<16xi32>
        %select_n3A_387 = arith.select %gt3A_384, %scan3A_248, %select_n3A_382 : vector<16xi1>, vector<16xf32>
        %select_n3A_388 = arith.select %gt3A_384, %scan3A_254, %select_n3A_383 : vector<16xi1>, vector<16xi32>
        %gt3A_389 = arith.cmpf ogt, %select_n3A_387, %scan3A_249 : vector<16xf32>
        %select_n3A_390 = arith.select %gt3A_389, %select_n3A_387, %scan3A_249 : vector<16xi1>, vector<16xf32>
        %select_n3A_391 = arith.select %gt3A_389, %select_n3A_388, %scan3A_255 : vector<16xi1>, vector<16xi32>
        %select_n3A_392 = arith.select %gt3A_389, %scan3A_249, %select_n3A_387 : vector<16xi1>, vector<16xf32>
        %select_n3A_393 = arith.select %gt3A_389, %scan3A_255, %select_n3A_388 : vector<16xi1>, vector<16xi32>
        %scan3A_394 = arith.constant 1 : i32
        %scan3A_395 = arith.addi %scan3A_207, %scan3A_394 : i32
        %broadcast_in_dim3A_396 = vector.broadcast %scan3A_395 : i32 to vector<16xi32>
        %add3A_397 = arith.constant 0 : i32
        %add3A_398 = arith.addi %mul3A_26, %add3A_397 : i32
        %get3A_399 = arith.index_cast %scan3A_395 : i32 to index
        %get3A_400 = arith.index_cast %add3A_398 : i32 to index
        %get3A_401 = tpu.vector_load %arg6[%get3A_399, %get3A_400] {strides = array<i32>} : memref<256x128xf32, #tpu.memory_space<vmem>>, vector<16xf32>,
        %gt3A_402 = arith.cmpf ogt, %get3A_401, %select_n3A : vector<16xf32>
        %select_n3A_403 = arith.select %gt3A_402, %get3A_401, %select_n3A : vector<16xi1>, vector<16xf32>
        %select_n3A_404 = arith.select %gt3A_402, %broadcast_in_dim3A_396, %select_n3A_261 : vector<16xi1>, vector<16xi32>
        %select_n3A_405 = arith.select %gt3A_402, %select_n3A, %get3A_401 : vector<16xi1>, vector<16xf32>
        %select_n3A_406 = arith.select %gt3A_402, %select_n3A_261, %broadcast_in_dim3A_396 : vector<16xi1>, vector<16xi32>
        %gt3A_407 = arith.cmpf ogt, %select_n3A_405, %select_n3A_265 : vector<16xf32>
        %select_n3A_408 = arith.select %gt3A_407, %select_n3A_405, %select_n3A_265 : vector<16xi1>, vector<16xf32>
        %select_n3A_409 = arith.select %gt3A_407, %select_n3A_406, %select_n3A_266 : vector<16xi1>, vector<16xi32>
        %select_n3A_410 = arith.select %gt3A_407, %select_n3A_265, %select_n3A_405 : vector<16xi1>, vector<16xf32>
        %select_n3A_411 = arith.select %gt3A_407, %select_n3A_266, %select_n3A_406 : vector<16xi1>, vector<16xi32>
        %gt3A_412 = arith.cmpf ogt, %select_n3A_410, %select_n3A_270 : vector<16xf32>
        %select_n3A_413 = arith.select %gt3A_412, %select_n3A_410, %select_n3A_270 : vector<16xi1>, vector<16xf32>
        %select_n3A_414 = arith.select %gt3A_412, %select_n3A_411, %select_n3A_271 : vector<16xi1>, vector<16xi32>
        %select_n3A_415 = arith.select %gt3A_412, %select_n3A_270, %select_n3A_410 : vector<16xi1>, vector<16xf32>
        %select_n3A_416 = arith.select %gt3A_412, %select_n3A_271, %select_n3A_411 : vector<16xi1>, vector<16xi32>
        %gt3A_417 = arith.cmpf ogt, %select_n3A_415, %select_n3A_275 : vector<16xf32>
        %select_n3A_418 = arith.select %gt3A_417, %select_n3A_415, %select_n3A_275 : vector<16xi1>, vector<16xf32>
        %select_n3A_419 = arith.select %gt3A_417, %select_n3A_416, %select_n3A_276 : vector<16xi1>, vector<16xi32>
        %select_n3A_420 = arith.select %gt3A_417, %select_n3A_275, %select_n3A_415 : vector<16xi1>, vector<16xf32>
        %select_n3A_421 = arith.select %gt3A_417, %select_n3A_276, %select_n3A_416 : vector<16xi1>, vector<16xi32>
        %gt3A_422 = arith.cmpf ogt, %select_n3A_420, %select_n3A_280 : vector<16xf32>
        %select_n3A_423 = arith.select %gt3A_422, %select_n3A_420, %select_n3A_280 : vector<16xi1>, vector<16xf32>
        %select_n3A_424 = arith.select %gt3A_422, %select_n3A_421, %select_n3A_281 : vector<16xi1>, vector<16xi32>
        %select_n3A_425 = arith.select %gt3A_422, %select_n3A_280, %select_n3A_420 : vector<16xi1>, vector<16xf32>
        %select_n3A_426 = arith.select %gt3A_422, %select_n3A_281, %select_n3A_421 : vector<16xi1>, vector<16xi32>
        %gt3A_427 = arith.cmpf ogt, %select_n3A_425, %select_n3A_285 : vector<16xf32>
        %select_n3A_428 = arith.select %gt3A_427, %select_n3A_425, %select_n3A_285 : vector<16xi1>, vector<16xf32>
        %select_n3A_429 = arith.select %gt3A_427, %select_n3A_426, %select_n3A_286 : vector<16xi1>, vector<16xi32>
        %select_n3A_430 = arith.select %gt3A_427, %select_n3A_285, %select_n3A_425 : vector<16xi1>, vector<16xf32>
        %select_n3A_431 = arith.select %gt3A_427, %select_n3A_286, %select_n3A_426 : vector<16xi1>, vector<16xi32>
        %add3A_432 = arith.constant 16 : i32
        %add3A_433 = arith.addi %mul3A_26, %add3A_432 : i32
        %get3A_434 = arith.index_cast %scan3A_395 : i32 to index
        %get3A_435 = arith.index_cast %add3A_433 : i32 to index
        %get3A_436 = tpu.vector_load %arg6[%get3A_434, %get3A_435] {strides = array<i32>} : memref<256x128xf32, #tpu.memory_space<vmem>>, vector<16xf32>,
        %gt3A_437 = arith.cmpf ogt, %get3A_436, %select_n3A_295 : vector<16xf32>
        %select_n3A_438 = arith.select %gt3A_437, %get3A_436, %select_n3A_295 : vector<16xi1>, vector<16xf32>
        %select_n3A_439 = arith.select %gt3A_437, %broadcast_in_dim3A_396, %select_n3A_296 : vector<16xi1>, vector<16xi32>
        %select_n3A_440 = arith.select %gt3A_437, %select_n3A_295, %get3A_436 : vector<16xi1>, vector<16xf32>
        %select_n3A_441 = arith.select %gt3A_437, %select_n3A_296, %broadcast_in_dim3A_396 : vector<16xi1>, vector<16xi32>
        %gt3A_442 = arith.cmpf ogt, %select_n3A_440, %select_n3A_300 : vector<16xf32>
        %select_n3A_443 = arith.select %gt3A_442, %select_n3A_440, %select_n3A_300 : vector<16xi1>, vector<16xf32>
        %select_n3A_444 = arith.select %gt3A_442, %select_n3A_441, %select_n3A_301 : vector<16xi1>, vector<16xi32>
        %select_n3A_445 = arith.select %gt3A_442, %select_n3A_300, %select_n3A_440 : vector<16xi1>, vector<16xf32>
        %select_n3A_446 = arith.select %gt3A_442, %select_n3A_301, %select_n3A_441 : vector<16xi1>, vector<16xi32>
        %gt3A_447 = arith.cmpf ogt, %select_n3A_445, %select_n3A_305 : vector<16xf32>
        %select_n3A_448 = arith.select %gt3A_447, %select_n3A_445, %select_n3A_305 : vector<16xi1>, vector<16xf32>
        %select_n3A_449 = arith.select %gt3A_447, %select_n3A_446, %select_n3A_306 : vector<16xi1>, vector<16xi32>
        %select_n3A_450 = arith.select %gt3A_447, %select_n3A_305, %select_n3A_445 : vector<16xi1>, vector<16xf32>
        %select_n3A_451 = arith.select %gt3A_447, %select_n3A_306, %select_n3A_446 : vector<16xi1>, vector<16xi32>
        %gt3A_452 = arith.cmpf ogt, %select_n3A_450, %select_n3A_310 : vector<16xf32>
        %select_n3A_453 = arith.select %gt3A_452, %select_n3A_450, %select_n3A_310 : vector<16xi1>, vector<16xf32>
        %select_n3A_454 = arith.select %gt3A_452, %select_n3A_451, %select_n3A_311 : vector<16xi1>, vector<16xi32>
        %select_n3A_455 = arith.select %gt3A_452, %select_n3A_310, %select_n3A_450 : vector<16xi1>, vector<16xf32>
        %select_n3A_456 = arith.select %gt3A_452, %select_n3A_311, %select_n3A_451 : vector<16xi1>, vector<16xi32>
        %gt3A_457 = arith.cmpf ogt, %select_n3A_455, %select_n3A_315 : vector<16xf32>
        %select_n3A_458 = arith.select %gt3A_457, %select_n3A_455, %select_n3A_315 : vector<16xi1>, vector<16xf32>
        %select_n3A_459 = arith.select %gt3A_457, %select_n3A_456, %select_n3A_316 : vector<16xi1>, vector<16xi32>
        %select_n3A_460 = arith.select %gt3A_457, %select_n3A_315, %select_n3A_455 : vector<16xi1>, vector<16xf32>
        %select_n3A_461 = arith.select %gt3A_457, %select_n3A_316, %select_n3A_456 : vector<16xi1>, vector<16xi32>
        %gt3A_462 = arith.cmpf ogt, %select_n3A_460, %select_n3A_320 : vector<16xf32>
        %select_n3A_463 = arith.select %gt3A_462, %select_n3A_460, %select_n3A_320 : vector<16xi1>, vector<16xf32>
        %select_n3A_464 = arith.select %gt3A_462, %select_n3A_461, %select_n3A_321 : vector<16xi1>, vector<16xi32>
        %select_n3A_465 = arith.select %gt3A_462, %select_n3A_320, %select_n3A_460 : vector<16xi1>, vector<16xf32>
        %select_n3A_466 = arith.select %gt3A_462, %select_n3A_321, %select_n3A_461 : vector<16xi1>, vector<16xi32>
        %add3A_467 = arith.constant 32 : i32
        %add3A_468 = arith.addi %mul3A_26, %add3A_467 : i32
        %get3A_469 = arith.index_cast %scan3A_395 : i32 to index
        %get3A_470 = arith.index_cast %add3A_468 : i32 to index
        %get3A_471 = tpu.vector_load %arg6[%get3A_469, %get3A_470] {strides = array<i32>} : memref<256x128xf32, #tpu.memory_space<vmem>>, vector<16xf32>,
        %gt3A_472 = arith.cmpf ogt, %get3A_471, %select_n3A_330 : vector<16xf32>
        %select_n3A_473 = arith.select %gt3A_472, %get3A_471, %select_n3A_330 : vector<16xi1>, vector<16xf32>
        %select_n3A_474 = arith.select %gt3A_472, %broadcast_in_dim3A_396, %select_n3A_331 : vector<16xi1>, vector<16xi32>
        %select_n3A_475 = arith.select %gt3A_472, %select_n3A_330, %get3A_471 : vector<16xi1>, vector<16xf32>
        %select_n3A_476 = arith.select %gt3A_472, %select_n3A_331, %broadcast_in_dim3A_396 : vector<16xi1>, vector<16xi32>
        %gt3A_477 = arith.cmpf ogt, %select_n3A_475, %select_n3A_335 : vector<16xf32>
        %select_n3A_478 = arith.select %gt3A_477, %select_n3A_475, %select_n3A_335 : vector<16xi1>, vector<16xf32>
        %select_n3A_479 = arith.select %gt3A_477, %select_n3A_476, %select_n3A_336 : vector<16xi1>, vector<16xi32>
        %select_n3A_480 = arith.select %gt3A_477, %select_n3A_335, %select_n3A_475 : vector<16xi1>, vector<16xf32>
        %select_n3A_481 = arith.select %gt3A_477, %select_n3A_336, %select_n3A_476 : vector<16xi1>, vector<16xi32>
        %gt3A_482 = arith.cmpf ogt, %select_n3A_480, %select_n3A_340 : vector<16xf32>
        %select_n3A_483 = arith.select %gt3A_482, %select_n3A_480, %select_n3A_340 : vector<16xi1>, vector<16xf32>
        %select_n3A_484 = arith.select %gt3A_482, %select_n3A_481, %select_n3A_341 : vector<16xi1>, vector<16xi32>
        %select_n3A_485 = arith.select %gt3A_482, %select_n3A_340, %select_n3A_480 : vector<16xi1>, vector<16xf32>
        %select_n3A_486 = arith.select %gt3A_482, %select_n3A_341, %select_n3A_481 : vector<16xi1>, vector<16xi32>
        %gt3A_487 = arith.cmpf ogt, %select_n3A_485, %select_n3A_345 : vector<16xf32>
        %select_n3A_488 = arith.select %gt3A_487, %select_n3A_485, %select_n3A_345 : vector<16xi1>, vector<16xf32>
        %select_n3A_489 = arith.select %gt3A_487, %select_n3A_486, %select_n3A_346 : vector<16xi1>, vector<16xi32>
        %select_n3A_490 = arith.select %gt3A_487, %select_n3A_345, %select_n3A_485 : vector<16xi1>, vector<16xf32>
        %select_n3A_491 = arith.select %gt3A_487, %select_n3A_346, %select_n3A_486 : vector<16xi1>, vector<16xi32>
        %gt3A_492 = arith.cmpf ogt, %select_n3A_490, %select_n3A_350 : vector<16xf32>
        %select_n3A_493 = arith.select %gt3A_492, %select_n3A_490, %select_n3A_350 : vector<16xi1>, vector<16xf32>
        %select_n3A_494 = arith.select %gt3A_492, %select_n3A_491, %select_n3A_351 : vector<16xi1>, vector<16xi32>
        %select_n3A_495 = arith.select %gt3A_492, %select_n3A_350, %select_n3A_490 : vector<16xi1>, vector<16xf32>
        %select_n3A_496 = arith.select %gt3A_492, %select_n3A_351, %select_n3A_491 : vector<16xi1>, vector<16xi32>
        %gt3A_497 = arith.cmpf ogt, %select_n3A_495, %select_n3A_355 : vector<16xf32>
        %select_n3A_498 = arith.select %gt3A_497, %select_n3A_495, %select_n3A_355 : vector<16xi1>, vector<16xf32>
        %select_n3A_499 = arith.select %gt3A_497, %select_n3A_496, %select_n3A_356 : vector<16xi1>, vector<16xi32>
        %select_n3A_500 = arith.select %gt3A_497, %select_n3A_355, %select_n3A_495 : vector<16xi1>, vector<16xf32>
        %select_n3A_501 = arith.select %gt3A_497, %select_n3A_356, %select_n3A_496 : vector<16xi1>, vector<16xi32>
        %add3A_502 = arith.constant 48 : i32
        %add3A_503 = arith.addi %mul3A_26, %add3A_502 : i32
        %get3A_504 = arith.index_cast %scan3A_395 : i32 to index
        %get3A_505 = arith.index_cast %add3A_503 : i32 to index
        %get3A_506 = tpu.vector_load %arg6[%get3A_504, %get3A_505] {strides = array<i32>} : memref<256x128xf32, #tpu.memory_space<vmem>>, vector<16xf32>,
        %gt3A_507 = arith.cmpf ogt, %get3A_506, %select_n3A_365 : vector<16xf32>
        %select_n3A_508 = arith.select %gt3A_507, %get3A_506, %select_n3A_365 : vector<16xi1>, vector<16xf32>
        %select_n3A_509 = arith.select %gt3A_507, %broadcast_in_dim3A_396, %select_n3A_366 : vector<16xi1>, vector<16xi32>
        %select_n3A_510 = arith.select %gt3A_507, %select_n3A_365, %get3A_506 : vector<16xi1>, vector<16xf32>
        %select_n3A_511 = arith.select %gt3A_507, %select_n3A_366, %broadcast_in_dim3A_396 : vector<16xi1>, vector<16xi32>
        %gt3A_512 = arith.cmpf ogt, %select_n3A_510, %select_n3A_370 : vector<16xf32>
        %select_n3A_513 = arith.select %gt3A_512, %select_n3A_510, %select_n3A_370 : vector<16xi1>, vector<16xf32>
        %select_n3A_514 = arith.select %gt3A_512, %select_n3A_511, %select_n3A_371 : vector<16xi1>, vector<16xi32>
        %select_n3A_515 = arith.select %gt3A_512, %select_n3A_370, %select_n3A_510 : vector<16xi1>, vector<16xf32>
        %select_n3A_516 = arith.select %gt3A_512, %select_n3A_371, %select_n3A_511 : vector<16xi1>, vector<16xi32>
        %gt3A_517 = arith.cmpf ogt, %select_n3A_515, %select_n3A_375 : vector<16xf32>
        %select_n3A_518 = arith.select %gt3A_517, %select_n3A_515, %select_n3A_375 : vector<16xi1>, vector<16xf32>
        %select_n3A_519 = arith.select %gt3A_517, %select_n3A_516, %select_n3A_376 : vector<16xi1>, vector<16xi32>
        %select_n3A_520 = arith.select %gt3A_517, %select_n3A_375, %select_n3A_515 : vector<16xi1>, vector<16xf32>
        %select_n3A_521 = arith.select %gt3A_517, %select_n3A_376, %select_n3A_516 : vector<16xi1>, vector<16xi32>
        %gt3A_522 = arith.cmpf ogt, %select_n3A_520, %select_n3A_380 : vector<16xf32>
        %select_n3A_523 = arith.select %gt3A_522, %select_n3A_520, %select_n3A_380 : vector<16xi1>, vector<16xf32>
        %select_n3A_524 = arith.select %gt3A_522, %select_n3A_521, %select_n3A_381 : vector<16xi1>, vector<16xi32>
        %select_n3A_525 = arith.select %gt3A_522, %select_n3A_380, %select_n3A_520 : vector<16xi1>, vector<16xf32>
        %select_n3A_526 = arith.select %gt3A_522, %select_n3A_381, %select_n3A_521 : vector<16xi1>, vector<16xi32>
        %gt3A_527 = arith.cmpf ogt, %select_n3A_525, %select_n3A_385 : vector<16xf32>
        %select_n3A_528 = arith.select %gt3A_527, %select_n3A_525, %select_n3A_385 : vector<16xi1>, vector<16xf32>
        %select_n3A_529 = arith.select %gt3A_527, %select_n3A_526, %select_n3A_386 : vector<16xi1>, vector<16xi32>
        %select_n3A_530 = arith.select %gt3A_527, %select_n3A_385, %select_n3A_525 : vector<16xi1>, vector<16xf32>
        %select_n3A_531 = arith.select %gt3A_527, %select_n3A_386, %select_n3A_526 : vector<16xi1>, vector<16xi32>
        %gt3A_532 = arith.cmpf ogt, %select_n3A_530, %select_n3A_390 : vector<16xf32>
        %select_n3A_533 = arith.select %gt3A_532, %select_n3A_530, %select_n3A_390 : vector<16xi1>, vector<16xf32>
        %select_n3A_534 = arith.select %gt3A_532, %select_n3A_531, %select_n3A_391 : vector<16xi1>, vector<16xi32>
        %select_n3A_535 = arith.select %gt3A_532, %select_n3A_390, %select_n3A_530 : vector<16xi1>, vector<16xf32>
        %select_n3A_536 = arith.select %gt3A_532, %select_n3A_391, %select_n3A_531 : vector<16xi1>, vector<16xi32>
        %scan3A_537 = arith.constant 2 : i32
        %scan3A_538 = arith.addi %scan3A_207, %scan3A_537 : i32
        %broadcast_in_dim3A_539 = vector.broadcast %scan3A_538 : i32 to vector<16xi32>
        %add3A_540 = arith.constant 0 : i32
        %add3A_541 = arith.addi %mul3A_26, %add3A_540 : i32
        %get3A_542 = arith.index_cast %scan3A_538 : i32 to index
        %get3A_543 = arith.index_cast %add3A_541 : i32 to index
        %get3A_544 = tpu.vector_load %arg6[%get3A_542, %get3A_543] {strides = array<i32>} : memref<256x128xf32, #tpu.memory_space<vmem>>, vector<16xf32>,
        %gt3A_545 = arith.cmpf ogt, %get3A_544, %select_n3A_403 : vector<16xf32>
        %select_n3A_546 = arith.select %gt3A_545, %get3A_544, %select_n3A_403 : vector<16xi1>, vector<16xf32>
        %select_n3A_547 = arith.select %gt3A_545, %broadcast_in_dim3A_539, %select_n3A_404 : vector<16xi1>, vector<16xi32>
        %select_n3A_548 = arith.select %gt3A_545, %select_n3A_403, %get3A_544 : vector<16xi1>, vector<16xf32>
        %select_n3A_549 = arith.select %gt3A_545, %select_n3A_404, %broadcast_in_dim3A_539 : vector<16xi1>, vector<16xi32>
        %gt3A_550 = arith.cmpf ogt, %select_n3A_548, %select_n3A_408 : vector<16xf32>
        %select_n3A_551 = arith.select %gt3A_550, %select_n3A_548, %select_n3A_408 : vector<16xi1>, vector<16xf32>
        %select_n3A_552 = arith.select %gt3A_550, %select_n3A_549, %select_n3A_409 : vector<16xi1>, vector<16xi32>
        %select_n3A_553 = arith.select %gt3A_550, %select_n3A_408, %select_n3A_548 : vector<16xi1>, vector<16xf32>
        %select_n3A_554 = arith.select %gt3A_550, %select_n3A_409, %select_n3A_549 : vector<16xi1>, vector<16xi32>
        %gt3A_555 = arith.cmpf ogt, %select_n3A_553, %select_n3A_413 : vector<16xf32>
        %select_n3A_556 = arith.select %gt3A_555, %select_n3A_553, %select_n3A_413 : vector<16xi1>, vector<16xf32>
        %select_n3A_557 = arith.select %gt3A_555, %select_n3A_554, %select_n3A_414 : vector<16xi1>, vector<16xi32>
        %select_n3A_558 = arith.select %gt3A_555, %select_n3A_413, %select_n3A_553 : vector<16xi1>, vector<16xf32>
        %select_n3A_559 = arith.select %gt3A_555, %select_n3A_414, %select_n3A_554 : vector<16xi1>, vector<16xi32>
        %gt3A_560 = arith.cmpf ogt, %select_n3A_558, %select_n3A_418 : vector<16xf32>
        %select_n3A_561 = arith.select %gt3A_560, %select_n3A_558, %select_n3A_418 : vector<16xi1>, vector<16xf32>
        %select_n3A_562 = arith.select %gt3A_560, %select_n3A_559, %select_n3A_419 : vector<16xi1>, vector<16xi32>
        %select_n3A_563 = arith.select %gt3A_560, %select_n3A_418, %select_n3A_558 : vector<16xi1>, vector<16xf32>
        %select_n3A_564 = arith.select %gt3A_560, %select_n3A_419, %select_n3A_559 : vector<16xi1>, vector<16xi32>
        %gt3A_565 = arith.cmpf ogt, %select_n3A_563, %select_n3A_423 : vector<16xf32>
        %select_n3A_566 = arith.select %gt3A_565, %select_n3A_563, %select_n3A_423 : vector<16xi1>, vector<16xf32>
        %select_n3A_567 = arith.select %gt3A_565, %select_n3A_564, %select_n3A_424 : vector<16xi1>, vector<16xi32>
        %select_n3A_568 = arith.select %gt3A_565, %select_n3A_423, %select_n3A_563 : vector<16xi1>, vector<16xf32>
        %select_n3A_569 = arith.select %gt3A_565, %select_n3A_424, %select_n3A_564 : vector<16xi1>, vector<16xi32>
        %gt3A_570 = arith.cmpf ogt, %select_n3A_568, %select_n3A_428 : vector<16xf32>
        %select_n3A_571 = arith.select %gt3A_570, %select_n3A_568, %select_n3A_428 : vector<16xi1>, vector<16xf32>
        %select_n3A_572 = arith.select %gt3A_570, %select_n3A_569, %select_n3A_429 : vector<16xi1>, vector<16xi32>
        %select_n3A_573 = arith.select %gt3A_570, %select_n3A_428, %select_n3A_568 : vector<16xi1>, vector<16xf32>
        %select_n3A_574 = arith.select %gt3A_570, %select_n3A_429, %select_n3A_569 : vector<16xi1>, vector<16xi32>
        %add3A_575 = arith.constant 16 : i32
        %add3A_576 = arith.addi %mul3A_26, %add3A_575 : i32
        %get3A_577 = arith.index_cast %scan3A_538 : i32 to index
        %get3A_578 = arith.index_cast %add3A_576 : i32 to index
        %get3A_579 = tpu.vector_load %arg6[%get3A_577, %get3A_578] {strides = array<i32>} : memref<256x128xf32, #tpu.memory_space<vmem>>, vector<16xf32>,
        %gt3A_580 = arith.cmpf ogt, %get3A_579, %select_n3A_438 : vector<16xf32>
        %select_n3A_581 = arith.select %gt3A_580, %get3A_579, %select_n3A_438 : vector<16xi1>, vector<16xf32>
        %select_n3A_582 = arith.select %gt3A_580, %broadcast_in_dim3A_539, %select_n3A_439 : vector<16xi1>, vector<16xi32>
        %select_n3A_583 = arith.select %gt3A_580, %select_n3A_438, %get3A_579 : vector<16xi1>, vector<16xf32>
        %select_n3A_584 = arith.select %gt3A_580, %select_n3A_439, %broadcast_in_dim3A_539 : vector<16xi1>, vector<16xi32>
        %gt3A_585 = arith.cmpf ogt, %select_n3A_583, %select_n3A_443 : vector<16xf32>
        %select_n3A_586 = arith.select %gt3A_585, %select_n3A_583, %select_n3A_443 : vector<16xi1>, vector<16xf32>
        %select_n3A_587 = arith.select %gt3A_585, %select_n3A_584, %select_n3A_444 : vector<16xi1>, vector<16xi32>
        %select_n3A_588 = arith.select %gt3A_585, %select_n3A_443, %select_n3A_583 : vector<16xi1>, vector<16xf32>
        %select_n3A_589 = arith.select %gt3A_585, %select_n3A_444, %select_n3A_584 : vector<16xi1>, vector<16xi32>
        %gt3A_590 = arith.cmpf ogt, %select_n3A_588, %select_n3A_448 : vector<16xf32>
        %select_n3A_591 = arith.select %gt3A_590, %select_n3A_588, %select_n3A_448 : vector<16xi1>, vector<16xf32>
        %select_n3A_592 = arith.select %gt3A_590, %select_n3A_589, %select_n3A_449 : vector<16xi1>, vector<16xi32>
        %select_n3A_593 = arith.select %gt3A_590, %select_n3A_448, %select_n3A_588 : vector<16xi1>, vector<16xf32>
        %select_n3A_594 = arith.select %gt3A_590, %select_n3A_449, %select_n3A_589 : vector<16xi1>, vector<16xi32>
        %gt3A_595 = arith.cmpf ogt, %select_n3A_593, %select_n3A_453 : vector<16xf32>
        %select_n3A_596 = arith.select %gt3A_595, %select_n3A_593, %select_n3A_453 : vector<16xi1>, vector<16xf32>
        %select_n3A_597 = arith.select %gt3A_595, %select_n3A_594, %select_n3A_454 : vector<16xi1>, vector<16xi32>
        %select_n3A_598 = arith.select %gt3A_595, %select_n3A_453, %select_n3A_593 : vector<16xi1>, vector<16xf32>
        %select_n3A_599 = arith.select %gt3A_595, %select_n3A_454, %select_n3A_594 : vector<16xi1>, vector<16xi32>
        %gt3A_600 = arith.cmpf ogt, %select_n3A_598, %select_n3A_458 : vector<16xf32>
        %select_n3A_601 = arith.select %gt3A_600, %select_n3A_598, %select_n3A_458 : vector<16xi1>, vector<16xf32>
        %select_n3A_602 = arith.select %gt3A_600, %select_n3A_599, %select_n3A_459 : vector<16xi1>, vector<16xi32>
        %select_n3A_603 = arith.select %gt3A_600, %select_n3A_458, %select_n3A_598 : vector<16xi1>, vector<16xf32>
        %select_n3A_604 = arith.select %gt3A_600, %select_n3A_459, %select_n3A_599 : vector<16xi1>, vector<16xi32>
        %gt3A_605 = arith.cmpf ogt, %select_n3A_603, %select_n3A_463 : vector<16xf32>
        %select_n3A_606 = arith.select %gt3A_605, %select_n3A_603, %select_n3A_463 : vector<16xi1>, vector<16xf32>
        %select_n3A_607 = arith.select %gt3A_605, %select_n3A_604, %select_n3A_464 : vector<16xi1>, vector<16xi32>
        %select_n3A_608 = arith.select %gt3A_605, %select_n3A_463, %select_n3A_603 : vector<16xi1>, vector<16xf32>
        %select_n3A_609 = arith.select %gt3A_605, %select_n3A_464, %select_n3A_604 : vector<16xi1>, vector<16xi32>
        %add3A_610 = arith.constant 32 : i32
        %add3A_611 = arith.addi %mul3A_26, %add3A_610 : i32
        %get3A_612 = arith.index_cast %scan3A_538 : i32 to index
        %get3A_613 = arith.index_cast %add3A_611 : i32 to index
        %get3A_614 = tpu.vector_load %arg6[%get3A_612, %get3A_613] {strides = array<i32>} : memref<256x128xf32, #tpu.memory_space<vmem>>, vector<16xf32>,
        %gt3A_615 = arith.cmpf ogt, %get3A_614, %select_n3A_473 : vector<16xf32>
        %select_n3A_616 = arith.select %gt3A_615, %get3A_614, %select_n3A_473 : vector<16xi1>, vector<16xf32>
        %select_n3A_617 = arith.select %gt3A_615, %broadcast_in_dim3A_539, %select_n3A_474 : vector<16xi1>, vector<16xi32>
        %select_n3A_618 = arith.select %gt3A_615, %select_n3A_473, %get3A_614 : vector<16xi1>, vector<16xf32>
        %select_n3A_619 = arith.select %gt3A_615, %select_n3A_474, %broadcast_in_dim3A_539 : vector<16xi1>, vector<16xi32>
        %gt3A_620 = arith.cmpf ogt, %select_n3A_618, %select_n3A_478 : vector<16xf32>
        %select_n3A_621 = arith.select %gt3A_620, %select_n3A_618, %select_n3A_478 : vector<16xi1>, vector<16xf32>
        %select_n3A_622 = arith.select %gt3A_620, %select_n3A_619, %select_n3A_479 : vector<16xi1>, vector<16xi32>
        %select_n3A_623 = arith.select %gt3A_620, %select_n3A_478, %select_n3A_618 : vector<16xi1>, vector<16xf32>
        %select_n3A_624 = arith.select %gt3A_620, %select_n3A_479, %select_n3A_619 : vector<16xi1>, vector<16xi32>
        %gt3A_625 = arith.cmpf ogt, %select_n3A_623, %select_n3A_483 : vector<16xf32>
        %select_n3A_626 = arith.select %gt3A_625, %select_n3A_623, %select_n3A_483 : vector<16xi1>, vector<16xf32>
        %select_n3A_627 = arith.select %gt3A_625, %select_n3A_624, %select_n3A_484 : vector<16xi1>, vector<16xi32>
        %select_n3A_628 = arith.select %gt3A_625, %select_n3A_483, %select_n3A_623 : vector<16xi1>, vector<16xf32>
        %select_n3A_629 = arith.select %gt3A_625, %select_n3A_484, %select_n3A_624 : vector<16xi1>, vector<16xi32>
        %gt3A_630 = arith.cmpf ogt, %select_n3A_628, %select_n3A_488 : vector<16xf32>
        %select_n3A_631 = arith.select %gt3A_630, %select_n3A_628, %select_n3A_488 : vector<16xi1>, vector<16xf32>
        %select_n3A_632 = arith.select %gt3A_630, %select_n3A_629, %select_n3A_489 : vector<16xi1>, vector<16xi32>
        %select_n3A_633 = arith.select %gt3A_630, %select_n3A_488, %select_n3A_628 : vector<16xi1>, vector<16xf32>
        %select_n3A_634 = arith.select %gt3A_630, %select_n3A_489, %select_n3A_629 : vector<16xi1>, vector<16xi32>
        %gt3A_635 = arith.cmpf ogt, %select_n3A_633, %select_n3A_493 : vector<16xf32>
        %select_n3A_636 = arith.select %gt3A_635, %select_n3A_633, %select_n3A_493 : vector<16xi1>, vector<16xf32>
        %select_n3A_637 = arith.select %gt3A_635, %select_n3A_634, %select_n3A_494 : vector<16xi1>, vector<16xi32>
        %select_n3A_638 = arith.select %gt3A_635, %select_n3A_493, %select_n3A_633 : vector<16xi1>, vector<16xf32>
        %select_n3A_639 = arith.select %gt3A_635, %select_n3A_494, %select_n3A_634 : vector<16xi1>, vector<16xi32>
        %gt3A_640 = arith.cmpf ogt, %select_n3A_638, %select_n3A_498 : vector<16xf32>
        %select_n3A_641 = arith.select %gt3A_640, %select_n3A_638, %select_n3A_498 : vector<16xi1>, vector<16xf32>
        %select_n3A_642 = arith.select %gt3A_640, %select_n3A_639, %select_n3A_499 : vector<16xi1>, vector<16xi32>
        %select_n3A_643 = arith.select %gt3A_640, %select_n3A_498, %select_n3A_638 : vector<16xi1>, vector<16xf32>
        %select_n3A_644 = arith.select %gt3A_640, %select_n3A_499, %select_n3A_639 : vector<16xi1>, vector<16xi32>
        %add3A_645 = arith.constant 48 : i32
        %add3A_646 = arith.addi %mul3A_26, %add3A_645 : i32
        %get3A_647 = arith.index_cast %scan3A_538 : i32 to index
        %get3A_648 = arith.index_cast %add3A_646 : i32 to index
        %get3A_649 = tpu.vector_load %arg6[%get3A_647, %get3A_648] {strides = array<i32>} : memref<256x128xf32, #tpu.memory_space<vmem>>, vector<16xf32>,
        %gt3A_650 = arith.cmpf ogt, %get3A_649, %select_n3A_508 : vector<16xf32>
        %select_n3A_651 = arith.select %gt3A_650, %get3A_649, %select_n3A_508 : vector<16xi1>, vector<16xf32>
        %select_n3A_652 = arith.select %gt3A_650, %broadcast_in_dim3A_539, %select_n3A_509 : vector<16xi1>, vector<16xi32>
        %select_n3A_653 = arith.select %gt3A_650, %select_n3A_508, %get3A_649 : vector<16xi1>, vector<16xf32>
        %select_n3A_654 = arith.select %gt3A_650, %select_n3A_509, %broadcast_in_dim3A_539 : vector<16xi1>, vector<16xi32>
        %gt3A_655 = arith.cmpf ogt, %select_n3A_653, %select_n3A_513 : vector<16xf32>
        %select_n3A_656 = arith.select %gt3A_655, %select_n3A_653, %select_n3A_513 : vector<16xi1>, vector<16xf32>
        %select_n3A_657 = arith.select %gt3A_655, %select_n3A_654, %select_n3A_514 : vector<16xi1>, vector<16xi32>
        %select_n3A_658 = arith.select %gt3A_655, %select_n3A_513, %select_n3A_653 : vector<16xi1>, vector<16xf32>
        %select_n3A_659 = arith.select %gt3A_655, %select_n3A_514, %select_n3A_654 : vector<16xi1>, vector<16xi32>
        %gt3A_660 = arith.cmpf ogt, %select_n3A_658, %select_n3A_518 : vector<16xf32>
        %select_n3A_661 = arith.select %gt3A_660, %select_n3A_658, %select_n3A_518 : vector<16xi1>, vector<16xf32>
        %select_n3A_662 = arith.select %gt3A_660, %select_n3A_659, %select_n3A_519 : vector<16xi1>, vector<16xi32>
        %select_n3A_663 = arith.select %gt3A_660, %select_n3A_518, %select_n3A_658 : vector<16xi1>, vector<16xf32>
        %select_n3A_664 = arith.select %gt3A_660, %select_n3A_519, %select_n3A_659 : vector<16xi1>, vector<16xi32>
        %gt3A_665 = arith.cmpf ogt, %select_n3A_663, %select_n3A_523 : vector<16xf32>
        %select_n3A_666 = arith.select %gt3A_665, %select_n3A_663, %select_n3A_523 : vector<16xi1>, vector<16xf32>
        %select_n3A_667 = arith.select %gt3A_665, %select_n3A_664, %select_n3A_524 : vector<16xi1>, vector<16xi32>
        %select_n3A_668 = arith.select %gt3A_665, %select_n3A_523, %select_n3A_663 : vector<16xi1>, vector<16xf32>
        %select_n3A_669 = arith.select %gt3A_665, %select_n3A_524, %select_n3A_664 : vector<16xi1>, vector<16xi32>
        %gt3A_670 = arith.cmpf ogt, %select_n3A_668, %select_n3A_528 : vector<16xf32>
        %select_n3A_671 = arith.select %gt3A_670, %select_n3A_668, %select_n3A_528 : vector<16xi1>, vector<16xf32>
        %select_n3A_672 = arith.select %gt3A_670, %select_n3A_669, %select_n3A_529 : vector<16xi1>, vector<16xi32>
        %select_n3A_673 = arith.select %gt3A_670, %select_n3A_528, %select_n3A_668 : vector<16xi1>, vector<16xf32>
        %select_n3A_674 = arith.select %gt3A_670, %select_n3A_529, %select_n3A_669 : vector<16xi1>, vector<16xi32>
        %gt3A_675 = arith.cmpf ogt, %select_n3A_673, %select_n3A_533 : vector<16xf32>
        %select_n3A_676 = arith.select %gt3A_675, %select_n3A_673, %select_n3A_533 : vector<16xi1>, vector<16xf32>
        %select_n3A_677 = arith.select %gt3A_675, %select_n3A_674, %select_n3A_534 : vector<16xi1>, vector<16xi32>
        %select_n3A_678 = arith.select %gt3A_675, %select_n3A_533, %select_n3A_673 : vector<16xi1>, vector<16xf32>
        %select_n3A_679 = arith.select %gt3A_675, %select_n3A_534, %select_n3A_674 : vector<16xi1>, vector<16xi32>
        %scan3A_680 = arith.constant 3 : i32
        %scan3A_681 = arith.addi %scan3A_207, %scan3A_680 : i32
        %broadcast_in_dim3A_682 = vector.broadcast %scan3A_681 : i32 to vector<16xi32>
        %add3A_683 = arith.constant 0 : i32
        %add3A_684 = arith.addi %mul3A_26, %add3A_683 : i32
        %get3A_685 = arith.index_cast %scan3A_681 : i32 to index
        %get3A_686 = arith.index_cast %add3A_684 : i32 to index
        %get3A_687 = tpu.vector_load %arg6[%get3A_685, %get3A_686] {strides = array<i32>} : memref<256x128xf32, #tpu.memory_space<vmem>>, vector<16xf32>,
        %gt3A_688 = arith.cmpf ogt, %get3A_687, %select_n3A_546 : vector<16xf32>
        %select_n3A_689 = arith.select %gt3A_688, %get3A_687, %select_n3A_546 : vector<16xi1>, vector<16xf32>
        %select_n3A_690 = arith.select %gt3A_688, %broadcast_in_dim3A_682, %select_n3A_547 : vector<16xi1>, vector<16xi32>
        %select_n3A_691 = arith.select %gt3A_688, %select_n3A_546, %get3A_687 : vector<16xi1>, vector<16xf32>
        %select_n3A_692 = arith.select %gt3A_688, %select_n3A_547, %broadcast_in_dim3A_682 : vector<16xi1>, vector<16xi32>
        %gt3A_693 = arith.cmpf ogt, %select_n3A_691, %select_n3A_551 : vector<16xf32>
        %select_n3A_694 = arith.select %gt3A_693, %select_n3A_691, %select_n3A_551 : vector<16xi1>, vector<16xf32>
        %select_n3A_695 = arith.select %gt3A_693, %select_n3A_692, %select_n3A_552 : vector<16xi1>, vector<16xi32>
        %select_n3A_696 = arith.select %gt3A_693, %select_n3A_551, %select_n3A_691 : vector<16xi1>, vector<16xf32>
        %select_n3A_697 = arith.select %gt3A_693, %select_n3A_552, %select_n3A_692 : vector<16xi1>, vector<16xi32>
        %gt3A_698 = arith.cmpf ogt, %select_n3A_696, %select_n3A_556 : vector<16xf32>
        %select_n3A_699 = arith.select %gt3A_698, %select_n3A_696, %select_n3A_556 : vector<16xi1>, vector<16xf32>
        %select_n3A_700 = arith.select %gt3A_698, %select_n3A_697, %select_n3A_557 : vector<16xi1>, vector<16xi32>
        %select_n3A_701 = arith.select %gt3A_698, %select_n3A_556, %select_n3A_696 : vector<16xi1>, vector<16xf32>
        %select_n3A_702 = arith.select %gt3A_698, %select_n3A_557, %select_n3A_697 : vector<16xi1>, vector<16xi32>
        %gt3A_703 = arith.cmpf ogt, %select_n3A_701, %select_n3A_561 : vector<16xf32>
        %select_n3A_704 = arith.select %gt3A_703, %select_n3A_701, %select_n3A_561 : vector<16xi1>, vector<16xf32>
        %select_n3A_705 = arith.select %gt3A_703, %select_n3A_702, %select_n3A_562 : vector<16xi1>, vector<16xi32>
        %select_n3A_706 = arith.select %gt3A_703, %select_n3A_561, %select_n3A_701 : vector<16xi1>, vector<16xf32>
        %select_n3A_707 = arith.select %gt3A_703, %select_n3A_562, %select_n3A_702 : vector<16xi1>, vector<16xi32>
        %gt3A_708 = arith.cmpf ogt, %select_n3A_706, %select_n3A_566 : vector<16xf32>
        %select_n3A_709 = arith.select %gt3A_708, %select_n3A_706, %select_n3A_566 : vector<16xi1>, vector<16xf32>
        %select_n3A_710 = arith.select %gt3A_708, %select_n3A_707, %select_n3A_567 : vector<16xi1>, vector<16xi32>
        %select_n3A_711 = arith.select %gt3A_708, %select_n3A_566, %select_n3A_706 : vector<16xi1>, vector<16xf32>
        %select_n3A_712 = arith.select %gt3A_708, %select_n3A_567, %select_n3A_707 : vector<16xi1>, vector<16xi32>
        %gt3A_713 = arith.cmpf ogt, %select_n3A_711, %select_n3A_571 : vector<16xf32>
        %select_n3A_714 = arith.select %gt3A_713, %select_n3A_711, %select_n3A_571 : vector<16xi1>, vector<16xf32>
        %select_n3A_715 = arith.select %gt3A_713, %select_n3A_712, %select_n3A_572 : vector<16xi1>, vector<16xi32>
        %select_n3A_716 = arith.select %gt3A_713, %select_n3A_571, %select_n3A_711 : vector<16xi1>, vector<16xf32>
        %select_n3A_717 = arith.select %gt3A_713, %select_n3A_572, %select_n3A_712 : vector<16xi1>, vector<16xi32>
        %add3A_718 = arith.constant 16 : i32
        %add3A_719 = arith.addi %mul3A_26, %add3A_718 : i32
        %get3A_720 = arith.index_cast %scan3A_681 : i32 to index
        %get3A_721 = arith.index_cast %add3A_719 : i32 to index
        %get3A_722 = tpu.vector_load %arg6[%get3A_720, %get3A_721] {strides = array<i32>} : memref<256x128xf32, #tpu.memory_space<vmem>>, vector<16xf32>,
        %gt3A_723 = arith.cmpf ogt, %get3A_722, %select_n3A_581 : vector<16xf32>
        %select_n3A_724 = arith.select %gt3A_723, %get3A_722, %select_n3A_581 : vector<16xi1>, vector<16xf32>
        %select_n3A_725 = arith.select %gt3A_723, %broadcast_in_dim3A_682, %select_n3A_582 : vector<16xi1>, vector<16xi32>
        %select_n3A_726 = arith.select %gt3A_723, %select_n3A_581, %get3A_722 : vector<16xi1>, vector<16xf32>
        %select_n3A_727 = arith.select %gt3A_723, %select_n3A_582, %broadcast_in_dim3A_682 : vector<16xi1>, vector<16xi32>
        %gt3A_728 = arith.cmpf ogt, %select_n3A_726, %select_n3A_586 : vector<16xf32>
        %select_n3A_729 = arith.select %gt3A_728, %select_n3A_726, %select_n3A_586 : vector<16xi1>, vector<16xf32>
        %select_n3A_730 = arith.select %gt3A_728, %select_n3A_727, %select_n3A_587 : vector<16xi1>, vector<16xi32>
        %select_n3A_731 = arith.select %gt3A_728, %select_n3A_586, %select_n3A_726 : vector<16xi1>, vector<16xf32>
        %select_n3A_732 = arith.select %gt3A_728, %select_n3A_587, %select_n3A_727 : vector<16xi1>, vector<16xi32>
        %gt3A_733 = arith.cmpf ogt, %select_n3A_731, %select_n3A_591 : vector<16xf32>
        %select_n3A_734 = arith.select %gt3A_733, %select_n3A_731, %select_n3A_591 : vector<16xi1>, vector<16xf32>
        %select_n3A_735 = arith.select %gt3A_733, %select_n3A_732, %select_n3A_592 : vector<16xi1>, vector<16xi32>
        %select_n3A_736 = arith.select %gt3A_733, %select_n3A_591, %select_n3A_731 : vector<16xi1>, vector<16xf32>
        %select_n3A_737 = arith.select %gt3A_733, %select_n3A_592, %select_n3A_732 : vector<16xi1>, vector<16xi32>
        %gt3A_738 = arith.cmpf ogt, %select_n3A_736, %select_n3A_596 : vector<16xf32>
        %select_n3A_739 = arith.select %gt3A_738, %select_n3A_736, %select_n3A_596 : vector<16xi1>, vector<16xf32>
        %select_n3A_740 = arith.select %gt3A_738, %select_n3A_737, %select_n3A_597 : vector<16xi1>, vector<16xi32>
        %select_n3A_741 = arith.select %gt3A_738, %select_n3A_596, %select_n3A_736 : vector<16xi1>, vector<16xf32>
        %select_n3A_742 = arith.select %gt3A_738, %select_n3A_597, %select_n3A_737 : vector<16xi1>, vector<16xi32>
        %gt3A_743 = arith.cmpf ogt, %select_n3A_741, %select_n3A_601 : vector<16xf32>
        %select_n3A_744 = arith.select %gt3A_743, %select_n3A_741, %select_n3A_601 : vector<16xi1>, vector<16xf32>
        %select_n3A_745 = arith.select %gt3A_743, %select_n3A_742, %select_n3A_602 : vector<16xi1>, vector<16xi32>
        %select_n3A_746 = arith.select %gt3A_743, %select_n3A_601, %select_n3A_741 : vector<16xi1>, vector<16xf32>
        %select_n3A_747 = arith.select %gt3A_743, %select_n3A_602, %select_n3A_742 : vector<16xi1>, vector<16xi32>
        %gt3A_748 = arith.cmpf ogt, %select_n3A_746, %select_n3A_606 : vector<16xf32>
        %select_n3A_749 = arith.select %gt3A_748, %select_n3A_746, %select_n3A_606 : vector<16xi1>, vector<16xf32>
        %select_n3A_750 = arith.select %gt3A_748, %select_n3A_747, %select_n3A_607 : vector<16xi1>, vector<16xi32>
        %select_n3A_751 = arith.select %gt3A_748, %select_n3A_606, %select_n3A_746 : vector<16xi1>, vector<16xf32>
        %select_n3A_752 = arith.select %gt3A_748, %select_n3A_607, %select_n3A_747 : vector<16xi1>, vector<16xi32>
        %add3A_753 = arith.constant 32 : i32
        %add3A_754 = arith.addi %mul3A_26, %add3A_753 : i32
        %get3A_755 = arith.index_cast %scan3A_681 : i32 to index
        %get3A_756 = arith.index_cast %add3A_754 : i32 to index
        %get3A_757 = tpu.vector_load %arg6[%get3A_755, %get3A_756] {strides = array<i32>} : memref<256x128xf32, #tpu.memory_space<vmem>>, vector<16xf32>,
        %gt3A_758 = arith.cmpf ogt, %get3A_757, %select_n3A_616 : vector<16xf32>
        %select_n3A_759 = arith.select %gt3A_758, %get3A_757, %select_n3A_616 : vector<16xi1>, vector<16xf32>
        %select_n3A_760 = arith.select %gt3A_758, %broadcast_in_dim3A_682, %select_n3A_617 : vector<16xi1>, vector<16xi32>
        %select_n3A_761 = arith.select %gt3A_758, %select_n3A_616, %get3A_757 : vector<16xi1>, vector<16xf32>
        %select_n3A_762 = arith.select %gt3A_758, %select_n3A_617, %broadcast_in_dim3A_682 : vector<16xi1>, vector<16xi32>
        %gt3A_763 = arith.cmpf ogt, %select_n3A_761, %select_n3A_621 : vector<16xf32>
        %select_n3A_764 = arith.select %gt3A_763, %select_n3A_761, %select_n3A_621 : vector<16xi1>, vector<16xf32>
        %select_n3A_765 = arith.select %gt3A_763, %select_n3A_762, %select_n3A_622 : vector<16xi1>, vector<16xi32>
        %select_n3A_766 = arith.select %gt3A_763, %select_n3A_621, %select_n3A_761 : vector<16xi1>, vector<16xf32>
        %select_n3A_767 = arith.select %gt3A_763, %select_n3A_622, %select_n3A_762 : vector<16xi1>, vector<16xi32>
        %gt3A_768 = arith.cmpf ogt, %select_n3A_766, %select_n3A_626 : vector<16xf32>
        %select_n3A_769 = arith.select %gt3A_768, %select_n3A_766, %select_n3A_626 : vector<16xi1>, vector<16xf32>
        %select_n3A_770 = arith.select %gt3A_768, %select_n3A_767, %select_n3A_627 : vector<16xi1>, vector<16xi32>
        %select_n3A_771 = arith.select %gt3A_768, %select_n3A_626, %select_n3A_766 : vector<16xi1>, vector<16xf32>
        %select_n3A_772 = arith.select %gt3A_768, %select_n3A_627, %select_n3A_767 : vector<16xi1>, vector<16xi32>
        %gt3A_773 = arith.cmpf ogt, %select_n3A_771, %select_n3A_631 : vector<16xf32>
        %select_n3A_774 = arith.select %gt3A_773, %select_n3A_771, %select_n3A_631 : vector<16xi1>, vector<16xf32>
        %select_n3A_775 = arith.select %gt3A_773, %select_n3A_772, %select_n3A_632 : vector<16xi1>, vector<16xi32>
        %select_n3A_776 = arith.select %gt3A_773, %select_n3A_631, %select_n3A_771 : vector<16xi1>, vector<16xf32>
        %select_n3A_777 = arith.select %gt3A_773, %select_n3A_632, %select_n3A_772 : vector<16xi1>, vector<16xi32>
        %gt3A_778 = arith.cmpf ogt, %select_n3A_776, %select_n3A_636 : vector<16xf32>
        %select_n3A_779 = arith.select %gt3A_778, %select_n3A_776, %select_n3A_636 : vector<16xi1>, vector<16xf32>
        %select_n3A_780 = arith.select %gt3A_778, %select_n3A_777, %select_n3A_637 : vector<16xi1>, vector<16xi32>
        %select_n3A_781 = arith.select %gt3A_778, %select_n3A_636, %select_n3A_776 : vector<16xi1>, vector<16xf32>
        %select_n3A_782 = arith.select %gt3A_778, %select_n3A_637, %select_n3A_777 : vector<16xi1>, vector<16xi32>
        %gt3A_783 = arith.cmpf ogt, %select_n3A_781, %select_n3A_641 : vector<16xf32>
        %select_n3A_784 = arith.select %gt3A_783, %select_n3A_781, %select_n3A_641 : vector<16xi1>, vector<16xf32>
        %select_n3A_785 = arith.select %gt3A_783, %select_n3A_782, %select_n3A_642 : vector<16xi1>, vector<16xi32>
        %select_n3A_786 = arith.select %gt3A_783, %select_n3A_641, %select_n3A_781 : vector<16xi1>, vector<16xf32>
        %select_n3A_787 = arith.select %gt3A_783, %select_n3A_642, %select_n3A_782 : vector<16xi1>, vector<16xi32>
        %add3A_788 = arith.constant 48 : i32
        %add3A_789 = arith.addi %mul3A_26, %add3A_788 : i32
        %get3A_790 = arith.index_cast %scan3A_681 : i32 to index
        %get3A_791 = arith.index_cast %add3A_789 : i32 to index
        %get3A_792 = tpu.vector_load %arg6[%get3A_790, %get3A_791] {strides = array<i32>} : memref<256x128xf32, #tpu.memory_space<vmem>>, vector<16xf32>,
        %gt3A_793 = arith.cmpf ogt, %get3A_792, %select_n3A_651 : vector<16xf32>
        %select_n3A_794 = arith.select %gt3A_793, %get3A_792, %select_n3A_651 : vector<16xi1>, vector<16xf32>
        %select_n3A_795 = arith.select %gt3A_793, %broadcast_in_dim3A_682, %select_n3A_652 : vector<16xi1>, vector<16xi32>
        %select_n3A_796 = arith.select %gt3A_793, %select_n3A_651, %get3A_792 : vector<16xi1>, vector<16xf32>
        %select_n3A_797 = arith.select %gt3A_793, %select_n3A_652, %broadcast_in_dim3A_682 : vector<16xi1>, vector<16xi32>
        %gt3A_798 = arith.cmpf ogt, %select_n3A_796, %select_n3A_656 : vector<16xf32>
        %select_n3A_799 = arith.select %gt3A_798, %select_n3A_796, %select_n3A_656 : vector<16xi1>, vector<16xf32>
        %select_n3A_800 = arith.select %gt3A_798, %select_n3A_797, %select_n3A_657 : vector<16xi1>, vector<16xi32>
        %select_n3A_801 = arith.select %gt3A_798, %select_n3A_656, %select_n3A_796 : vector<16xi1>, vector<16xf32>
        %select_n3A_802 = arith.select %gt3A_798, %select_n3A_657, %select_n3A_797 : vector<16xi1>, vector<16xi32>
        %gt3A_803 = arith.cmpf ogt, %select_n3A_801, %select_n3A_661 : vector<16xf32>
        %select_n3A_804 = arith.select %gt3A_803, %select_n3A_801, %select_n3A_661 : vector<16xi1>, vector<16xf32>
        %select_n3A_805 = arith.select %gt3A_803, %select_n3A_802, %select_n3A_662 : vector<16xi1>, vector<16xi32>
        %select_n3A_806 = arith.select %gt3A_803, %select_n3A_661, %select_n3A_801 : vector<16xi1>, vector<16xf32>
        %select_n3A_807 = arith.select %gt3A_803, %select_n3A_662, %select_n3A_802 : vector<16xi1>, vector<16xi32>
        %gt3A_808 = arith.cmpf ogt, %select_n3A_806, %select_n3A_666 : vector<16xf32>
        %select_n3A_809 = arith.select %gt3A_808, %select_n3A_806, %select_n3A_666 : vector<16xi1>, vector<16xf32>
        %select_n3A_810 = arith.select %gt3A_808, %select_n3A_807, %select_n3A_667 : vector<16xi1>, vector<16xi32>
        %select_n3A_811 = arith.select %gt3A_808, %select_n3A_666, %select_n3A_806 : vector<16xi1>, vector<16xf32>
        %select_n3A_812 = arith.select %gt3A_808, %select_n3A_667, %select_n3A_807 : vector<16xi1>, vector<16xi32>
        %gt3A_813 = arith.cmpf ogt, %select_n3A_811, %select_n3A_671 : vector<16xf32>
        %select_n3A_814 = arith.select %gt3A_813, %select_n3A_811, %select_n3A_671 : vector<16xi1>, vector<16xf32>
        %select_n3A_815 = arith.select %gt3A_813, %select_n3A_812, %select_n3A_672 : vector<16xi1>, vector<16xi32>
        %select_n3A_816 = arith.select %gt3A_813, %select_n3A_671, %select_n3A_811 : vector<16xi1>, vector<16xf32>
        %select_n3A_817 = arith.select %gt3A_813, %select_n3A_672, %select_n3A_812 : vector<16xi1>, vector<16xi32>
        %gt3A_818 = arith.cmpf ogt, %select_n3A_816, %select_n3A_676 : vector<16xf32>
        %select_n3A_819 = arith.select %gt3A_818, %select_n3A_816, %select_n3A_676 : vector<16xi1>, vector<16xf32>
        %select_n3A_820 = arith.select %gt3A_818, %select_n3A_817, %select_n3A_677 : vector<16xi1>, vector<16xi32>
        %select_n3A_821 = arith.select %gt3A_818, %select_n3A_676, %select_n3A_816 : vector<16xi1>, vector<16xf32>
        %select_n3A_822 = arith.select %gt3A_818, %select_n3A_677, %select_n3A_817 : vector<16xi1>, vector<16xi32>
        scf.yield %select_n3A_689, %select_n3A_694, %select_n3A_699, %select_n3A_704, %select_n3A_709, %select_n3A_714, %select_n3A_690, %select_n3A_695, %select_n3A_700, %select_n3A_705, %select_n3A_710, %select_n3A_715, %select_n3A_724, %select_n3A_729, %select_n3A_734, %select_n3A_739, %select_n3A_744, %select_n3A_749, %select_n3A_725, %select_n3A_730, %select_n3A_735, %select_n3A_740, %select_n3A_745, %select_n3A_750, %select_n3A_759, %select_n3A_764, %select_n3A_769, %select_n3A_774, %select_n3A_779, %select_n3A_784, %select_n3A_760, %select_n3A_765, %select_n3A_770, %select_n3A_775, %select_n3A_780, %select_n3A_785, %select_n3A_794, %select_n3A_799, %select_n3A_804, %select_n3A_809, %select_n3A_814, %select_n3A_819, %select_n3A_795, %select_n3A_800, %select_n3A_805, %select_n3A_810, %select_n3A_815, %select_n3A_820 : vector<16xf32>, vector<16xf32>, vector<16xf32>, vector<16xf32>, vector<16xf32>, vector<16xf32>, vector<16xi32>, vector<16xi32>, vector<16xi32>, vector<16xi32>, vector<16xi32>, vector<16xi32>, vector<16xf32>, vector<16xf32>, vector<16xf32>, vector<16xf32>, vector<16xf32>, vector<16xf32>, vector<16xi32>, vector<16xi32>, vector<16xi32>, vector<16xi32>, vector<16xi32>, vector<16xi32>, vector<16xf32>, vector<16xf32>, vector<16xf32>, vector<16xf32>, vector<16xf32>, vector<16xf32>, vector<16xi32>, vector<16xi32>, vector<16xi32>, vector<16xi32>, vector<16xi32>, vector<16xi32>, vector<16xf32>, vector<16xf32>, vector<16xf32>, vector<16xf32>, vector<16xf32>, vector<16xf32>, vector<16xi32>, vector<16xi32>, vector<16xi32>, vector<16xi32>, vector<16xi32>, vector<16xi32>
      }
      %scan3A_32 = arith.constant 256 : i32
      %gather3A = tpu.vector_load_idx %arg7[%scan3A_31#6] : memref<256xf32, #tpu.memory_space<vmem>>[vector<16xi32>], vector<16xf32>,
      %sub3A = arith.subf %scan3A_31#0, %gather3A : vector<16xf32>
      %gather3A_33 = tpu.vector_load_idx %arg7[%scan3A_31#7] : memref<256xf32, #tpu.memory_space<vmem>>[vector<16xi32>], vector<16xf32>,
      %sub3A_34 = arith.subf %scan3A_31#1, %gather3A_33 : vector<16xf32>
      %gather3A_35 = tpu.vector_load_idx %arg7[%scan3A_31#8] : memref<256xf32, #tpu.memory_space<vmem>>[vector<16xi32>], vector<16xf32>,
      %sub3A_36 = arith.subf %scan3A_31#2, %gather3A_35 : vector<16xf32>
      %gather3A_37 = tpu.vector_load_idx %arg7[%scan3A_31#9] : memref<256xf32, #tpu.memory_space<vmem>>[vector<16xi32>], vector<16xf32>,
      %sub3A_38 = arith.subf %scan3A_31#3, %gather3A_37 : vector<16xf32>
      %gather3A_39 = tpu.vector_load_idx %arg7[%scan3A_31#10] : memref<256xf32, #tpu.memory_space<vmem>>[vector<16xi32>], vector<16xf32>,
      %sub3A_40 = arith.subf %scan3A_31#4, %gather3A_39 : vector<16xf32>
      %gather3A_41 = tpu.vector_load_idx %arg7[%scan3A_31#11] : memref<256xf32, #tpu.memory_space<vmem>>[vector<16xi32>], vector<16xf32>,
      %sub3A_42 = arith.subf %scan3A_31#5, %gather3A_41 : vector<16xf32>
      %add3A_43 = arith.addf %sub3A, %sub3A_34 : vector<16xf32>
      %add3A_44 = arith.addf %add3A_43, %sub3A_36 : vector<16xf32>
      %add3A_45 = arith.addf %add3A_44, %sub3A_38 : vector<16xf32>
      %add3A_46 = arith.addf %add3A_45, %sub3A_40 : vector<16xf32>
      %add3A_47 = arith.addf %add3A_46, %sub3A_42 : vector<16xf32>
      %div3A = arith.constant 1.500000e+00 : f32
      %div3A_48 = vector.broadcast %div3A : f32 to vector<16xf32>
      %div3A_49 = arith.divf %div3A_48, %add3A_47 : vector<16xf32>
      %add3A_50 = arith.constant 128 : i32
      %add3A_51 = arith.addi %add3A_50, %mul3A_26 : i32
      %add3A_52 = arith.constant 0 : i32
      %add3A_53 = arith.addi %add3A_51, %add3A_52 : i32
      %add3A_54 = vector.broadcast %add3A_53 : i32 to vector<16xi32>
      %add3A_55 = arith.addi %add3A_54, %iota3A : vector<16xi32>
      %broadcast_in_dim3A_56 = arith.constant 0 : i32
      %broadcast_in_dim3A_57 = vector.broadcast %broadcast_in_dim3A_56 : i32 to vector<16xi32>
      %mul3A_58 = arith.mulf %sub3A, %div3A_49 : vector<16xf32>
      tpu.vector_store_idx %arg8[%broadcast_in_dim3A_57, %add3A_55], %mul3A_58 : memref<6x256xf32, #tpu.memory_space<vmem>>[vector<16xi32>, vector<16xi32>], vector<16xf32>,
      tpu.vector_store_idx %arg9[%broadcast_in_dim3A_57, %add3A_55], %scan3A_31#6 : memref<6x256xi32, #tpu.memory_space<vmem>>[vector<16xi32>, vector<16xi32>], vector<16xi32>,
      %broadcast_in_dim3A_59 = arith.constant 1 : i32
      %broadcast_in_dim3A_60 = vector.broadcast %broadcast_in_dim3A_59 : i32 to vector<16xi32>
      %mul3A_61 = arith.mulf %sub3A_34, %div3A_49 : vector<16xf32>
      tpu.vector_store_idx %arg8[%broadcast_in_dim3A_60, %add3A_55], %mul3A_61 : memref<6x256xf32, #tpu.memory_space<vmem>>[vector<16xi32>, vector<16xi32>], vector<16xf32>,
      tpu.vector_store_idx %arg9[%broadcast_in_dim3A_60, %add3A_55], %scan3A_31#7 : memref<6x256xi32, #tpu.memory_space<vmem>>[vector<16xi32>, vector<16xi32>], vector<16xi32>,
      %broadcast_in_dim3A_62 = arith.constant 2 : i32
      %broadcast_in_dim3A_63 = vector.broadcast %broadcast_in_dim3A_62 : i32 to vector<16xi32>
      %mul3A_64 = arith.mulf %sub3A_36, %div3A_49 : vector<16xf32>
      tpu.vector_store_idx %arg8[%broadcast_in_dim3A_63, %add3A_55], %mul3A_64 : memref<6x256xf32, #tpu.memory_space<vmem>>[vector<16xi32>, vector<16xi32>], vector<16xf32>,
      tpu.vector_store_idx %arg9[%broadcast_in_dim3A_63, %add3A_55], %scan3A_31#8 : memref<6x256xi32, #tpu.memory_space<vmem>>[vector<16xi32>, vector<16xi32>], vector<16xi32>,
      %broadcast_in_dim3A_65 = arith.constant 3 : i32
      %broadcast_in_dim3A_66 = vector.broadcast %broadcast_in_dim3A_65 : i32 to vector<16xi32>
      %mul3A_67 = arith.mulf %sub3A_38, %div3A_49 : vector<16xf32>
      tpu.vector_store_idx %arg8[%broadcast_in_dim3A_66, %add3A_55], %mul3A_67 : memref<6x256xf32, #tpu.memory_space<vmem>>[vector<16xi32>, vector<16xi32>], vector<16xf32>,
      tpu.vector_store_idx %arg9[%broadcast_in_dim3A_66, %add3A_55], %scan3A_31#9 : memref<6x256xi32, #tpu.memory_space<vmem>>[vector<16xi32>, vector<16xi32>], vector<16xi32>,
      %broadcast_in_dim3A_68 = arith.constant 4 : i32
      %broadcast_in_dim3A_69 = vector.broadcast %broadcast_in_dim3A_68 : i32 to vector<16xi32>
      %mul3A_70 = arith.mulf %sub3A_40, %div3A_49 : vector<16xf32>
      tpu.vector_store_idx %arg8[%broadcast_in_dim3A_69, %add3A_55], %mul3A_70 : memref<6x256xf32, #tpu.memory_space<vmem>>[vector<16xi32>, vector<16xi32>], vector<16xf32>,
      tpu.vector_store_idx %arg9[%broadcast_in_dim3A_69, %add3A_55], %scan3A_31#10 : memref<6x256xi32, #tpu.memory_space<vmem>>[vector<16xi32>, vector<16xi32>], vector<16xi32>,
      %broadcast_in_dim3A_71 = arith.constant 5 : i32
      %broadcast_in_dim3A_72 = vector.broadcast %broadcast_in_dim3A_71 : i32 to vector<16xi32>
      %mul3A_73 = arith.mulf %sub3A_42, %div3A_49 : vector<16xf32>
      tpu.vector_store_idx %arg8[%broadcast_in_dim3A_72, %add3A_55], %mul3A_73 : memref<6x256xf32, #tpu.memory_space<vmem>>[vector<16xi32>, vector<16xi32>], vector<16xf32>,
      tpu.vector_store_idx %arg9[%broadcast_in_dim3A_72, %add3A_55], %scan3A_31#11 : memref<6x256xi32, #tpu.memory_space<vmem>>[vector<16xi32>, vector<16xi32>], vector<16xi32>,
      %gather3A_74 = tpu.vector_load_idx %arg7[%scan3A_31#18] : memref<256xf32, #tpu.memory_space<vmem>>[vector<16xi32>], vector<16xf32>,
      %sub3A_75 = arith.subf %scan3A_31#12, %gather3A_74 : vector<16xf32>
      %gather3A_76 = tpu.vector_load_idx %arg7[%scan3A_31#19] : memref<256xf32, #tpu.memory_space<vmem>>[vector<16xi32>], vector<16xf32>,
      %sub3A_77 = arith.subf %scan3A_31#13, %gather3A_76 : vector<16xf32>
      %gather3A_78 = tpu.vector_load_idx %arg7[%scan3A_31#20] : memref<256xf32, #tpu.memory_space<vmem>>[vector<16xi32>], vector<16xf32>,
      %sub3A_79 = arith.subf %scan3A_31#14, %gather3A_78 : vector<16xf32>
      %gather3A_80 = tpu.vector_load_idx %arg7[%scan3A_31#21] : memref<256xf32, #tpu.memory_space<vmem>>[vector<16xi32>], vector<16xf32>,
      %sub3A_81 = arith.subf %scan3A_31#15, %gather3A_80 : vector<16xf32>
      %gather3A_82 = tpu.vector_load_idx %arg7[%scan3A_31#22] : memref<256xf32, #tpu.memory_space<vmem>>[vector<16xi32>], vector<16xf32>,
      %sub3A_83 = arith.subf %scan3A_31#16, %gather3A_82 : vector<16xf32>
      %gather3A_84 = tpu.vector_load_idx %arg7[%scan3A_31#23] : memref<256xf32, #tpu.memory_space<vmem>>[vector<16xi32>], vector<16xf32>,
      %sub3A_85 = arith.subf %scan3A_31#17, %gather3A_84 : vector<16xf32>
      %add3A_86 = arith.addf %sub3A_75, %sub3A_77 : vector<16xf32>
      %add3A_87 = arith.addf %add3A_86, %sub3A_79 : vector<16xf32>
      %add3A_88 = arith.addf %add3A_87, %sub3A_81 : vector<16xf32>
      %add3A_89 = arith.addf %add3A_88, %sub3A_83 : vector<16xf32>
      %add3A_90 = arith.addf %add3A_89, %sub3A_85 : vector<16xf32>
      %div3A_91 = arith.constant 1.500000e+00 : f32
      %div3A_92 = vector.broadcast %div3A_91 : f32 to vector<16xf32>
      %div3A_93 = arith.divf %div3A_92, %add3A_90 : vector<16xf32>
      %add3A_94 = arith.constant 128 : i32
      %add3A_95 = arith.addi %add3A_94, %mul3A_26 : i32
      %add3A_96 = arith.constant 16 : i32
      %add3A_97 = arith.addi %add3A_95, %add3A_96 : i32
      %add3A_98 = vector.broadcast %add3A_97 : i32 to vector<16xi32>
      %add3A_99 = arith.addi %add3A_98, %iota3A : vector<16xi32>
      %broadcast_in_dim3A_100 = arith.constant 0 : i32
      %broadcast_in_dim3A_101 = vector.broadcast %broadcast_in_dim3A_100 : i32 to vector<16xi32>
      %mul3A_102 = arith.mulf %sub3A_75, %div3A_93 : vector<16xf32>
      tpu.vector_store_idx %arg8[%broadcast_in_dim3A_101, %add3A_99], %mul3A_102 : memref<6x256xf32, #tpu.memory_space<vmem>>[vector<16xi32>, vector<16xi32>], vector<16xf32>,
      tpu.vector_store_idx %arg9[%broadcast_in_dim3A_101, %add3A_99], %scan3A_31#18 : memref<6x256xi32, #tpu.memory_space<vmem>>[vector<16xi32>, vector<16xi32>], vector<16xi32>,
      %broadcast_in_dim3A_103 = arith.constant 1 : i32
      %broadcast_in_dim3A_104 = vector.broadcast %broadcast_in_dim3A_103 : i32 to vector<16xi32>
      %mul3A_105 = arith.mulf %sub3A_77, %div3A_93 : vector<16xf32>
      tpu.vector_store_idx %arg8[%broadcast_in_dim3A_104, %add3A_99], %mul3A_105 : memref<6x256xf32, #tpu.memory_space<vmem>>[vector<16xi32>, vector<16xi32>], vector<16xf32>,
      tpu.vector_store_idx %arg9[%broadcast_in_dim3A_104, %add3A_99], %scan3A_31#19 : memref<6x256xi32, #tpu.memory_space<vmem>>[vector<16xi32>, vector<16xi32>], vector<16xi32>,
      %broadcast_in_dim3A_106 = arith.constant 2 : i32
      %broadcast_in_dim3A_107 = vector.broadcast %broadcast_in_dim3A_106 : i32 to vector<16xi32>
      %mul3A_108 = arith.mulf %sub3A_79, %div3A_93 : vector<16xf32>
      tpu.vector_store_idx %arg8[%broadcast_in_dim3A_107, %add3A_99], %mul3A_108 : memref<6x256xf32, #tpu.memory_space<vmem>>[vector<16xi32>, vector<16xi32>], vector<16xf32>,
      tpu.vector_store_idx %arg9[%broadcast_in_dim3A_107, %add3A_99], %scan3A_31#20 : memref<6x256xi32, #tpu.memory_space<vmem>>[vector<16xi32>, vector<16xi32>], vector<16xi32>,
      %broadcast_in_dim3A_109 = arith.constant 3 : i32
      %broadcast_in_dim3A_110 = vector.broadcast %broadcast_in_dim3A_109 : i32 to vector<16xi32>
      %mul3A_111 = arith.mulf %sub3A_81, %div3A_93 : vector<16xf32>
      tpu.vector_store_idx %arg8[%broadcast_in_dim3A_110, %add3A_99], %mul3A_111 : memref<6x256xf32, #tpu.memory_space<vmem>>[vector<16xi32>, vector<16xi32>], vector<16xf32>,
      tpu.vector_store_idx %arg9[%broadcast_in_dim3A_110, %add3A_99], %scan3A_31#21 : memref<6x256xi32, #tpu.memory_space<vmem>>[vector<16xi32>, vector<16xi32>], vector<16xi32>,
      %broadcast_in_dim3A_112 = arith.constant 4 : i32
      %broadcast_in_dim3A_113 = vector.broadcast %broadcast_in_dim3A_112 : i32 to vector<16xi32>
      %mul3A_114 = arith.mulf %sub3A_83, %div3A_93 : vector<16xf32>
      tpu.vector_store_idx %arg8[%broadcast_in_dim3A_113, %add3A_99], %mul3A_114 : memref<6x256xf32, #tpu.memory_space<vmem>>[vector<16xi32>, vector<16xi32>], vector<16xf32>,
      tpu.vector_store_idx %arg9[%broadcast_in_dim3A_113, %add3A_99], %scan3A_31#22 : memref<6x256xi32, #tpu.memory_space<vmem>>[vector<16xi32>, vector<16xi32>], vector<16xi32>,
      %broadcast_in_dim3A_115 = arith.constant 5 : i32
      %broadcast_in_dim3A_116 = vector.broadcast %broadcast_in_dim3A_115 : i32 to vector<16xi32>
      %mul3A_117 = arith.mulf %sub3A_85, %div3A_93 : vector<16xf32>
      tpu.vector_store_idx %arg8[%broadcast_in_dim3A_116, %add3A_99], %mul3A_117 : memref<6x256xf32, #tpu.memory_space<vmem>>[vector<16xi32>, vector<16xi32>], vector<16xf32>,
      tpu.vector_store_idx %arg9[%broadcast_in_dim3A_116, %add3A_99], %scan3A_31#23 : memref<6x256xi32, #tpu.memory_space<vmem>>[vector<16xi32>, vector<16xi32>], vector<16xi32>,
      %gather3A_118 = tpu.vector_load_idx %arg7[%scan3A_31#30] : memref<256xf32, #tpu.memory_space<vmem>>[vector<16xi32>], vector<16xf32>,
      %sub3A_119 = arith.subf %scan3A_31#24, %gather3A_118 : vector<16xf32>
      %gather3A_120 = tpu.vector_load_idx %arg7[%scan3A_31#31] : memref<256xf32, #tpu.memory_space<vmem>>[vector<16xi32>], vector<16xf32>,
      %sub3A_121 = arith.subf %scan3A_31#25, %gather3A_120 : vector<16xf32>
      %gather3A_122 = tpu.vector_load_idx %arg7[%scan3A_31#32] : memref<256xf32, #tpu.memory_space<vmem>>[vector<16xi32>], vector<16xf32>,
      %sub3A_123 = arith.subf %scan3A_31#26, %gather3A_122 : vector<16xf32>
      %gather3A_124 = tpu.vector_load_idx %arg7[%scan3A_31#33] : memref<256xf32, #tpu.memory_space<vmem>>[vector<16xi32>], vector<16xf32>,
      %sub3A_125 = arith.subf %scan3A_31#27, %gather3A_124 : vector<16xf32>
      %gather3A_126 = tpu.vector_load_idx %arg7[%scan3A_31#34] : memref<256xf32, #tpu.memory_space<vmem>>[vector<16xi32>], vector<16xf32>,
      %sub3A_127 = arith.subf %scan3A_31#28, %gather3A_126 : vector<16xf32>
      %gather3A_128 = tpu.vector_load_idx %arg7[%scan3A_31#35] : memref<256xf32, #tpu.memory_space<vmem>>[vector<16xi32>], vector<16xf32>,
      %sub3A_129 = arith.subf %scan3A_31#29, %gather3A_128 : vector<16xf32>
      %add3A_130 = arith.addf %sub3A_119, %sub3A_121 : vector<16xf32>
      %add3A_131 = arith.addf %add3A_130, %sub3A_123 : vector<16xf32>
      %add3A_132 = arith.addf %add3A_131, %sub3A_125 : vector<16xf32>
      %add3A_133 = arith.addf %add3A_132, %sub3A_127 : vector<16xf32>
      %add3A_134 = arith.addf %add3A_133, %sub3A_129 : vector<16xf32>
      %div3A_135 = arith.constant 1.500000e+00 : f32
      %div3A_136 = vector.broadcast %div3A_135 : f32 to vector<16xf32>
      %div3A_137 = arith.divf %div3A_136, %add3A_134 : vector<16xf32>
      %add3A_138 = arith.constant 128 : i32
      %add3A_139 = arith.addi %add3A_138, %mul3A_26 : i32
      %add3A_140 = arith.constant 32 : i32
      %add3A_141 = arith.addi %add3A_139, %add3A_140 : i32
      %add3A_142 = vector.broadcast %add3A_141 : i32 to vector<16xi32>
      %add3A_143 = arith.addi %add3A_142, %iota3A : vector<16xi32>
      %broadcast_in_dim3A_144 = arith.constant 0 : i32
      %broadcast_in_dim3A_145 = vector.broadcast %broadcast_in_dim3A_144 : i32 to vector<16xi32>
      %mul3A_146 = arith.mulf %sub3A_119, %div3A_137 : vector<16xf32>
      tpu.vector_store_idx %arg8[%broadcast_in_dim3A_145, %add3A_143], %mul3A_146 : memref<6x256xf32, #tpu.memory_space<vmem>>[vector<16xi32>, vector<16xi32>], vector<16xf32>,
      tpu.vector_store_idx %arg9[%broadcast_in_dim3A_145, %add3A_143], %scan3A_31#30 : memref<6x256xi32, #tpu.memory_space<vmem>>[vector<16xi32>, vector<16xi32>], vector<16xi32>,
      %broadcast_in_dim3A_147 = arith.constant 1 : i32
      %broadcast_in_dim3A_148 = vector.broadcast %broadcast_in_dim3A_147 : i32 to vector<16xi32>
      %mul3A_149 = arith.mulf %sub3A_121, %div3A_137 : vector<16xf32>
      tpu.vector_store_idx %arg8[%broadcast_in_dim3A_148, %add3A_143], %mul3A_149 : memref<6x256xf32, #tpu.memory_space<vmem>>[vector<16xi32>, vector<16xi32>], vector<16xf32>,
      tpu.vector_store_idx %arg9[%broadcast_in_dim3A_148, %add3A_143], %scan3A_31#31 : memref<6x256xi32, #tpu.memory_space<vmem>>[vector<16xi32>, vector<16xi32>], vector<16xi32>,
      %broadcast_in_dim3A_150 = arith.constant 2 : i32
      %broadcast_in_dim3A_151 = vector.broadcast %broadcast_in_dim3A_150 : i32 to vector<16xi32>
      %mul3A_152 = arith.mulf %sub3A_123, %div3A_137 : vector<16xf32>
      tpu.vector_store_idx %arg8[%broadcast_in_dim3A_151, %add3A_143], %mul3A_152 : memref<6x256xf32, #tpu.memory_space<vmem>>[vector<16xi32>, vector<16xi32>], vector<16xf32>,
      tpu.vector_store_idx %arg9[%broadcast_in_dim3A_151, %add3A_143], %scan3A_31#32 : memref<6x256xi32, #tpu.memory_space<vmem>>[vector<16xi32>, vector<16xi32>], vector<16xi32>,
      %broadcast_in_dim3A_153 = arith.constant 3 : i32
      %broadcast_in_dim3A_154 = vector.broadcast %broadcast_in_dim3A_153 : i32 to vector<16xi32>
      %mul3A_155 = arith.mulf %sub3A_125, %div3A_137 : vector<16xf32>
      tpu.vector_store_idx %arg8[%broadcast_in_dim3A_154, %add3A_143], %mul3A_155 : memref<6x256xf32, #tpu.memory_space<vmem>>[vector<16xi32>, vector<16xi32>], vector<16xf32>,
      tpu.vector_store_idx %arg9[%broadcast_in_dim3A_154, %add3A_143], %scan3A_31#33 : memref<6x256xi32, #tpu.memory_space<vmem>>[vector<16xi32>, vector<16xi32>], vector<16xi32>,
      %broadcast_in_dim3A_156 = arith.constant 4 : i32
      %broadcast_in_dim3A_157 = vector.broadcast %broadcast_in_dim3A_156 : i32 to vector<16xi32>
      %mul3A_158 = arith.mulf %sub3A_127, %div3A_137 : vector<16xf32>
      tpu.vector_store_idx %arg8[%broadcast_in_dim3A_157, %add3A_143], %mul3A_158 : memref<6x256xf32, #tpu.memory_space<vmem>>[vector<16xi32>, vector<16xi32>], vector<16xf32>,
      tpu.vector_store_idx %arg9[%broadcast_in_dim3A_157, %add3A_143], %scan3A_31#34 : memref<6x256xi32, #tpu.memory_space<vmem>>[vector<16xi32>, vector<16xi32>], vector<16xi32>,
      %broadcast_in_dim3A_159 = arith.constant 5 : i32
      %broadcast_in_dim3A_160 = vector.broadcast %broadcast_in_dim3A_159 : i32 to vector<16xi32>
      %mul3A_161 = arith.mulf %sub3A_129, %div3A_137 : vector<16xf32>
      tpu.vector_store_idx %arg8[%broadcast_in_dim3A_160, %add3A_143], %mul3A_161 : memref<6x256xf32, #tpu.memory_space<vmem>>[vector<16xi32>, vector<16xi32>], vector<16xf32>,
      tpu.vector_store_idx %arg9[%broadcast_in_dim3A_160, %add3A_143], %scan3A_31#35 : memref<6x256xi32, #tpu.memory_space<vmem>>[vector<16xi32>, vector<16xi32>], vector<16xi32>,
      %gather3A_162 = tpu.vector_load_idx %arg7[%scan3A_31#42] : memref<256xf32, #tpu.memory_space<vmem>>[vector<16xi32>], vector<16xf32>,
      %sub3A_163 = arith.subf %scan3A_31#36, %gather3A_162 : vector<16xf32>
      %gather3A_164 = tpu.vector_load_idx %arg7[%scan3A_31#43] : memref<256xf32, #tpu.memory_space<vmem>>[vector<16xi32>], vector<16xf32>,
      %sub3A_165 = arith.subf %scan3A_31#37, %gather3A_164 : vector<16xf32>
      %gather3A_166 = tpu.vector_load_idx %arg7[%scan3A_31#44] : memref<256xf32, #tpu.memory_space<vmem>>[vector<16xi32>], vector<16xf32>,
      %sub3A_167 = arith.subf %scan3A_31#38, %gather3A_166 : vector<16xf32>
      %gather3A_168 = tpu.vector_load_idx %arg7[%scan3A_31#45] : memref<256xf32, #tpu.memory_space<vmem>>[vector<16xi32>], vector<16xf32>,
      %sub3A_169 = arith.subf %scan3A_31#39, %gather3A_168 : vector<16xf32>
      %gather3A_170 = tpu.vector_load_idx %arg7[%scan3A_31#46] : memref<256xf32, #tpu.memory_space<vmem>>[vector<16xi32>], vector<16xf32>,
      %sub3A_171 = arith.subf %scan3A_31#40, %gather3A_170 : vector<16xf32>
      %gather3A_172 = tpu.vector_load_idx %arg7[%scan3A_31#47] : memref<256xf32, #tpu.memory_space<vmem>>[vector<16xi32>], vector<16xf32>,
      %sub3A_173 = arith.subf %scan3A_31#41, %gather3A_172 : vector<16xf32>
      %add3A_174 = arith.addf %sub3A_163, %sub3A_165 : vector<16xf32>
      %add3A_175 = arith.addf %add3A_174, %sub3A_167 : vector<16xf32>
      %add3A_176 = arith.addf %add3A_175, %sub3A_169 : vector<16xf32>
      %add3A_177 = arith.addf %add3A_176, %sub3A_171 : vector<16xf32>
      %add3A_178 = arith.addf %add3A_177, %sub3A_173 : vector<16xf32>
      %div3A_179 = arith.constant 1.500000e+00 : f32
      %div3A_180 = vector.broadcast %div3A_179 : f32 to vector<16xf32>
      %div3A_181 = arith.divf %div3A_180, %add3A_178 : vector<16xf32>
      %add3A_182 = arith.constant 128 : i32
      %add3A_183 = arith.addi %add3A_182, %mul3A_26 : i32
      %add3A_184 = arith.constant 48 : i32
      %add3A_185 = arith.addi %add3A_183, %add3A_184 : i32
      %add3A_186 = vector.broadcast %add3A_185 : i32 to vector<16xi32>
      %add3A_187 = arith.addi %add3A_186, %iota3A : vector<16xi32>
      %broadcast_in_dim3A_188 = arith.constant 0 : i32
      %broadcast_in_dim3A_189 = vector.broadcast %broadcast_in_dim3A_188 : i32 to vector<16xi32>
      %mul3A_190 = arith.mulf %sub3A_163, %div3A_181 : vector<16xf32>
      tpu.vector_store_idx %arg8[%broadcast_in_dim3A_189, %add3A_187], %mul3A_190 : memref<6x256xf32, #tpu.memory_space<vmem>>[vector<16xi32>, vector<16xi32>], vector<16xf32>,
      tpu.vector_store_idx %arg9[%broadcast_in_dim3A_189, %add3A_187], %scan3A_31#42 : memref<6x256xi32, #tpu.memory_space<vmem>>[vector<16xi32>, vector<16xi32>], vector<16xi32>,
      %broadcast_in_dim3A_191 = arith.constant 1 : i32
      %broadcast_in_dim3A_192 = vector.broadcast %broadcast_in_dim3A_191 : i32 to vector<16xi32>
      %mul3A_193 = arith.mulf %sub3A_165, %div3A_181 : vector<16xf32>
      tpu.vector_store_idx %arg8[%broadcast_in_dim3A_192, %add3A_187], %mul3A_193 : memref<6x256xf32, #tpu.memory_space<vmem>>[vector<16xi32>, vector<16xi32>], vector<16xf32>,
      tpu.vector_store_idx %arg9[%broadcast_in_dim3A_192, %add3A_187], %scan3A_31#43 : memref<6x256xi32, #tpu.memory_space<vmem>>[vector<16xi32>, vector<16xi32>], vector<16xi32>,
      %broadcast_in_dim3A_194 = arith.constant 2 : i32
      %broadcast_in_dim3A_195 = vector.broadcast %broadcast_in_dim3A_194 : i32 to vector<16xi32>
      %mul3A_196 = arith.mulf %sub3A_167, %div3A_181 : vector<16xf32>
      tpu.vector_store_idx %arg8[%broadcast_in_dim3A_195, %add3A_187], %mul3A_196 : memref<6x256xf32, #tpu.memory_space<vmem>>[vector<16xi32>, vector<16xi32>], vector<16xf32>,
      tpu.vector_store_idx %arg9[%broadcast_in_dim3A_195, %add3A_187], %scan3A_31#44 : memref<6x256xi32, #tpu.memory_space<vmem>>[vector<16xi32>, vector<16xi32>], vector<16xi32>,
      %broadcast_in_dim3A_197 = arith.constant 3 : i32
      %broadcast_in_dim3A_198 = vector.broadcast %broadcast_in_dim3A_197 : i32 to vector<16xi32>
      %mul3A_199 = arith.mulf %sub3A_169, %div3A_181 : vector<16xf32>
      tpu.vector_store_idx %arg8[%broadcast_in_dim3A_198, %add3A_187], %mul3A_199 : memref<6x256xf32, #tpu.memory_space<vmem>>[vector<16xi32>, vector<16xi32>], vector<16xf32>,
      tpu.vector_store_idx %arg9[%broadcast_in_dim3A_198, %add3A_187], %scan3A_31#45 : memref<6x256xi32, #tpu.memory_space<vmem>>[vector<16xi32>, vector<16xi32>], vector<16xi32>,
      %broadcast_in_dim3A_200 = arith.constant 4 : i32
      %broadcast_in_dim3A_201 = vector.broadcast %broadcast_in_dim3A_200 : i32 to vector<16xi32>
      %mul3A_202 = arith.mulf %sub3A_171, %div3A_181 : vector<16xf32>
      tpu.vector_store_idx %arg8[%broadcast_in_dim3A_201, %add3A_187], %mul3A_202 : memref<6x256xf32, #tpu.memory_space<vmem>>[vector<16xi32>, vector<16xi32>], vector<16xf32>,
      tpu.vector_store_idx %arg9[%broadcast_in_dim3A_201, %add3A_187], %scan3A_31#46 : memref<6x256xi32, #tpu.memory_space<vmem>>[vector<16xi32>, vector<16xi32>], vector<16xi32>,
      %broadcast_in_dim3A_203 = arith.constant 5 : i32
      %broadcast_in_dim3A_204 = vector.broadcast %broadcast_in_dim3A_203 : i32 to vector<16xi32>
      %mul3A_205 = arith.mulf %sub3A_173, %div3A_181 : vector<16xf32>
      tpu.vector_store_idx %arg8[%broadcast_in_dim3A_204, %add3A_187], %mul3A_205 : memref<6x256xf32, #tpu.memory_space<vmem>>[vector<16xi32>, vector<16xi32>], vector<16xf32>,
      tpu.vector_store_idx %arg9[%broadcast_in_dim3A_204, %add3A_187], %scan3A_31#47 : memref<6x256xi32, #tpu.memory_space<vmem>>[vector<16xi32>, vector<16xi32>], vector<16xi32>,
      %scan3A_206 = arith.constant 0 : i32
      scf.yield %scan3A_206 : i32
    }
    %scan3A_22 = arith.constant 2 : i32
    "tpu.region"() ({
      %run_scoped3A = tpu.sem_alloc : memref<!tpu.dma_semaphore, #tpu.memory_space<semaphore_mem>>
      %dma_start3A = arith.constant 0 : i32
      %dma_start3A_23 = tpu.memref_slice %arg4[%dma_start3A, %mul3A_2] : memref<6x8192xf32, #tpu.memory_space<hbm>> -> memref<6x256xf32, #tpu.memory_space<hbm>>
      %dma_start3A_24 = arith.constant 0 : i32
      %dma_start3A_25 = tpu.memref_slice %arg4[%dma_start3A_24, %mul3A_2] : memref<6x8192xf32, #tpu.memory_space<hbm>> -> memref<6x256xf32, #tpu.memory_space<hbm>>
      tpu.enqueue_dma source(%arg8 : memref<6x256xf32, #tpu.memory_space<vmem>>) target(%dma_start3A_25 : memref<6x256xf32, #tpu.memory_space<hbm>>) target_semaphore(%run_scoped3A : memref<!tpu.dma_semaphore, #tpu.memory_space<semaphore_mem>>)
      %dma_wait3A = arith.constant 0 : i32
      %dma_wait3A_26 = tpu.memref_slice %arg4[%dma_wait3A, %mul3A_2] : memref<6x8192xf32, #tpu.memory_space<hbm>> -> memref<6x256xf32, #tpu.memory_space<hbm>>
      %dma_wait3A_27 = arith.constant 0 : i32
      %dma_wait3A_28 = tpu.memref_slice %arg4[%dma_wait3A_27, %mul3A_2] : memref<6x8192xf32, #tpu.memory_space<hbm>> -> memref<6x256xf32, #tpu.memory_space<hbm>>
      tpu.wait_dma2 semaphore(%run_scoped3A : memref<!tpu.dma_semaphore, #tpu.memory_space<semaphore_mem>>) src(%arg8 : memref<6x256xf32, #tpu.memory_space<vmem>>) dst(%dma_wait3A_28 : memref<6x256xf32, #tpu.memory_space<hbm>>)
      tpu.yield
    }) : () -> ()
    "tpu.region"() ({
      %run_scoped3A = tpu.sem_alloc : memref<!tpu.dma_semaphore, #tpu.memory_space<semaphore_mem>>
      %dma_start3A = arith.constant 0 : i32
      %dma_start3A_23 = tpu.memref_slice %arg5[%dma_start3A, %mul3A_2] : memref<6x8192xi32, #tpu.memory_space<hbm>> -> memref<6x256xi32, #tpu.memory_space<hbm>>
      %dma_start3A_24 = arith.constant 0 : i32
      %dma_start3A_25 = tpu.memref_slice %arg5[%dma_start3A_24, %mul3A_2] : memref<6x8192xi32, #tpu.memory_space<hbm>> -> memref<6x256xi32, #tpu.memory_space<hbm>>
      tpu.enqueue_dma source(%arg9 : memref<6x256xi32, #tpu.memory_space<vmem>>) target(%dma_start3A_25 : memref<6x256xi32, #tpu.memory_space<hbm>>) target_semaphore(%run_scoped3A : memref<!tpu.dma_semaphore, #tpu.memory_space<semaphore_mem>>)
      %dma_wait3A = arith.constant 0 : i32
      %dma_wait3A_26 = tpu.memref_slice %arg5[%dma_wait3A, %mul3A_2] : memref<6x8192xi32, #tpu.memory_space<hbm>> -> memref<6x256xi32, #tpu.memory_space<hbm>>
      %dma_wait3A_27 = arith.constant 0 : i32
      %dma_wait3A_28 = tpu.memref_slice %arg5[%dma_wait3A_27, %mul3A_2] : memref<6x8192xi32, #tpu.memory_space<hbm>> -> memref<6x256xi32, #tpu.memory_space<hbm>>
      tpu.wait_dma2 semaphore(%run_scoped3A : memref<!tpu.dma_semaphore, #tpu.memory_space<semaphore_mem>>) src(%arg9 : memref<6x256xi32, #tpu.memory_space<vmem>>) dst(%dma_wait3A_28 : memref<6x256xi32, #tpu.memory_space<hbm>>)
      tpu.yield
    }) : () -> ()
    return
  }
}

module attributes {stable_mosaic.version = 14 : i64} {
  func.func @_score_block(%arg0: i32, %arg1: memref<512x4096xf32, #tpu.memory_space<vmem>>, %arg2: memref<256x4096xf32, #tpu.memory_space<vmem>>, %arg3: memref<256xf32, #tpu.memory_space<vmem>>, %arg4: memref<256x512xf32, #tpu.memory_space<vmem>>) attributes {dimension_semantics = [#tpu.dimension_semantics<arbitrary>], iteration_bounds = array<i64: 16>, scalar_prefetch = 0 : i64, scratch_operands = 0 : i64, tpu.core_type = #tpu.core_type<tc>, window_params = [{transform_indices = @transform_0, window_bounds = array<i64: 512, 4096>}, {pipeline_mode = #tpu.pipeline_mode<synchronous>, transform_indices = @transform_1, window_bounds = array<i64: 256, 4096>}, {pipeline_mode = #tpu.pipeline_mode<synchronous>, transform_indices = @transform_2, window_bounds = array<i64: 256>}, {transform_indices = @transform_3, window_bounds = array<i64: 256, 512>}]} {
    %get3A = arith.constant 0 : index
    %get3A_0 = arith.constant 0 : index
    %get3A_1 = vector.load %arg2[%get3A, %get3A_0] : memref<256x4096xf32, #tpu.memory_space<vmem>>, vector<256x4096xf32>
    %get3A_2 = arith.constant 0 : index
    %get3A_3 = arith.constant 0 : index
    %get3A_4 = vector.load %arg1[%get3A_2, %get3A_3] : memref<512x4096xf32, #tpu.memory_space<vmem>>, vector<512x4096xf32>
    %dot_general3A = arith.constant dense<0.000000e+00> : vector<256x512xf32>
    %dot_general3A_5 = tpu.matmul %get3A_1, %get3A_4, %dot_general3A {dimension_numbers = #tpu.dot_dimension_numbers<[1], [1], [0], [0], [0, 0, 1, 0], [], []>, transpose_lhs_hint = false} : vector<256x4096xf32>, vector<512x4096xf32>, vector<256x512xf32> -> vector<256x512xf32>
    %custom_jvp_call3A = arith.constant 0.000000e+00 : f32
    %max3A = vector.broadcast %custom_jvp_call3A : f32 to vector<256x512xf32>
    %max3A_6 = arith.maximumf %dot_general3A_5, %max3A : vector<256x512xf32>
    %sub3A = vector.broadcast %custom_jvp_call3A : f32 to vector<256x512xf32>
    %sub3A_7 = arith.subf %dot_general3A_5, %sub3A : vector<256x512xf32>
    %ne3A = arith.cmpf one, %sub3A_7, %sub3A_7 : vector<256x512xf32>
    %add3A = vector.broadcast %custom_jvp_call3A : f32 to vector<256x512xf32>
    %add3A_8 = arith.addf %dot_general3A_5, %add3A : vector<256x512xf32>
    %abs3A = math.absf %sub3A_7 : vector<256x512xf32>
    %neg3A = arith.constant 0.000000e+00 : f32
    %neg3A_9 = vector.broadcast %neg3A : f32 to vector<256x512xf32>
    %neg3A_10 = arith.subf %neg3A_9, %abs3A : vector<256x512xf32>
    %exp3A = math.exp %neg3A_10 : vector<256x512xf32>
    %log1p3A = math.log1p %exp3A : vector<256x512xf32>
    %add3A_11 = arith.addf %max3A_6, %log1p3A : vector<256x512xf32>
    %select_n3A = arith.select %ne3A, %add3A_8, %add3A_11 : vector<256x512xi1>, vector<256x512xf32>
    %sqrt3A = math.sqrt %select_n3A : vector<256x512xf32>
    %get3A_12 = arith.constant 0 : index
    %get3A_13 = vector.load %arg3[%get3A_12] : memref<256xf32, #tpu.memory_space<vmem>>, vector<256xf32>
    %reshape3A = vector.shape_cast %get3A_13 : vector<256xf32> to vector<256x1xf32>
    %add3A_14 = vector.broadcast %reshape3A : vector<256x1xf32> to vector<256x512xf32>
    %add3A_15 = arith.addf %sqrt3A, %add3A_14 : vector<256x512xf32>
    %swap3A = arith.constant 0 : index
    %swap3A_16 = arith.constant 0 : index
    %swap3A_17 = vector.load %arg4[%swap3A, %swap3A_16] : memref<256x512xf32, #tpu.memory_space<vmem>>, vector<256x512xf32>
    tpu.vector_store %arg4[%swap3A, %swap3A_16], %add3A_15 {strides = array<i32>} : memref<256x512xf32, #tpu.memory_space<vmem>>, vector<256x512xf32>,
    return
  }
  func.func @transform_0(%arg0: i32) -> (i32, i32) {
    %c0_i32 = arith.constant 0 : i32
    %c0_i32_0 = arith.constant 0 : i32
    return %arg0, %c0_i32 : i32, i32
  }
  func.func @transform_1(%arg0: i32) -> (i32, i32) {
    %c0_i32 = arith.constant 0 : i32
    %c0_i32_0 = arith.constant 0 : i32
    %c0_i32_1 = arith.constant 0 : i32
    return %c0_i32, %c0_i32_0 : i32, i32
  }
  func.func @transform_2(%arg0: i32) -> i32 {
    %c0_i32 = arith.constant 0 : i32
    %c0_i32_0 = arith.constant 0 : i32
    return %c0_i32 : i32
  }
  func.func @transform_3(%arg0: i32) -> (i32, i32) {
    %c0_i32 = arith.constant 0 : i32
    %c0_i32_0 = arith.constant 0 : i32
    return %c0_i32, %arg0 : i32, i32
  }
}

</mosaic_0001>

<sc_bundles>
// kernel: kernel.4.cloned.1.call-start
scs
__scs_entry_jumppad:
0x0: {  	(pc) =	sbr.rel $0x88, $3  }
0x1: {  	(tag) =	ssettag $0x0;
	lr =	simm.s32 $0x1  }
0x2: {  	[smem:$0x3F9E] =	sst lr;
	_ =	strace $0xD0000000  }
0x3: {  	_ = 	snop  }
0x4: {  	_ = 	snop  }
0x5: {  	_ = 	snop  }
0x6: {  	_ = 	snop  }
0x7: {  	_ = 	snop  }
__scs_overlays_trampoline_lowered:
0x8: {  	[smem:$0x3FAD] =	sst s0  }
0x9: {  	[smem:$0x3FAE] =	sst s1  }
0xa: {  	[smem:$0x3FAF] =	sst s2  }
0xb: {  	[smem:$0x3FB0] =	sst s3  }
0xc: {  	[smem:$0x3FB1] =	sst s4  }
0xd: {  	[smem:$0x3FB2] =	sst s5  }
0xe: {  	[smem:$0x3FB3] =	sst s6  }
0xf: {  	[smem:$0x3FB4] =	sst s7  }
0x10: {  	[smem:$0x3FB5] =	sst s8  }
0x11: {  	[smem:$0x3FB6] =	sst s9;
	s0 =	simm.s32 @!p0 $0x0  }
0x12: {  	s1 =	sld [smem:$0x3F9C];
	s0 =	simm.s32 @p0 $0x1  }
0x13: {  	[smem:$0x3FB7] =	sst s0;
	s0 =	simm.s32 @!p1 $0x0  }
0x14: {  	s2 =	sld [smem:$0x3F9B];
	s0 =	simm.s32 @p1 $0x1  }
0x15: {  	[smem:$0x3FB8] =	sst s0;
	s0 =	simm.s32 @!p2 $0x0  }
0x16: {  	s3 =	sld [smem:$0x3FDB];
	s0 =	simm.s32 @p2 $0x1  }
0x17: {  	s4 =	simm.s32 $0x1BF5;
	[smem:$0x3FBA] =	sst s0  }
0x18: {  	s0 =	sld [smem:$0x3F9D];
	_ =	swait.ge [sflag:s4], $0x0  }
0x19: {  	s7 =	sld [smem:$0x3F9E]  }
0x1a: {  	s8 =	sadd.s32 $0xFFFFE003, lr  }
0x1b: {  	s9 =	sadd.s32 $0xFFFFFEF7, lr;
	s5 =	simm.s32 $0xFFFFFFFF;
	p2 =	slt.u32 s8, $0xFFFFF086  }
0x1c: {  	p1 =	slt.u32 s9, $0xF7A;
	s5 =	simm.s32 @!p2 $0x0  }
0x1d: {  	s5 =	simm.s32 @p1 $0x1;
	p0 =	seq.s32 s7, s2  }
0x1e: {  	s7 =	smul.u32 @!p0 $0xF7A, s2;
	p2 =	seq.s32 @!p0 s5, $0x0  }
0x1f: {  	s9 =	smul.u32 $0xF7A, s1;
	s8 =	simm.s32 @!p0 $0x1BF5;
	p2 =	por !p2, p0  }
0x20: {  	[sflag:s8] =	ssyncset.s32 @!p0 $0xFFFFF086;
	s6 =	sadd.s32 @!p0 s3, s7;
	s7 =	simm.s32 @!p0 $0x108  }
0x21: {  	s3 =	sadd.s32 s3, s9;
	s6 =	sadd.s32 @!p0 $0x88, s6;
	s7 =	simm.s32 @p2 $0x1082  }
0x22: {  	[simem:s7], [sflag:s8] =	dma.local @!p0 [hbm:s6], $0xF7A  }
0x23: {  	s9 =	sor.u32 $0xD0000000, s2;
	s6 =	simm.s32 $0x108;
	_ =	swait.ge @!p0 [sflag:s8], $0x0  }
0x24: {  	s3 =	sadd.s32 $0x88, s3;
	s6 =	simm.s32 @!p1 $0x1082;
	[sflag:s4] =	ssyncset.s32 $0xFFFFF086  }
0x25: {  	[simem:s6], [sflag:s4] =	dma.local [hbm:s3], $0xF7A  }
0x26: {  	[smem:$0x3F9E] =	sst s1;
	(tag) =	ssettag s2;
	_ =	strace s9  }
0x27: {  	s1 =	sld [smem:$0x3FAE]  }
0x28: {  	s2 =	sld [smem:$0x3FAF]  }
0x29: {  	s4 =	sld [smem:$0x3FB1]  }
0x2a: {  	p0 =	seq.s32 s5, $0x0;
	s5 =	sld [smem:$0x3FB2]  }
0x2b: {  	s6 =	sld [smem:$0x3FB3]  }
0x2c: {  	s7 =	sld [smem:$0x3FB4]  }
0x2d: {  	s3 =	simm.s32 $0x108;
	s8 =	sld [smem:$0x3FB5]  }
0x2e: {  	s3 =	simm.s32 @!p0 $0x1082;
	s9 =	sld [smem:$0x3FB6]  }
0x2f: {  	lr =	sadd.s32 s0, s3;
	s0 =	sld [smem:$0x3FAD]  }
0x30: {  	s3 =	sld [smem:$0x3FB0]  }
0x31: {  	[smem:$0x3FB9] =	sst s10  }
0x32: {  	s10 =	sld [smem:$0x3FB7];
	_ =	sdelay $0x3  }
0x33: {  	p0 =	seq.s32 s10, $0x1;
	s10 =	sld [smem:$0x3FB9];
	_ =	sdelay $0x3  }
0x34: {  	[smem:$0x3FB9] =	sst s10  }
0x35: {  	s10 =	sld [smem:$0x3FB8];
	_ =	sdelay $0x3  }
0x36: {  	p1 =	seq.s32 s10, $0x1;
	s10 =	sld [smem:$0x3FB9];
	_ =	sdelay $0x3  }
0x37: {  	[smem:$0x3FB9] =	sst s10  }
0x38: {  	s10 =	sld [smem:$0x3FBA]  }
0x39: {  	_ = 	snop;
	(pc) =	sbr.ind lr, $3  }
0x3a: {  	_ = 	snop  }
0x3b: {  	_ = 	snop  }
0x3c: {  	p2 =	seq.s32 s10, $0x1;
	s10 =	sld [smem:$0x3FB9]  }
0x3d: {  	_ =	shalt  }
0x3e: {  	_ =	shalt  }
0x3f: {  	_ =	shalt  }
0x40: {  	_ =	shalt  }
0x41: {  	_ =	shalt  }
0x42: {  	_ =	shalt  }
0x43: {  	_ =	shalt  }
0x44: {  	_ =	shalt  }
0x45: {  	_ =	shalt  }
0x46: {  	_ =	shalt  }
0x47: {  	_ =	shalt  }
0x48: {  	_ =	shalt  }
0x49: {  	_ =	shalt  }
0x4a: {  	_ =	shalt  }
0x4b: {  	_ =	shalt  }
0x4c: {  	_ =	shalt  }
0x4d: {  	_ =	shalt  }
0x4e: {  	_ =	shalt  }
0x4f: {  	_ =	shalt  }
0x50: {  	_ =	shalt  }
0x51: {  	_ =	shalt  }
0x52: {  	_ =	shalt  }
0x53: {  	_ =	shalt  }
0x54: {  	_ =	shalt  }
0x55: {  	_ =	shalt  }
0x56: {  	_ =	shalt  }
0x57: {  	_ =	shalt  }
0x58: {  	_ =	shalt  }
0x59: {  	_ =	shalt  }
0x5a: {  	_ =	shalt  }
0x5b: {  	_ =	shalt  }
0x5c: {  	_ =	shalt  }
0x5d: {  	_ =	shalt  }
0x5e: {  	_ =	shalt  }
0x5f: {  	_ =	shalt  }
0x60: {  	_ =	shalt  }
0x61: {  	_ =	shalt  }
0x62: {  	_ =	shalt  }
0x63: {  	_ =	shalt  }
0x64: {  	_ =	shalt  }
0x65: {  	_ =	shalt  }
0x66: {  	_ =	shalt  }
0x67: {  	_ =	shalt  }
0x68: {  	_ =	shalt  }
0x69: {  	_ =	shalt  }
0x6a: {  	_ =	shalt  }
0x6b: {  	_ =	shalt  }
0x6c: {  	_ =	shalt  }
0x6d: {  	_ =	shalt  }
0x6e: {  	_ =	shalt  }
0x6f: {  	_ =	shalt  }
0x70: {  	_ =	shalt  }
0x71: {  	_ =	shalt  }
0x72: {  	_ =	shalt  }
0x73: {  	_ =	shalt  }
0x74: {  	_ =	shalt  }
0x75: {  	_ =	shalt  }
0x76: {  	_ =	shalt  }
0x77: {  	_ =	shalt  }
0x78: {  	_ =	shalt  }
0x79: {  	_ =	shalt  }
0x7a: {  	_ =	shalt  }
0x7b: {  	_ =	shalt  }
0x7c: {  	_ =	shalt  }
0x7d: {  	_ =	shalt  }
0x7e: {  	_ =	shalt  }
0x7f: {  	_ =	shalt  }
0x80: {  	_ =	shalt  }
0x81: {  	_ =	shalt  }
0x82: {  	_ =	shalt  }
0x83: {  	_ =	shalt  }
0x84: {  	_ =	shalt  }
0x85: {  	_ =	shalt  }
0x86: {  	_ =	shalt  }
0x87: {  	_ =	shalt  }
.Lfunc_end0:
.L_simem_size_0:
called_computation_lowered:
.L_overlay_start_0:
0x88: {  	s2 =	sld [smem:$0x3FD9]  }
0x89: {  	s3 =	sld [smem:$0x3FFE];
	_ =	sdelay $0x1  }
0x8a: {  	s1 =	srdreg.scid  }
0x8b: {  	s0 =	sand.u32 $0x1, s1  }
0x8c: {  	s14 =	sshll.u32 s0, $0xA;
	s2 =	sadd.s32 s3, s2  }
0x8d: {  	s2 =	sadd.s32 s2, s14  }
0x8e: {  	[smem:$0x3FC5] =	sst s2  }
0x8f: {  	_ = 	snop  }
0x90: {  	s2 =	sld [smem:$0x3FD0];
	_ =	sdelay $0x2  }
0x91: {  	s4 =	simm.s32 $0xA;
	s5 =	simm.s32 $0x10;
	s15 =	sld [smem:$0x3FC7]  }
0x92: {  	[smem:s5], [sflag:s4] =	dma.local [hbm:s2], $0x1  }
0x93: {  	_ =	swait.eq [sflag:s4], $0x1  }
0x94: {  	[sflag:s4] =	ssyncset.done $0x0  }
0x95: {  	s16 =	sld [smem:$0x10];
	[sflag:s4] =	ssyncadd.s32 $0xFFFFFFFF  }
0x96: {  	s17 =	sld [smem:$0x11];
	(tm) =	ssettm $0x1  }
0x97: {  	s18 =	sld [smem:$0x3FFB];
	_ =	sdelay $0x3  }
0x98: {  	_ =	strace s18  }
0x99: {  	s5 =	sld [smem:$0x3FFC];
	_ =	sdelay $0x3  }
0x9a: {  	_ =	strace s5  }
0x9b: {  	s5 =	sld [smem:$0x3FFD];
	_ =	sdelay $0x3  }
0x9c: {  	_ =	strace s5  }
0x9d: {  	_ =	strace $0x8FFFFFFF  }
0x9e: {  	s19 =	sld [smem:$0x3FDB];
	_ =	sdelay $0x1  }
0x9f: {  	s6 =	simm.s32 $_scs_section_size  }
0xa0: {  	s7 =	simm.s32 $_size__tile_overlayer_lowered;
	s8 =	simm.s32 $_tile_overlayer_lowered  }
0xa1: {  	s22 =	simm.s32 $0x1BFF;
	s21 =	sshll.u32 s8, $0x1;
	s5 =	sadd.s32 s6, s19  }
0xa2: {  	s9 =	simm.s32 $0x0;
	s20 =	sshll.u32 s7, $0x1;
	s7 =	sadd.s32 s21, s5  }
0xa3: {  	[timem:s9], [sflag:s22] =	dma.local [hbm:s7], s20  }
0xa4: {  	_ =	swait.ge [sflag:s22], s20  }
0xa5: {  	s6 =	ssub.s32 $0x0, s20;
	[sflag:s22] =	ssyncset.done $0x0  }
0xa6: {  	[sflag:s22] =	ssyncadd.s32 s6;
	_ =	sdelay $0x1  }
0xa7: {  	s23 =	simm.s32 $0x1B8B  }
0xa8: {  	_ =	swait.ge [sflag:s23], $0x1  }
0xa9: {  	[sflag:s23] =	ssyncset.done $0x0  }
0xaa: {  	s25 =	simm.s32 $0x1B8E;
	s24 =	sld [smem:$0x3FFE];
	[sflag:s23] =	ssyncadd.s32 $0xFFFFFFFF  }
0xab: {  	s26 =	simm.s32 $execute0_lowered;
	[smem:$0x3FD2] =	sst s25  }
0xac: {  	s7 =	sshll.u32 s26, $0x1;
	_ =	strace $0x80000046;
	[dreg:$0x1] =	wrdreg $0xFFFFFFFF  }
0xad: {  	s28 =	simm.s32 $_size_execute0_lowered;
	s5 =	sadd.s32 s5, s7;
	[dreg:$0x0] =	wrdreg $0x0  }
0xae: {  	s7 =	sshll.u32 s28, $0x1;
	[dreg:$0x2] =	wrdreg s5  }
0xaf: {  	[dreg:$0x3] =	wrdreg s7  }
0xb0: {  	[dreg:$0x4] =	wrdreg $0xC0  }
0xb1: {  	_ =	task [dreg:s9], $0x5FFFF  }
0xb2: {  	[dreg:$0x1] =	wrdreg $0xFFFFFFFF  }
0xb3: {  	[dreg:$0x0] =	wrdreg $0x60  }
0xb4: {  	[dreg:$0x2] =	wrdreg s24  }
0xb5: {  	[dreg:$0x3] =	wrdreg s15  }
0xb6: {  	[dreg:$0x4] =	wrdreg s16  }
0xb7: {  	[dreg:$0x5] =	wrdreg s17  }
0xb8: {  	[dreg:$0x6] =	wrdreg $0x9  }
0xb9: {  	_ =	task.clear_ibuf [dreg:s9], $0x7FFFF;
	_ =	strace $0x90000046  }
0xba: {  	s29 =	simm.s32 $0x9;
	_ =	strace $0x80000048  }
0xbb: {  	_ =	swait.ge [sflag:s29], $0x1  }
0xbc: {  	[sflag:s29] =	ssyncadd.s32 $0xFFFFFFFF  }
0xbd: {  	_ =	strace $0x90000048  }
0xbe: {  	_ =	sfence  }
0xbf: {  	s30 =	sld [smem:$0x0];
	_ =	sdelay $0x2  }
0xc0: {  	s31 =	sshll.u32 s1, $0xD;
	s1 =	sshrl.u32 s1, $0x2  }
0xc1: {  	s3 =	sand.u32 $0x4000, s31;
	s1 =	sadd.s32 s1, s30  }
0xc2: {  	s0 =	sor.u32 s3, s0;
	s1 =	sshll.u32 s1, $0x11  }
0xc3: {  	s0 =	sor.u32 s1, s0  }
0xc4: {  	s0 =	sadd.s32 $0x8F2B, s0  }
0xc5: {  	[sflag:s0] =	ssyncadd.remote.s32 $0x1  }
0xc6: {  	_ =	sfence.sel $0xFFFF  }
0xc7: {  	[dreg:$0x0] =	wrdreg $0xFFFFFFFF;
	(pc) =	sbr.abs _section_cstart, $3  }
0xc8: {  	[dreg:$0x1] =	wrdreg $0xFFFFFFFF  }
0xc9: {  	_ =	task.clear_ibuf [dreg:s9], $0x2FFFF;
	_ =	strace $0x9FFFFFFF  }
0xca: {  	(tm) =	ssettm $0x7FFFFFFF  }
0xcb: {  	_ =	shalt  }
tec
execute0_lowered:
.L_overlay_start_1:
0x0: {  	(tag) =	ssettag $0x1  }
0x1: {  	s4 =	rddreg [dreg:$0x0]  }
0x2: {  	s1 =	rddreg [dreg:$0x1]  }
0x3: {  	s6 =	rddreg [dreg:$0x2]  }
0x4: {  	s7 =	rddreg [dreg:$0x3]  }
0x5: {  	s0 =	rddreg [dreg:$0x4];
	s5 =	srdreg.scid  }
0x6: {  	s3 =	simm.s32 $0x0;
	s2 =	stileid.u32;
	s11 =	simm.s32 $0x400  }
0x7: {  	s12 =	simm.s32 $0x10000;
	s13 =	simm.s32 $0x8100;
	s14 =	simm.s32 $0x8900  }
0x8: {  	s15 =	simm.s32 $0x0;
	s5 =	sand.u32 $0x1, s5;
	s8 =	sshll.u32 s2, $0x9  }
0x9: {  	[smem:$0x7FF] =	sst s3;
	s9 =	sshll.u32 s5, $0x8;
	s5 =	ssub.s32 $0x2, s5  }
0xa: {  	_ =	strace $0x80000047;
	s8 =	sor.u32 s9, s8;
	s31 =	sshrl.u32 s5, $0x1  }
0xb: {  	s10 =	sadd.s32 s8, s4;
	s9 =	ssub.s32 s5, s31;
	s6 =	sadd.s32 s6, s8  }
0xc: {  	s7 =	sadd.s32 s7, s8;
	s4 =	sadd.s32 $0xE00, s10;
	s5 =	sadd.s32 $0xE80, s10  }
0xd: {  	s8 =	smax.u32 s9, $0x1;
	s9 =	simm.s32 $0x8000;
	s10 =	simm.s32 $0x1  }
.LBB2_1:
0xe: {  	[tilespmem:s9], [sflag:$0x1] =	stream.linear.gather [hbm4b:s1+s3], $0x100, $0x38;
	[tilespmem:$0x9100] =	vst v63  }
0xf: {  	_ =	swait.ge [sflag:s10], $0x100  }
0x10: {  	[sflag:s10] =	ssyncset.done $0x0  }
0x11: {  	[sflag:s10] =	ssyncadd.s32 $0xFFFFFF00  }
0x12: {  	[tilespmem:s3], [sflag:$0x1] =	stream.strided.gather [hbm4b:s4+s11], $0x8000, s12, s11, $0x38;
	[tilespmem:$0x9100] =	vst v63  }
0x13: {  	_ =	swait.ge [sflag:s10], $0x8000  }
0x14: {  	[sflag:s10] =	ssyncset.done $0x0  }
0x15: {  	p1 =	por $0x1, $0x1;
	s18 =	simm.s32 $0x0;
	[sflag:s10] =	ssyncadd.s32 $0xFFFF8000  }
.LBB2_2:
0x16: {  	v6 =	vimm.f32 $-Inf;
	v1 =	vimm.s32 $0x0;
	v2 =	vimm.s32 $0x0  }
0x17: {  	v3 =	vimm.s32 $0x0;
	v61 =	vimm.s32 $0x0;
	v63 =	vimm.s32 $0x0  }
0x18: {  	v7 =	vimm.s32 $0x0;
	v8 =	vimm.f32 $-Inf;
	v9 =	vimm.f32 $-Inf  }
0x19: {  	v10 =	vimm.f32 $-Inf;
	v11 =	vimm.f32 $-Inf;
	v14 =	vimm.f32 $-Inf  }
0x1a: {  	v12 =	vimm.s32 $0x0;
	v13 =	vimm.s32 $0x0;
	v60 =	vimm.s32 $0x0  }
0x1b: {  	v16 =	vimm.s32 $0x0;
	v59 =	vimm.s32 $0x0;
	v21 =	vimm.s32 $0x0  }
0x1c: {  	v19 =	vimm.f32 $-Inf;
	v18 =	vimm.f32 $-Inf;
	v58 =	vimm.f32 $-Inf  }
0x1d: {  	v22 =	vimm.f32 $-Inf;
	v23 =	vimm.f32 $-Inf;
	v24 =	vimm.f32 $-Inf  }
0x1e: {  	v57 =	vimm.s32 $0x0;
	v25 =	vimm.s32 $0x0;
	v55 =	vimm.s32 $0x0  }
0x1f: {  	v56 =	vimm.s32 $0x0;
	v62 =	vimm.s32 $0x0;
	v34 =	vimm.s32 $0x0  }
0x20: {  	v30 =	vimm.f32 $-Inf;
	v31 =	vimm.f32 $-Inf;
	v33 =	vimm.f32 $-Inf  }
0x21: {  	v32 =	vimm.f32 $-Inf;
	v35 =	vimm.f32 $-Inf;
	v39 =	vimm.f32 $-Inf  }
0x22: {  	v54 =	vimm.s32 $0x0;
	v37 =	vimm.s32 $0x0;
	v38 =	vimm.s32 $0x0  }
0x23: {  	s16 =	sshll.u32 s18, $0x2;
	v40 =	vimm.s32 $0x0;
	v41 =	vimm.s32 $0x0;
	v47 =	vimm.s32 $0x0;
	s19 =	sor.u32 $0x10, s18  }
0x24: {  	s17 =	sor.u32 $0x20, s18;
	v42 =	vimm.f32 $-Inf;
	v43 =	vimm.f32 $-Inf;
	v44 =	vimm.f32 $-Inf;
	p0 =	por p1, p1;
	s20 =	sshra.s32 s16, $0x2  }
0x25: {  	s21 =	simm.s32 $0x0;
	v45 =	vimm.f32 $-Inf;
	v46 =	vimm.f32 $-Inf;
	v48 =	vimm.f32 $-Inf;
	s16 =	sor.u32 $0x30, s18;
	s20 =	sadd.s32 $0x100, s20  }
.LBB2_3:
0x26: {  	v49 =	vld [tilespmem:s20+$0xFFFFFF00];
	_ =	sdelay $0x2  }
0x27: {  	v52 =	vld [tilespmem:s20+$0xFFFFFF10];
	_ =	sdelay $0x1  }
0x28: {  	vm0 =	vgt.f32 v49, v48  }
0x29: {  	v50 =	vsel vm0, v48, v49  }
0x2a: {  	vm1 =	vgt.f32 v50, v46  }
0x2b: {  	vm9 =	vgt.f32 v52, v39;
	v48 =	vsel vm0, v49, v48;
	v51 =	vsel vm1, v46, v50  }
0x2c: {  	v49 =	vsel vm0, s21, v47;
	v36 =	vnsel vm0, s21, v47;
	vm2 =	vgt.f32 v51, v45  }
0x2d: {  	v46 =	vsel vm1, v50, v46;
	v53 =	vsel vm1, v36, v41;
	v50 =	vsel vm2, v45, v51  }
0x2e: {  	v36 =	vsel vm1, v41, v36;
	v45 =	vsel vm2, v51, v45;
	vm7 =	vgt.f32 v50, v44  }
0x2f: {  	v47 =	vsel vm2, v36, v40;
	v36 =	vsel vm2, v40, v36;
	v51 =	vsel vm7, v44, v50  }
0x30: {  	v41 =	vsel vm7, v50, v44;
	v44 =	vsel vm7, v36, v38;
	vm8 =	vgt.f32 v51, v43  }
0x31: {  	v38 =	vsel vm7, v38, v36;
	v40 =	vsel vm8, v51, v43;
	v43 =	vsel vm8, v43, v51  }
0x32: {  	v50 =	vsel vm8, v38, v37;
	v51 =	vsel vm9, v39, v52;
	vm10 =	vgt.f32 v43, v42  }
0x33: {  	v37 =	vsel vm8, v37, v38;
	v38 =	vld [tilespmem:s20+$0xFFFFFF20];
	vm11 =	vgt.f32 v51, v35;
	v42 =	vsel vm10, v43, v42  }
0x34: {  	v36 =	vsel vm10, v37, v54;
	v37 =	vsel vm9, v52, v39;
	v39 =	vsel vm9, s21, v34  }
0x35: {  	v43 =	vsel vm11, v35, v51;
	v54 =	vnsel vm9, s21, v34;
	v35 =	vsel vm11, v51, v35  }
0x36: {  	vm12 =	vgt.f32 v43, v32;
	v51 =	vsel vm11, v54, v62;
	v29 =	vsel vm11, v62, v54  }
0x37: {  	v52 =	vsel vm12, v32, v43;
	v32 =	vsel vm12, v43, v32;
	v43 =	vsel vm12, v29, v56  }
0x38: {  	v28 =	vsel vm12, v56, v29;
	vm13 =	vgt.f32 v52, v33;
	vm15 =	vgt.f32 v38, v24  }
0x39: {  	v29 =	vsel vm13, v52, v33;
	v54 =	vsel vm13, v33, v52;
	v34 =	vsel vm13, v28, v55  }
0x3a: {  	v27 =	vsel vm13, v55, v28;
	v56 =	vsel vm15, v24, v38;
	vm14 =	vgt.f32 v54, v31  }
0x3b: {  	v24 =	vsel vm15, v38, v24;
	vm5 =	vgt.f32 v56, v23;
	v28 =	vsel vm14, v54, v31  }
0x3c: {  	v31 =	vsel vm14, v31, v54;
	v33 =	vsel vm14, v27, v25;
	v26 =	vsel vm5, v23, v56  }
0x3d: {  	v25 =	vsel vm14, v25, v27;
	vm4 =	vgt.f32 v31, v30;
	vm6 =	vgt.f32 v26, v22  }
0x3e: {  	v27 =	vsel vm4, v31, v30;
	v30 =	vsel vm15, s21, v21;
	v21 =	vnsel vm15, s21, v21  }
0x3f: {  	v23 =	vsel vm5, v56, v23;
	v31 =	vld [tilespmem:s20+$0xFFFFFF30];
	v62 =	vsel vm6, v22, v26;
	v38 =	vsel vm5, v21, v59  }
0x40: {  	v17 =	vsel vm5, v59, v21;
	v21 =	vsel vm6, v26, v22;
	vm7 =	vgt.f32 v62, v58  }
0x41: {  	v22 =	vsel vm6, v17, v16;
	v16 =	vsel vm6, v16, v17;
	v17 =	vsel vm7, v58, v62  }
0x42: {  	v56 =	vld [tilespmem:s20+$0xFFFFFF90];
	v20 =	vsel vm7, v62, v58;
	v26 =	vsel vm7, v16, v60;
	vm8 =	vgt.f32 v17, v18  }
0x43: {  	v15 =	vsel vm7, v60, v16;
	v16 =	vsel vm8, v17, v18;
	v17 =	vsel vm8, v18, v17  }
0x44: {  	v52 =	vsel vm8, v15, v13;
	vm9 =	vgt.f32 v31, v14;
	vm10 =	vgt.f32 v17, v19  }
0x45: {  	v13 =	vsel vm8, v13, v15;
	v18 =	vsel vm9, v14, v31;
	v15 =	vsel vm10, v17, v19  }
0x46: {  	v12 =	vsel vm10, v13, v12;
	v14 =	vsel vm9, v31, v14;
	v17 =	vsel vm9, s21, v7  }
0x47: {  	v7 =	vnsel vm9, s21, v7;
	vm9 =	vgt.f32 v56, v37;
	vm11 =	vgt.f32 v18, v11  }
0x48: {  	v19 =	vld [tilespmem:s20+$0xFFFFFF80];
	v58 =	vsel vm9, v37, v56;
	v13 =	vsel vm11, v11, v18;
	v11 =	vsel vm11, v18, v11  }
0x49: {  	v31 =	vsel vm11, v7, v63;
	v5 =	vsel vm11, v63, v7;
	vm11 =	vgt.f32 v58, v35  }
0x4a: {  	v25 =	vsel vm4, v25, v57;
	vm12 =	vgt.f32 v13, v10;
	v59 =	vsel vm11, v35, v58  }
0x4b: {  	v35 =	vsel vm11, v58, v35;
	v18 =	vsel vm12, v10, v13;
	v7 =	vsel vm12, v13, v10  }
0x4c: {  	v10 =	vsel vm12, v5, v61;
	v4 =	vsel vm12, v61, v5;
	vm12 =	vgt.f32 v59, v32  }
0x4d: {  	vm13 =	vgt.f32 v18, v9;
	vm15 =	vgt.f32 v19, v48;
	v61 =	vsel vm12, v32, v59  }
0x4e: {  	v32 =	vsel vm12, v59, v32;
	v13 =	vsel vm13, v9, v18;
	v5 =	vsel vm13, v18, v9  }
0x4f: {  	v9 =	vsel vm13, v4, v3;
	v3 =	vsel vm13, v3, v4;
	vm13 =	vgt.f32 v61, v29  }
0x50: {  	vm14 =	vgt.f32 v13, v8;
	v62 =	vsel vm13, v29, v61;
	v29 =	vsel vm13, v61, v29  }
0x51: {  	v60 =	vld [tilespmem:s20+$0xFFFFFFA0];
	v4 =	vsel vm14, v13, v8;
	v18 =	vsel vm14, v3, v2;
	v8 =	vsel vm14, v8, v13  }
0x52: {  	v2 =	vsel vm14, v2, v3;
	v3 =	vsel vm15, v48, v19;
	vm4 =	vgt.f32 v8, v6  }
0x53: {  	s22 =	sadd.s32 $0x1, s21;
	vm14 =	vgt.f32 v62, v28;
	vm5 =	vgt.f32 v3, v46;
	v6 =	vsel vm4, v8, v6  }
0x54: {  	v1 =	vsel vm4, v2, v1;
	v2 =	vsel vm15, v19, v48;
	v8 =	vsel vm15, s22, v49  }
0x55: {  	v13 =	vsel vm5, v46, v3;
	v19 =	vnsel vm15, s22, v49;
	v3 =	vsel vm5, v3, v46  }
0x56: {  	vm15 =	vgt.f32 v60, v24;
	vm6 =	vgt.f32 v13, v45;
	v48 =	vsel vm5, v19, v53  }
0x57: {  	v19 =	vsel vm5, v53, v19;
	v63 =	vsel vm15, v24, v60;
	v57 =	vsel vm6, v45, v13  }
0x58: {  	v13 =	vsel vm6, v13, v45;
	v45 =	vsel vm6, v19, v47;
	vm7 =	vgt.f32 v57, v41  }
0x59: {  	v19 =	vsel vm6, v47, v19;
	v47 =	vsel vm7, v57, v41;
	v41 =	vsel vm7, v41, v57  }
0x5a: {  	v55 =	vld [tilespmem:s20+$0xFFFFFFB0];
	v24 =	vsel vm15, v60, v24;
	v49 =	vsel vm7, v19, v44;
	vm8 =	vgt.f32 v41, v40  }
0x5b: {  	v19 =	vsel vm7, v44, v19;
	v44 =	vsel vm8, v41, v40;
	v40 =	vsel vm8, v40, v41  }
0x5c: {  	v41 =	vsel vm8, v19, v50;
	v19 =	vsel vm8, v50, v19;
	vm10 =	vgt.f32 v40, v42  }
0x5d: {  	vm5 =	vgt.f32 v63, v23;
	v40 =	vsel vm10, v40, v42;
	v0 =	vsel vm10, v19, v36  }
0x5e: {  	v36 =	vsel vm9, v56, v37;
	v42 =	vsel vm9, s22, v39;
	v39 =	vnsel vm9, s22, v39  }
0x5f: {  	vm9 =	vgt.f32 v55, v14;
	v50 =	vsel vm11, v39, v51;
	v39 =	vsel vm11, v51, v39  }
0x60: {  	v57 =	vsel vm9, v14, v55;
	v37 =	vsel vm12, v39, v43;
	v39 =	vsel vm12, v43, v39  }
0x61: {  	v58 =	vld [tilespmem:s20+$0x0];
	v14 =	vsel vm9, v55, v14;
	vm11 =	vgt.f32 v57, v11;
	v51 =	vsel vm13, v39, v34  }
0x62: {  	v34 =	vsel vm13, v34, v39;
	v39 =	vsel vm14, v62, v28;
	v28 =	vsel vm14, v28, v62  }
0x63: {  	v53 =	vsel vm14, v34, v33;
	v33 =	vsel vm14, v33, v34;
	vm4 =	vgt.f32 v28, v27  }
0x64: {  	v27 =	vsel vm4, v28, v27;
	v25 =	vsel vm4, v33, v25;
	v28 =	vsel vm5, v23, v63  }
0x65: {  	v33 =	vsel vm15, s22, v30;
	v30 =	vnsel vm15, s22, v30;
	v23 =	vsel vm5, v63, v23  }
0x66: {  	vm15 =	vgt.f32 v58, v2;
	vm6 =	vgt.f32 v28, v21;
	v46 =	vsel vm5, v30, v38  }
0x67: {  	s30 =	sadd.s32 $0x2, s21;
	v30 =	vsel vm5, v38, v30;
	v59 =	vsel vm15, v2, v58;
	v2 =	vsel vm15, v58, v2  }
0x68: {  	v62 =	vsel vm15, s30, v8;
	v8 =	vnsel vm15, s30, v8;
	v54 =	vsel vm6, v21, v28  }
0x69: {  	v21 =	vsel vm6, v28, v21;
	v28 =	vsel vm6, v30, v22;
	vm7 =	vgt.f32 v54, v20  }
0x6a: {  	v22 =	vsel vm6, v22, v30;
	vm5 =	vgt.f32 v59, v3;
	v56 =	vsel vm7, v20, v54  }
0x6b: {  	v38 =	vsel vm5, v59, v3;
	v30 =	vsel vm7, v22, v26;
	vm8 =	vgt.f32 v56, v16  }
0x6c: {  	v22 =	vsel vm7, v26, v22;
	v26 =	vsel vm8, v56, v16;
	v16 =	vsel vm8, v16, v56  }
0x6d: {  	v34 =	vsel vm8, v22, v52;
	v22 =	vsel vm8, v52, v22;
	vm10 =	vgt.f32 v16, v15  }
0x6e: {  	v15 =	vsel vm10, v16, v15;
	v12 =	vsel vm10, v22, v12;
	v22 =	vsel vm11, v11, v57  }
0x6f: {  	v16 =	vsel vm9, s22, v17;
	v17 =	vnsel vm9, s22, v17;
	vm12 =	vgt.f32 v22, v7  }
0x70: {  	v43 =	vsel vm11, v17, v31;
	v17 =	vsel vm11, v31, v17;
	v31 =	vsel vm12, v7, v22  }
0x71: {  	v7 =	vsel vm12, v22, v7;
	v22 =	vsel vm12, v17, v10;
	vm13 =	vgt.f32 v31, v5  }
0x72: {  	v10 =	vsel vm12, v10, v17;
	v17 =	vsel vm13, v31, v5;
	v5 =	vsel vm13, v5, v31  }
0x73: {  	v20 =	vsel vm7, v54, v20;
	v31 =	vsel vm13, v10, v9;
	vm14 =	vgt.f32 v5, v4  }
0x74: {  	v9 =	vsel vm13, v9, v10;
	v10 =	vsel vm14, v5, v4;
	v4 =	vsel vm14, v4, v5  }
0x75: {  	v5 =	vsel vm14, v9, v18;
	v9 =	vsel vm14, v18, v9;
	v18 =	vld [tilespmem:s20+$0x10];
	vm4 =	vgt.f32 v4, v6  }
0x76: {  	v52 =	vsel vm5, v8, v48;
	v6 =	vsel vm4, v4, v6;
	v4 =	vsel vm5, v3, v59  }
0x77: {  	v8 =	vsel vm5, v48, v8;
	v11 =	vsel vm11, v57, v11;
	vm6 =	vgt.f32 v4, v13  }
0x78: {  	v1 =	vsel vm4, v9, v1;
	v3 =	vsel vm6, v13, v4;
	v13 =	vsel vm6, v4, v13  }
0x79: {  	v48 =	vsel vm6, v8, v45;
	v4 =	vsel vm6, v45, v8;
	vm7 =	vgt.f32 v3, v47  }
0x7a: {  	vm9 =	vgt.f32 v18, v36;
	v8 =	vsel vm7, v47, v3;
	v47 =	vsel vm7, v3, v47  }
0x7b: {  	v54 =	vsel vm7, v4, v49;
	v3 =	vsel vm7, v49, v4;
	vm8 =	vgt.f32 v8, v44  }
0x7c: {  	v49 =	vsel vm8, v8, v44;
	v4 =	vsel vm8, v44, v8;
	v8 =	vsel vm9, v36, v18  }
0x7d: {  	v19 =	vsel vm9, s30, v42;
	vm10 =	vgt.f32 v4, v40;
	vm11 =	vgt.f32 v8, v35  }
0x7e: {  	v61 =	vnsel vm9, s30, v42;
	v56 =	vsel vm10, v4, v40;
	v4 =	vsel vm11, v35, v8  }
0x7f: {  	v55 =	vsel vm8, v3, v41;
	v3 =	vsel vm8, v41, v3;
	v40 =	vld [tilespmem:s20+$0x20];
	vm12 =	vgt.f32 v4, v32  }
0x80: {  	v18 =	vsel vm9, v18, v36;
	v0 =	vsel vm10, v3, v0;
	v63 =	vsel vm12, v32, v4  }
0x81: {  	v57 =	vsel vm11, v61, v50;
	v36 =	vsel vm11, v50, v61;
	vm13 =	vgt.f32 v63, v29  }
0x82: {  	v50 =	vsel vm12, v4, v32;
	v44 =	vsel vm12, v37, v36;
	v4 =	vsel vm13, v29, v63  }
0x83: {  	v59 =	vsel vm13, v63, v29;
	v60 =	vsel vm13, v44, v51;
	vm14 =	vgt.f32 v4, v39  }
0x84: {  	v29 =	vsel vm13, v51, v44;
	vm15 =	vgt.f32 v40, v24;
	v51 =	vsel vm14, v4, v39  }
0x85: {  	v61 =	vsel vm14, v29, v53;
	v4 =	vsel vm14, v39, v4;
	v45 =	vsel vm15, v24, v40  }
0x86: {  	v29 =	vsel vm14, v53, v29;
	vm4 =	vgt.f32 v4, v27;
	vm5 =	vgt.f32 v45, v23  }
0x87: {  	v8 =	vsel vm11, v8, v35;
	[tilespmem:$0x1FFD0] =	vst v0;
	v0 =	vsel vm4, v29, v25;
	v25 =	vsel vm5, v23, v45  }
0x88: {  	v53 =	vsel vm4, v4, v27;
	v27 =	vnsel vm15, s30, v33;
	v29 =	vld [tilespmem:s20+$0x30];
	vm6 =	vgt.f32 v25, v21  }
0x89: {  	v63 =	vsel vm5, v27, v46;
	v27 =	vsel vm5, v46, v27;
	v46 =	vsel vm6, v21, v25  }
0x8a: {  	v58 =	vsel vm12, v36, v37;
	v21 =	vsel vm6, v25, v21;
	vm7 =	vgt.f32 v46, v20  }
0x8b: {  	v25 =	vsel vm6, v28, v27;
	v36 =	vsel vm7, v46, v20;
	v20 =	vsel vm7, v20, v46  }
0x8c: {  	v3 =	vsel vm6, v27, v28;
	v27 =	vsel vm7, v25, v30;
	vm8 =	vgt.f32 v20, v26  }
0x8d: {  	v25 =	vsel vm7, v30, v25;
	vm9 =	vgt.f32 v29, v14;
	v28 =	vsel vm8, v20, v26  }
0x8e: {  	v20 =	vsel vm8, v26, v20;
	v26 =	vsel vm8, v25, v34;
	v30 =	vsel vm9, v14, v29  }
0x8f: {  	[tilespmem:$0x1FFB0] =	vst v12;
	v25 =	vsel vm8, v34, v25;
	vm10 =	vgt.f32 v20, v15;
	vm11 =	vgt.f32 v30, v11  }
0x90: {  	[tilespmem:$0x1FFE0] =	vst v0;
	v0 =	vld [tilespmem:$0x1FFB0];
	v14 =	vsel vm9, v29, v14;
	v15 =	vsel vm10, v20, v15;
	v20 =	vsel vm11, v11, v30  }
0x91: {  	v9 =	vsel vm9, s30, v16;
	v16 =	vnsel vm9, s30, v16;
	vm12 =	vgt.f32 v20, v7  }
0x92: {  	v11 =	vsel vm11, v30, v11;
	v29 =	vsel vm11, v16, v43;
	v30 =	vsel vm12, v7, v20  }
0x93: {  	v16 =	vsel vm11, v43, v16;
	v7 =	vsel vm12, v20, v7;
	vm13 =	vgt.f32 v30, v17  }
0x94: {  	v20 =	vsel vm12, v16, v22;
	v16 =	vsel vm12, v22, v16;
	v22 =	vsel vm13, v17, v30  }
0x95: {  	v0 =	vsel vm10, v25, v0;
	v25 =	vld [tilespmem:s20+$0x80];
	vm14 =	vgt.f32 v22, v10  }
0x96: {  	[tilespmem:$0x1FFF0] =	vst v0;
	v0 =	vsel vm14, v22, v10;
	v10 =	vsel vm14, v10, v22  }
0x97: {  	[tilespmem:$0x1FFC0] =	vst v1;
	v23 =	vsel vm5, v45, v23;
	vm5 =	vgt.f32 v10, v6  }
0x98: {  	v6 =	vsel vm5, v10, v6;
	v10 =	vld [tilespmem:$0x1FFC0];
	_ =	sdelay $0x1  }
0x99: {  	v24 =	vsel vm15, v40, v24;
	v12 =	vsel vm15, s30, v33;
	vm15 =	vgt.f32 v25, v2  }
0x9a: {  	v1 =	vsel vm13, v16, v31;
	v16 =	vsel vm13, v31, v16;
	v22 =	vsel vm15, v2, v25  }
0x9b: {  	v4 =	vsel vm14, v16, v5;
	v5 =	vsel vm14, v5, v16;
	vm6 =	vgt.f32 v22, v38  }
0x9c: {  	v5 =	vsel vm5, v5, v10;
	v10 =	vsel vm6, v38, v22  }
0x9d: {  	vm7 =	vgt.f32 v10, v13  }
0x9e: {  	v17 =	vsel vm13, v30, v17;
	v30 =	vsel vm7, v13, v10  }
0x9f: {  	vm8 =	vgt.f32 v30, v47  }
0xa0: {  	v45 =	vsel vm7, v10, v13;
	v13 =	vsel vm8, v47, v30  }
0xa1: {  	v46 =	vsel vm6, v22, v38;
	v22 =	vld [tilespmem:s20+$0x90];
	vm9 =	vgt.f32 v13, v49  }
0xa2: {  	v43 =	vsel vm9, v13, v49;
	v13 =	vsel vm9, v49, v13  }
0xa3: {  	s31 =	sadd.s32 $0x3, s21;
	vm3 =	vgt.f32 v13, v56  }
0xa4: {  	v16 =	vnsel vm15, s31, v62;
	v42 =	vsel vm3, v13, v56;
	v13 =	vld [tilespmem:$0x1FFD0]  }
0xa5: {  	v41 =	vsel vm6, v16, v52;
	v16 =	vsel vm6, v52, v16  }
0xa6: {  	v40 =	vsel vm7, v16, v48;
	v10 =	vsel vm7, v48, v16;
	vm10 =	vgt.f32 v22, v18  }
0xa7: {  	v38 =	vsel vm8, v10, v54;
	v10 =	vsel vm8, v54, v10;
	v16 =	vsel vm10, v18, v22  }
0xa8: {  	v37 =	vsel vm9, v10, v55;
	v10 =	vsel vm9, v55, v10;
	vm11 =	vgt.f32 v16, v8  }
0xa9: {  	v54 =	vsel vm3, v10, v13;
	v13 =	vsel vm11, v8, v16  }
0xaa: {  	v35 =	vsel vm11, v16, v8;
	v10 =	vnsel vm10, s31, v19;
	vm12 =	vgt.f32 v13, v50  }
0xab: {  	v31 =	vmovc v62;
	v62 =	vsel vm11, v10, v57;
	v8 =	vsel vm11, v57, v10;
	v10 =	vsel vm12, v50, v13  }
0xac: {  	vm13 =	vgt.f32 v10, v59  }
0xad: {  	v48 =	vsel vm15, v25, v2;
	v2 =	vsel vm13, v59, v10  }
0xae: {  	v44 =	vsel vm8, v30, v47;
	v32 =	vsel vm12, v13, v50;
	v13 =	vld [tilespmem:s20+$0xA0];
	vm14 =	vgt.f32 v2, v51  }
0xaf: {  	v47 =	vsel vm15, s31, v31;
	v31 =	vsel vm14, v2, v51;
	v2 =	vsel vm14, v51, v2  }
0xb0: {  	vm4 =	vgt.f32 v2, v53  }
0xb1: {  	v30 =	vsel vm4, v2, v53;
	v2 =	vld [tilespmem:$0x1FFE0]  }
0xb2: {  	v56 =	vsel vm12, v8, v58  }
0xb3: {  	v8 =	vsel vm12, v58, v8;
	v33 =	vsel vm13, v10, v59;
	vm15 =	vgt.f32 v13, v24  }
0xb4: {  	v55 =	vsel vm13, v8, v60;
	v8 =	vsel vm13, v60, v8;
	v10 =	vsel vm15, v24, v13  }
0xb5: {  	v25 =	vsel vm14, v8, v61;
	v8 =	vsel vm14, v61, v8;
	vm5 =	vgt.f32 v10, v23  }
0xb6: {  	v57 =	vsel vm4, v8, v2;
	v2 =	vsel vm5, v23, v10  }
0xb7: {  	v39 =	vsel vm10, v22, v18;
	v8 =	vnsel vm15, s31, v12;
	vm6 =	vgt.f32 v2, v21  }
0xb8: {  	v23 =	vsel vm5, v10, v23;
	v59 =	vsel vm5, v8, v63;
	v10 =	vsel vm6, v21, v2  }
0xb9: {  	v8 =	vsel vm5, v63, v8;
	v22 =	vsel vm6, v2, v21;
	vm7 =	vgt.f32 v10, v36  }
0xba: {  	v53 =	vld [tilespmem:s20+$0xB0];
	v16 =	vsel vm6, v8, v3;
	v2 =	vsel vm6, v3, v8;
	v3 =	vsel vm7, v36, v10  }
0xbb: {  	vm8 =	vgt.f32 v3, v28  }
0xbc: {  	v18 =	vsel vm8, v3, v28;
	v3 =	vsel vm8, v28, v3  }
0xbd: {  	v34 =	vsel vm10, s31, v19;
	vm10 =	vgt.f32 v3, v15  }
0xbe: {  	v19 =	vsel vm10, v3, v15;
	v3 =	vld [tilespmem:$0x1FFF0]  }
0xbf: {  	vm9 =	vgt.f32 v53, v14  }
0xc0: {  	v24 =	vsel vm15, v13, v24;
	v8 =	vsel vm9, v14, v53  }
0xc1: {  	v21 =	vsel vm15, s31, v12;
	v60 =	vsel vm7, v2, v27;
	v2 =	vsel vm7, v27, v2  }
0xc2: {  	vm11 =	vgt.f32 v8, v11;
	v13 =	vsel vm8, v2, v26;
	v2 =	vsel vm8, v26, v2  }
0xc3: {  	v14 =	vsel vm9, v53, v14;
	v12 =	vsel vm10, v2, v3;
	v2 =	vsel vm11, v11, v8  }
0xc4: {  	v58 =	vsel vm7, v10, v36;
	v3 =	vnsel vm9, s31, v9;
	vm12 =	vgt.f32 v2, v7  }
0xc5: {  	v11 =	vsel vm11, v8, v11;
	v63 =	vsel vm11, v3, v29;
	v8 =	vsel vm12, v7, v2  }
0xc6: {  	p1 =	slt.u32 s21, $0xFC;
	v3 =	vsel vm11, v29, v3;
	v10 =	vsel vm12, v2, v7;
	vm13 =	vgt.f32 v8, v17  }
.Ltmp0:
0xc7: {  	v61 =	vsel vm12, v3, v20;
	v2 =	vsel vm12, v20, v3;
	v15 =	vsel vm13, v17, v8;
	(pc) =	sbr.rel @p1 .LBB2_3-.Ltmp0, $4  }
0xc8: {  	v7 =	vsel vm9, s31, v9;
	v9 =	vsel vm13, v8, v17;
	vm14 =	vgt.f32 v15, v0  }
0xc9: {  	v3 =	vsel vm13, v2, v1;
	v1 =	vsel vm13, v1, v2;
	v17 =	vsel vm14, v0, v15  }
0xca: {  	v8 =	vsel vm14, v15, v0;
	v0 =	vsel vm14, v4, v1;
	vm15 =	vgt.f32 v17, v6  }
0xcb: {  	s21 =	sadd.s32 $0x4, s21;
	s20 =	sadd.s32 $0x200, s20;
	v2 =	vsel vm14, v1, v4;
	v6 =	vsel vm15, v17, v6;
	v1 =	vsel vm15, v0, v5  }
0xcc: {  	_ =	sdelay $0x3  }
0xcd: {  	v0 =	vld.idx.msk [tilespmem:v47+s9+$0x0], $0xffff  }
0xce: {  	v4 =	vld.idx.msk [tilespmem:v41+s9+$0x0], $0xffff;
	_ =	sdelay $0x1  }
0xcf: {  	v5 =	vld.idx.msk [tilespmem:v40+s9+$0x0], $0xffff;
	_ =	sdelay $0x1  }
0xd0: {  	v15 =	vld.idx.msk [tilespmem:v38+s9+$0x0], $0xffff  }
0xd1: {  	v0 =	vsub.f32 v48, v0;
	v4 =	vsub.f32 v46, v4  }
0xd2: {  	v17 =	vld.idx.msk [tilespmem:v37+s9+$0x0], $0xffff  }
0xd3: {  	v5 =	vsub.f32 v45, v5;
	v20 =	vadd.f32 v4, v0  }
0xd4: {  	v26 =	vld.idx.msk [tilespmem:v54+s9+$0x0], $0xffff  }
0xd5: {  	v15 =	vsub.f32 v44, v15;
	v20 =	vadd.f32 v5, v20;
	_ =	sdelay $0x1  }
0xd6: {  	v17 =	vsub.f32 v43, v17;
	v20 =	vadd.f32 v15, v20;
	_ =	sdelay $0x1  }
0xd7: {  	v26 =	vsub.f32 v42, v26;
	v20 =	vadd.f32 v17, v20;
	_ =	sdelay $0x1  }
0xd8: {  	v20 =	vadd.f32 v26, v20;
	_ =	sdelay $0x1  }
0xd9: {  	(erf) = vrcp.f32 v20;
	_ =	sdelay $0x7  }
0xda: {  	v36 =	vlaneseq.u32  }
0xdb: {  	v27 =	vor.u32 s18, v36;
	v20 =	vpop (erf)  }
0xdc: {  	v42 =	vor.u32 $0x80, v36;
	v20 =	vmul.f32 $1.500000000e+00, v20  }
0xdd: {  	v28 =	vor.u32 s18, v42  }
0xde: {  	v43 =	vor.u32 $0x100, v36;
	v0 =	vmul.f32 v20, v0  }
0xdf: {  	v29 =	vor.u32 s18, v43  }
0xe0: {  	v44 =	vor.u32 $0x180, v36;
	v50 =	vmul.f32 v20, v4;
	[tilespmem:v27+s13+$0x0] =	vst.idx.msk $0xffff, v0  }
0xe1: {  	v51 =	vor.u32 s18, v44;
	[tilespmem:v27+s14+$0x0] =	vst.idx.msk $0xffff, v47  }
0xe2: {  	v45 =	vor.u32 $0x200, v36;
	v52 =	vmul.f32 v20, v5;
	[tilespmem:v28+s13+$0x0] =	vst.idx.msk $0xffff, v50  }
0xe3: {  	v53 =	vor.u32 s18, v45;
	[tilespmem:v28+s14+$0x0] =	vst.idx.msk $0xffff, v41  }
0xe4: {  	v27 =	vmul.f32 v20, v15;
	v41 =	vor.u32 $0x280, v36;
	[tilespmem:v29+s13+$0x0] =	vst.idx.msk $0xffff, v52  }
0xe5: {  	v28 =	vor.u32 s18, v41;
	[tilespmem:v29+s14+$0x0] =	vst.idx.msk $0xffff, v40  }
0xe6: {  	v29 =	vmul.f32 v20, v17;
	[tilespmem:v51+s13+$0x0] =	vst.idx.msk $0xffff, v27  }
0xe7: {  	[tilespmem:v51+s14+$0x0] =	vst.idx.msk $0xffff, v38  }
0xe8: {  	v38 =	vmul.f32 v20, v26;
	[tilespmem:v53+s13+$0x0] =	vst.idx.msk $0xffff, v29  }
0xe9: {  	[tilespmem:v53+s14+$0x0] =	vst.idx.msk $0xffff, v37  }
0xea: {  	[tilespmem:v28+s13+$0x0] =	vst.idx.msk $0xffff, v38  }
0xeb: {  	[tilespmem:v28+s14+$0x0] =	vst.idx.msk $0xffff, v54  }
0xec: {  	v0 =	vld.idx.msk [tilespmem:v34+s9+$0x0], $0xffff  }
0xed: {  	v4 =	vld.idx.msk [tilespmem:v62+s9+$0x0], $0xffff;
	_ =	sdelay $0x1  }
0xee: {  	v5 =	vld.idx.msk [tilespmem:v56+s9+$0x0], $0xffff;
	_ =	sdelay $0x1  }
0xef: {  	v15 =	vld.idx.msk [tilespmem:v55+s9+$0x0], $0xffff  }
0xf0: {  	v0 =	vsub.f32 v39, v0;
	v4 =	vsub.f32 v35, v4  }
0xf1: {  	v40 =	vld.idx.msk [tilespmem:v25+s9+$0x0], $0xffff  }
0xf2: {  	v5 =	vsub.f32 v32, v5;
	v46 =	vadd.f32 v4, v0  }
0xf3: {  	v47 =	vld.idx.msk [tilespmem:v57+s9+$0x0], $0xffff  }
0xf4: {  	v15 =	vsub.f32 v33, v15;
	v20 =	vadd.f32 v5, v46;
	_ =	sdelay $0x1  }
0xf5: {  	v17 =	vsub.f32 v31, v40;
	v20 =	vadd.f32 v15, v20;
	_ =	sdelay $0x1  }
0xf6: {  	v26 =	vsub.f32 v30, v47;
	v20 =	vadd.f32 v17, v20;
	_ =	sdelay $0x1  }
0xf7: {  	v20 =	vadd.f32 v26, v20;
	_ =	sdelay $0x1  }
0xf8: {  	(erf) = vrcp.f32 v20;
	_ =	sdelay $0x8  }
0xf9: {  	v48 =	vor.u32 s19, v36;
	v20 =	vpop (erf)  }
0xfa: {  	v20 =	vmul.f32 $1.500000000e+00, v20  }
0xfb: {  	v49 =	vor.u32 s19, v42  }
0xfc: {  	v0 =	vmul.f32 v20, v0  }
0xfd: {  	v50 =	vor.u32 s19, v43  }
0xfe: {  	v51 =	vmul.f32 v20, v4;
	[tilespmem:v48+s13+$0x0] =	vst.idx.msk $0xffff, v0  }
0xff: {  	v52 =	vor.u32 s19, v44;
	[tilespmem:v48+s14+$0x0] =	vst.idx.msk $0xffff, v34  }
0x100: {  	v53 =	vmul.f32 v20, v5;
	[tilespmem:v49+s13+$0x0] =	vst.idx.msk $0xffff, v51  }
0x101: {  	v54 =	vor.u32 s19, v45;
	[tilespmem:v49+s14+$0x0] =	vst.idx.msk $0xffff, v62  }
0x102: {  	v62 =	vmul.f32 v20, v15;
	[tilespmem:v50+s13+$0x0] =	vst.idx.msk $0xffff, v53  }
0x103: {  	v27 =	vor.u32 s19, v41;
	[tilespmem:v50+s14+$0x0] =	vst.idx.msk $0xffff, v56  }
0x104: {  	v28 =	vmul.f32 v20, v17;
	[tilespmem:v52+s13+$0x0] =	vst.idx.msk $0xffff, v62  }
0x105: {  	[tilespmem:v52+s14+$0x0] =	vst.idx.msk $0xffff, v55  }
0x106: {  	v29 =	vmul.f32 v20, v26;
	[tilespmem:v54+s13+$0x0] =	vst.idx.msk $0xffff, v28  }
0x107: {  	[tilespmem:v54+s14+$0x0] =	vst.idx.msk $0xffff, v25  }
0x108: {  	[tilespmem:v27+s13+$0x0] =	vst.idx.msk $0xffff, v29  }
0x109: {  	[tilespmem:v27+s14+$0x0] =	vst.idx.msk $0xffff, v57  }
0x10a: {  	v0 =	vld.idx.msk [tilespmem:v21+s9+$0x0], $0xffff  }
0x10b: {  	v4 =	vld.idx.msk [tilespmem:v59+s9+$0x0], $0xffff;
	_ =	sdelay $0x1  }
0x10c: {  	v5 =	vld.idx.msk [tilespmem:v16+s9+$0x0], $0xffff;
	_ =	sdelay $0x1  }
0x10d: {  	v15 =	vld.idx.msk [tilespmem:v60+s9+$0x0], $0xffff  }
0x10e: {  	v0 =	vsub.f32 v24, v0;
	v4 =	vsub.f32 v23, v4  }
0x10f: {  	v30 =	vld.idx.msk [tilespmem:v13+s9+$0x0], $0xffff  }
0x110: {  	v5 =	vsub.f32 v22, v5;
	v31 =	vadd.f32 v4, v0  }
0x111: {  	v32 =	vld.idx.msk [tilespmem:v12+s9+$0x0], $0xffff  }
0x112: {  	v15 =	vsub.f32 v58, v15;
	v20 =	vadd.f32 v5, v31;
	_ =	sdelay $0x1  }
0x113: {  	v17 =	vsub.f32 v18, v30;
	v33 =	vadd.f32 v15, v20;
	_ =	sdelay $0x1  }
0x114: {  	v19 =	vsub.f32 v19, v32;
	v18 =	vadd.f32 v17, v33;
	_ =	sdelay $0x1  }
0x115: {  	v18 =	vadd.f32 v19, v18;
	_ =	sdelay $0x1  }
0x116: {  	(erf) = vrcp.f32 v18;
	_ =	sdelay $0x8  }
0x117: {  	v34 =	vor.u32 s17, v36;
	v18 =	vpop (erf)  }
0x118: {  	v18 =	vmul.f32 $1.500000000e+00, v18  }
0x119: {  	v35 =	vor.u32 s17, v42  }
0x11a: {  	v0 =	vmul.f32 v18, v0  }
0x11b: {  	v37 =	vor.u32 s17, v43  }
0x11c: {  	v38 =	vmul.f32 v18, v4;
	[tilespmem:v34+s13+$0x0] =	vst.idx.msk $0xffff, v0  }
0x11d: {  	v39 =	vor.u32 s17, v44;
	[tilespmem:v34+s14+$0x0] =	vst.idx.msk $0xffff, v21  }
0x11e: {  	v40 =	vmul.f32 v18, v5;
	[tilespmem:v35+s13+$0x0] =	vst.idx.msk $0xffff, v38  }
0x11f: {  	v46 =	vor.u32 s17, v45;
	[tilespmem:v35+s14+$0x0] =	vst.idx.msk $0xffff, v59  }
0x120: {  	v47 =	vmul.f32 v18, v15;
	[tilespmem:v37+s13+$0x0] =	vst.idx.msk $0xffff, v40  }
0x121: {  	v48 =	vor.u32 s17, v41;
	[tilespmem:v37+s14+$0x0] =	vst.idx.msk $0xffff, v16  }
0x122: {  	v49 =	vmul.f32 v18, v17;
	[tilespmem:v39+s13+$0x0] =	vst.idx.msk $0xffff, v47  }
0x123: {  	[tilespmem:v39+s14+$0x0] =	vst.idx.msk $0xffff, v60  }
0x124: {  	v50 =	vmul.f32 v18, v19;
	[tilespmem:v46+s13+$0x0] =	vst.idx.msk $0xffff, v49  }
0x125: {  	[tilespmem:v46+s14+$0x0] =	vst.idx.msk $0xffff, v13  }
0x126: {  	[tilespmem:v48+s13+$0x0] =	vst.idx.msk $0xffff, v50  }
0x127: {  	[tilespmem:v48+s14+$0x0] =	vst.idx.msk $0xffff, v12  }
0x128: {  	v0 =	vld.idx.msk [tilespmem:v7+s9+$0x0], $0xffff  }
0x129: {  	v4 =	vld.idx.msk [tilespmem:v63+s9+$0x0], $0xffff;
	_ =	sdelay $0x1  }
0x12a: {  	v5 =	vld.idx.msk [tilespmem:v61+s9+$0x0], $0xffff;
	_ =	sdelay $0x1  }
0x12b: {  	v12 =	vld.idx.msk [tilespmem:v3+s9+$0x0], $0xffff  }
0x12c: {  	v0 =	vsub.f32 v14, v0;
	v4 =	vsub.f32 v11, v4  }
0x12d: {  	v51 =	vld.idx.msk [tilespmem:v2+s9+$0x0], $0xffff  }
0x12e: {  	v5 =	vsub.f32 v10, v5;
	v52 =	vadd.f32 v4, v0  }
0x12f: {  	v13 =	vld.idx.msk [tilespmem:v1+s9+$0x0], $0xffff  }
0x130: {  	v9 =	vsub.f32 v9, v12;
	v10 =	vadd.f32 v5, v52;
	_ =	sdelay $0x1  }
0x131: {  	v8 =	vsub.f32 v8, v51;
	v10 =	vadd.f32 v9, v10;
	_ =	sdelay $0x1  }
0x132: {  	v6 =	vsub.f32 v6, v13;
	v10 =	vadd.f32 v8, v10;
	_ =	sdelay $0x1  }
0x133: {  	v10 =	vadd.f32 v6, v10;
	_ =	sdelay $0x1  }
0x134: {  	(erf) = vrcp.f32 v10;
	_ =	sdelay $0x8  }
0x135: {  	v53 =	vor.u32 s16, v36;
	v10 =	vpop (erf)  }
0x136: {  	v10 =	vmul.f32 $1.500000000e+00, v10  }
0x137: {  	v54 =	vor.u32 s16, v42  }
0x138: {  	v0 =	vmul.f32 v10, v0  }
0x139: {  	v55 =	vor.u32 s16, v43  }
0x13a: {  	v56 =	vmul.f32 v10, v4;
	[tilespmem:v53+s13+$0x0] =	vst.idx.msk $0xffff, v0  }
0x13b: {  	v57 =	vor.u32 s16, v44;
	[tilespmem:v53+s14+$0x0] =	vst.idx.msk $0xffff, v7  }
0x13c: {  	v58 =	vmul.f32 v10, v5;
	[tilespmem:v54+s13+$0x0] =	vst.idx.msk $0xffff, v56  }
0x13d: {  	v59 =	vor.u32 s16, v45;
	[tilespmem:v54+s14+$0x0] =	vst.idx.msk $0xffff, v63  }
0x13e: {  	v60 =	vmul.f32 v10, v9;
	[tilespmem:v55+s13+$0x0] =	vst.idx.msk $0xffff, v58  }
0x13f: {  	[tilespmem:v55+s14+$0x0] =	vst.idx.msk $0xffff, v61;
	v61 =	vor.u32 s16, v41  }
0x140: {  	v62 =	vmul.f32 v10, v8;
	[tilespmem:v57+s13+$0x0] =	vst.idx.msk $0xffff, v60  }
.Ltmp1:
0x141: {  	[tilespmem:v57+s14+$0x0] =	vst.idx.msk $0xffff, v3;
	(pc) =	sbr.rel @p0 .LBB2_2-.Ltmp1, $4  }
0x142: {  	v63 =	vmul.f32 v10, v6;
	[tilespmem:v59+s13+$0x0] =	vst.idx.msk $0xffff, v62  }
0x143: {  	[tilespmem:v59+s14+$0x0] =	vst.idx.msk $0xffff, v2  }
0x144: {  	[tilespmem:v61+s13+$0x0] =	vst.idx.msk $0xffff, v63  }
0x145: {  	p1 =	por $0x0, $0x0;
	s18 =	simm.s32 $0x40;
	[tilespmem:v61+s14+$0x0] =	vst.idx.msk $0xffff, v1  }
0x146: {  	s16 =	simm.s32 $0x0  }
0x147: {  	[tilespmem:s16], [sflag:$0x1] =	stream.strided.gather [hbm4b:s5+s11], $0x8000, s12, s11, $0x38;
	[tilespmem:$0x9100] =	vst v63  }
0x148: {  	_ =	swait.ge [sflag:s10], $0x8000  }
0x149: {  	[sflag:s10] =	ssyncset.done $0x0  }
0x14a: {  	p1 =	por $0x1, $0x1;
	[sflag:s10] =	ssyncadd.s32 $0xFFFF8000  }
.LBB2_6:
0x14b: {  	v6 =	vimm.f32 $-Inf;
	v1 =	vimm.s32 $0x0;
	v2 =	vimm.s32 $0x0  }
0x14c: {  	v3 =	vimm.s32 $0x0;
	v4 =	vimm.s32 $0x0;
	v60 =	vimm.s32 $0x0  }
0x14d: {  	v7 =	vimm.s32 $0x0;
	v8 =	vimm.f32 $-Inf;
	v9 =	vimm.f32 $-Inf  }
0x14e: {  	v58 =	vimm.f32 $-Inf;
	v11 =	vimm.f32 $-Inf;
	v14 =	vimm.f32 $-Inf  }
0x14f: {  	v12 =	vimm.s32 $0x0;
	v13 =	vimm.s32 $0x0;
	v55 =	vimm.s32 $0x0  }
0x150: {  	v16 =	vimm.s32 $0x0;
	v59 =	vimm.s32 $0x0;
	v21 =	vimm.s32 $0x0  }
0x151: {  	v19 =	vimm.f32 $-Inf;
	v18 =	vimm.f32 $-Inf;
	v57 =	vimm.f32 $-Inf  }
0x152: {  	v22 =	vimm.f32 $-Inf;
	v23 =	vimm.f32 $-Inf;
	v24 =	vimm.f32 $-Inf  }
0x153: {  	v54 =	vimm.s32 $0x0;
	v25 =	vimm.s32 $0x0;
	v53 =	vimm.s32 $0x0  }
0x154: {  	v56 =	vimm.s32 $0x0;
	v5 =	vimm.s32 $0x0;
	v34 =	vimm.s32 $0x0  }
0x155: {  	v30 =	vimm.f32 $-Inf;
	v31 =	vimm.f32 $-Inf;
	v33 =	vimm.f32 $-Inf  }
0x156: {  	v32 =	vimm.f32 $-Inf;
	v35 =	vimm.f32 $-Inf;
	v39 =	vimm.f32 $-Inf  }
0x157: {  	v36 =	vimm.s32 $0x0;
	v37 =	vimm.s32 $0x0;
	v38 =	vimm.s32 $0x0  }
0x158: {  	s17 =	sshll.u32 s16, $0x2;
	v40 =	vimm.s32 $0x0;
	v41 =	vimm.s32 $0x0;
	v47 =	vimm.s32 $0x0  }
0x159: {  	v42 =	vimm.f32 $-Inf;
	v43 =	vimm.f32 $-Inf;
	v44 =	vimm.f32 $-Inf;
	s17 =	sshra.s32 s17, $0x2  }
0x15a: {  	p0 =	por p1, p1;
	v45 =	vimm.f32 $-Inf;
	v46 =	vimm.f32 $-Inf;
	v48 =	vimm.f32 $-Inf;
	s18 =	simm.s32 $0x0;
	s17 =	sadd.s32 $0x100, s17  }
.LBB2_7:
0x15b: {  	v0 =	vld [tilespmem:s17+$0xFFFFFF00]  }
0x15c: {  	v51 =	vld [tilespmem:s17+$0xFFFFFF10];
	_ =	sdelay $0x3  }
0x15d: {  	vm0 =	vgt.f32 v0, v48  }
0x15e: {  	vm9 =	vgt.f32 v51, v39;
	v49 =	vsel vm0, v48, v0  }
0x15f: {  	v0 =	vsel vm0, v0, v48;
	v48 =	vsel vm0, s18, v47;
	vm1 =	vgt.f32 v49, v46  }
0x160: {  	v63 =	vnsel vm0, s18, v47;
	v50 =	vsel vm1, v46, v49;
	v46 =	vsel vm1, v49, v46  }
0x161: {  	v52 =	vsel vm1, v63, v41;
	v61 =	vsel vm1, v41, v63;
	vm2 =	vgt.f32 v50, v45  }
0x162: {  	v49 =	vsel vm2, v45, v50;
	v45 =	vsel vm2, v50, v45;
	v47 =	vsel vm2, v61, v40  }
0x163: {  	v63 =	vsel vm2, v40, v61;
	v50 =	vsel vm9, v39, v51;
	vm7 =	vgt.f32 v49, v44  }
0x164: {  	vm11 =	vgt.f32 v50, v35;
	v62 =	vsel vm7, v44, v49;
	v41 =	vsel vm7, v49, v44  }
0x165: {  	v44 =	vsel vm7, v63, v38;
	v61 =	vsel vm7, v38, v63;
	vm8 =	vgt.f32 v62, v43  }
0x166: {  	v40 =	vsel vm8, v62, v43;
	v49 =	vsel vm8, v61, v37;
	v62 =	vsel vm8, v43, v62  }
0x167: {  	v63 =	vsel vm8, v37, v61;
	v37 =	vsel vm9, v51, v39;
	v39 =	vsel vm9, s18, v34  }
0x168: {  	v43 =	vsel vm11, v35, v50;
	v61 =	vnsel vm9, s18, v34;
	v35 =	vsel vm11, v50, v35  }
0x169: {  	vm10 =	vgt.f32 v62, v42;
	vm12 =	vgt.f32 v43, v32;
	v50 =	vsel vm11, v61, v5  }
0x16a: {  	v42 =	vsel vm10, v62, v42;
	v36 =	vsel vm10, v63, v36;
	v62 =	vld [tilespmem:s17+$0xFFFFFF20];
	v63 =	vsel vm12, v32, v43  }
0x16b: {  	v29 =	vsel vm11, v5, v61;
	v32 =	vsel vm12, v43, v32;
	vm13 =	vgt.f32 v63, v33  }
0x16c: {  	v43 =	vsel vm12, v29, v56;
	v28 =	vsel vm12, v56, v29;
	v51 =	vsel vm13, v33, v63  }
0x16d: {  	v29 =	vsel vm13, v63, v33;
	v34 =	vsel vm13, v28, v53;
	vm14 =	vgt.f32 v51, v31  }
0x16e: {  	v27 =	vsel vm13, v53, v28;
	v28 =	vsel vm14, v51, v31;
	v31 =	vsel vm14, v31, v51  }
0x16f: {  	v33 =	vsel vm14, v27, v25;
	vm15 =	vgt.f32 v62, v24;
	vm4 =	vgt.f32 v31, v30  }
0x170: {  	v25 =	vsel vm14, v25, v27;
	v56 =	vsel vm15, v24, v62;
	v27 =	vsel vm4, v31, v30  }
0x171: {  	v25 =	vsel vm4, v25, v54;
	v24 =	vsel vm15, v62, v24;
	v31 =	vld [tilespmem:s17+$0xFFFFFF30];
	vm5 =	vgt.f32 v56, v23  }
0x172: {  	v30 =	vsel vm15, s18, v21;
	v21 =	vnsel vm15, s18, v21;
	v26 =	vsel vm5, v23, v56  }
0x173: {  	v23 =	vsel vm5, v56, v23;
	v38 =	vsel vm5, v21, v59;
	vm6 =	vgt.f32 v26, v22  }
0x174: {  	v17 =	vsel vm5, v59, v21;
	v61 =	vsel vm6, v22, v26;
	v21 =	vsel vm6, v26, v22  }
0x175: {  	v22 =	vsel vm6, v17, v16;
	v16 =	vsel vm6, v16, v17;
	vm7 =	vgt.f32 v61, v57  }
0x176: {  	vm9 =	vgt.f32 v31, v14;
	v17 =	vsel vm7, v57, v61;
	v20 =	vsel vm7, v61, v57  }
0x177: {  	v26 =	vsel vm7, v16, v55;
	v15 =	vsel vm7, v55, v16;
	vm8 =	vgt.f32 v17, v18  }
0x178: {  	v16 =	vsel vm8, v17, v18;
	v51 =	vsel vm8, v15, v13;
	v17 =	vsel vm8, v18, v17  }
0x179: {  	v18 =	vsel vm9, v14, v31;
	v13 =	vsel vm8, v13, v15;
	vm10 =	vgt.f32 v17, v19  }
0x17a: {  	v14 =	vsel vm9, v31, v14;
	vm11 =	vgt.f32 v18, v11;
	v15 =	vsel vm10, v17, v19  }
0x17b: {  	v12 =	vsel vm10, v13, v12;
	v13 =	vsel vm11, v11, v18;
	v17 =	vsel vm9, s18, v7  }
0x17c: {  	v7 =	vnsel vm9, s18, v7;
	v11 =	vsel vm11, v18, v11;
	v19 =	vld [tilespmem:s17+$0xFFFFFF80];
	vm12 =	vgt.f32 v13, v58  }
0x17d: {  	v31 =	vsel vm11, v7, v60;
	v5 =	vsel vm11, v60, v7;
	v18 =	vsel vm12, v58, v13  }
0x17e: {  	v7 =	vsel vm12, v13, v58;
	v10 =	vsel vm12, v5, v4;
	vm13 =	vgt.f32 v18, v9  }
0x17f: {  	v4 =	vsel vm12, v4, v5;
	v13 =	vsel vm13, v9, v18;
	v5 =	vsel vm13, v18, v9  }
0x180: {  	v9 =	vsel vm13, v4, v3;
	v3 =	vsel vm13, v3, v4;
	vm14 =	vgt.f32 v13, v8  }
0x181: {  	v56 =	vld [tilespmem:s17+$0xFFFFFFA0];
	vm15 =	vgt.f32 v19, v0;
	v4 =	vsel vm14, v13, v8;
	v18 =	vsel vm14, v3, v2  }
0x182: {  	s19 =	sadd.s32 $0x1, s18;
	v8 =	vsel vm14, v8, v13;
	v2 =	vsel vm14, v2, v3;
	v3 =	vsel vm15, v0, v19  }
0x183: {  	v0 =	vsel vm15, v19, v0;
	v13 =	vnsel vm15, s19, v48;
	vm4 =	vgt.f32 v8, v6  }
0x184: {  	vm5 =	vgt.f32 v3, v46;
	v6 =	vsel vm4, v8, v6;
	v1 =	vsel vm4, v2, v1  }
0x185: {  	v19 =	vld [tilespmem:s17+$0xFFFFFF90];
	v8 =	vsel vm15, s19, v48;
	v2 =	vsel vm5, v46, v3;
	v3 =	vsel vm5, v3, v46  }
0x186: {  	v46 =	vsel vm5, v13, v52;
	v13 =	vsel vm5, v52, v13;
	vm15 =	vgt.f32 v56, v24  }
0x187: {  	vm6 =	vgt.f32 v2, v45;
	v59 =	vsel vm15, v24, v56;
	v24 =	vsel vm15, v56, v24  }
0x188: {  	v62 =	vsel vm6, v45, v2;
	v45 =	vsel vm6, v2, v45;
	v52 =	vsel vm6, v13, v47  }
0x189: {  	v2 =	vsel vm6, v47, v13;
	vm5 =	vgt.f32 v59, v23;
	vm7 =	vgt.f32 v62, v41  }
0x18a: {  	vm9 =	vgt.f32 v19, v37;
	v13 =	vsel vm7, v62, v41;
	v41 =	vsel vm7, v41, v62  }
0x18b: {  	v61 =	vld [tilespmem:s17+$0xFFFFFFB0];
	v47 =	vsel vm7, v2, v44;
	v2 =	vsel vm7, v44, v2;
	v55 =	vsel vm9, v37, v19  }
0x18c: {  	v19 =	vsel vm9, v19, v37;
	v37 =	vsel vm9, s19, v39;
	vm8 =	vgt.f32 v41, v40  }
0x18d: {  	vm11 =	vgt.f32 v55, v35;
	v63 =	vsel vm8, v41, v40;
	v40 =	vsel vm8, v40, v41  }
0x18e: {  	v41 =	vsel vm8, v2, v49;
	v2 =	vsel vm8, v49, v2;
	vm10 =	vgt.f32 v40, v42  }
0x18f: {  	v39 =	vnsel vm9, s19, v39;
	v36 =	vsel vm10, v2, v36;
	v2 =	vsel vm11, v35, v55  }
0x190: {  	vm9 =	vgt.f32 v61, v14;
	v48 =	vsel vm11, v39, v50;
	vm12 =	vgt.f32 v2, v32  }
0x191: {  	v39 =	vsel vm11, v50, v39;
	v40 =	vsel vm10, v40, v42;
	v57 =	vsel vm12, v32, v2  }
0x192: {  	v35 =	vsel vm11, v55, v35;
	v32 =	vsel vm12, v2, v32;
	vm13 =	vgt.f32 v57, v29  }
0x193: {  	v50 =	vsel vm12, v39, v43;
	v2 =	vsel vm12, v43, v39;
	v58 =	vsel vm13, v29, v57  }
0x194: {  	v29 =	vsel vm13, v57, v29;
	v43 =	vsel vm13, v2, v34;
	vm14 =	vgt.f32 v58, v28  }
0x195: {  	v2 =	vsel vm13, v34, v2;
	v34 =	vsel vm14, v58, v28;
	v28 =	vsel vm14, v28, v58  }
0x196: {  	v49 =	vsel vm14, v2, v33;
	v2 =	vsel vm14, v33, v2;
	vm4 =	vgt.f32 v28, v27  }
0x197: {  	v27 =	vsel vm4, v28, v27;
	v25 =	vsel vm4, v2, v25;
	v2 =	vsel vm5, v23, v59  }
0x198: {  	v28 =	vsel vm15, s19, v30;
	v30 =	vnsel vm15, s19, v30;
	vm6 =	vgt.f32 v2, v21  }
0x199: {  	v23 =	vsel vm5, v59, v23;
	v42 =	vsel vm5, v30, v38;
	v60 =	vsel vm6, v21, v2  }
0x19a: {  	v30 =	vsel vm5, v38, v30;
	v21 =	vsel vm6, v2, v21;
	vm7 =	vgt.f32 v60, v20  }
0x19b: {  	v38 =	vsel vm6, v30, v22;
	v22 =	vsel vm6, v22, v30;
	v2 =	vsel vm7, v20, v60  }
0x19c: {  	v30 =	vsel vm7, v22, v26;
	v22 =	vsel vm7, v26, v22;
	vm8 =	vgt.f32 v2, v16  }
0x19d: {  	v26 =	vsel vm8, v2, v16;
	v33 =	vsel vm8, v22, v51;
	v2 =	vsel vm8, v16, v2  }
0x19e: {  	v16 =	vsel vm8, v51, v22;
	v22 =	vsel vm9, v14, v61;
	vm10 =	vgt.f32 v2, v15  }
0x19f: {  	vm11 =	vgt.f32 v22, v11;
	v15 =	vsel vm10, v2, v15;
	v2 =	vsel vm10, v16, v12  }
0x1a0: {  	v20 =	vsel vm7, v60, v20;
	v16 =	vsel vm9, s19, v17;
	[tilespmem:$0x1FF70] =	vst v2;
	v2 =	vsel vm11, v11, v22  }
0x1a1: {  	v17 =	vnsel vm9, s19, v17;
	v11 =	vsel vm11, v22, v11;
	v22 =	vld [tilespmem:s17+$0x0];
	vm12 =	vgt.f32 v2, v7  }
0x1a2: {  	v39 =	vsel vm11, v17, v31;
	v17 =	vsel vm11, v31, v17;
	v31 =	vsel vm12, v7, v2  }
0x1a3: {  	v7 =	vsel vm12, v2, v7;
	v51 =	vsel vm12, v17, v10;
	vm13 =	vgt.f32 v31, v5  }
0x1a4: {  	v2 =	vsel vm12, v10, v17;
	v10 =	vsel vm13, v31, v5;
	v5 =	vsel vm13, v5, v31  }
0x1a5: {  	v14 =	vsel vm9, v61, v14;
	v17 =	vsel vm13, v2, v9;
	vm14 =	vgt.f32 v5, v4  }
0x1a6: {  	v2 =	vsel vm13, v9, v2;
	vm15 =	vgt.f32 v22, v0;
	v9 =	vsel vm14, v5, v4  }
0x1a7: {  	s30 =	sadd.s32 $0x2, s18;
	v4 =	vsel vm14, v4, v5;
	v5 =	vsel vm14, v2, v18;
	v31 =	vsel vm15, v0, v22  }
0x1a8: {  	v2 =	vsel vm14, v18, v2;
	v18 =	vsel vm15, s30, v8;
	vm4 =	vgt.f32 v4, v6  }
0x1a9: {  	vm5 =	vgt.f32 v31, v3;
	v6 =	vsel vm4, v4, v6;
	v1 =	vsel vm4, v2, v1  }
0x1aa: {  	v2 =	vsel vm15, v22, v0;
	v0 =	vsel vm5, v3, v31;
	v4 =	vnsel vm15, s30, v8;
	v8 =	vld [tilespmem:s17+$0x10]  }
0x1ab: {  	v22 =	vsel vm5, v31, v3;
	vm6 =	vgt.f32 v0, v45;
	v31 =	vsel vm5, v4, v46  }
0x1ac: {  	v4 =	vsel vm5, v46, v4;
	v3 =	vsel vm6, v45, v0;
	v0 =	vsel vm6, v0, v45  }
0x1ad: {  	v53 =	vsel vm6, v4, v52;
	v4 =	vsel vm6, v52, v4;
	vm7 =	vgt.f32 v3, v13  }
0x1ae: {  	v62 =	vsel vm7, v13, v3;
	v13 =	vsel vm7, v3, v13;
	v52 =	vsel vm7, v4, v47  }
0x1af: {  	v46 =	vld [tilespmem:s17+$0x20];
	v3 =	vsel vm7, v47, v4;
	vm8 =	vgt.f32 v62, v63;
	vm9 =	vgt.f32 v8, v19  }
0x1b0: {  	v47 =	vsel vm8, v62, v63;
	v54 =	vsel vm8, v3, v41;
	v4 =	vsel vm8, v63, v62  }
0x1b1: {  	v63 =	vsel vm9, v19, v8;
	v3 =	vsel vm8, v41, v3;
	v8 =	vsel vm9, v8, v19  }
0x1b2: {  	v12 =	vsel vm9, s30, v37;
	vm10 =	vgt.f32 v4, v40;
	vm11 =	vgt.f32 v63, v35  }
0x1b3: {  	v19 =	vnsel vm9, s30, v37;
	v55 =	vsel vm10, v4, v40;
	v4 =	vsel vm11, v35, v63  }
0x1b4: {  	vm15 =	vgt.f32 v46, v24;
	v36 =	vsel vm10, v3, v36;
	vm12 =	vgt.f32 v4, v32  }
0x1b5: {  	v35 =	vsel vm11, v63, v35;
	v56 =	vsel vm11, v19, v48;
	v45 =	vsel vm12, v32, v4  }
0x1b6: {  	v19 =	vsel vm11, v48, v19;
	v48 =	vsel vm12, v4, v32;
	vm13 =	vgt.f32 v45, v29  }
0x1b7: {  	v57 =	vsel vm12, v19, v50;
	v19 =	vsel vm12, v50, v19;
	v4 =	vsel vm13, v29, v45  }
0x1b8: {  	v50 =	vsel vm13, v45, v29;
	v58 =	vsel vm13, v19, v43;
	vm14 =	vgt.f32 v4, v34  }
0x1b9: {  	v29 =	vsel vm15, v24, v46;
	v59 =	vsel vm14, v4, v34;
	v4 =	vsel vm14, v34, v4  }
0x1ba: {  	v19 =	vsel vm13, v43, v19;
	vm5 =	vgt.f32 v29, v23;
	vm4 =	vgt.f32 v4, v27  }
0x1bb: {  	v60 =	vsel vm14, v19, v49;
	v19 =	vsel vm14, v49, v19;
	v49 =	vsel vm4, v4, v27  }
0x1bc: {  	v19 =	vsel vm4, v19, v25;
	v4 =	vsel vm15, s30, v28;
	v25 =	vsel vm5, v23, v29  }
0x1bd: {  	v27 =	vnsel vm15, s30, v28;
	v23 =	vsel vm5, v29, v23;
	v28 =	vld [tilespmem:s17+$0x30];
	vm6 =	vgt.f32 v25, v21  }
0x1be: {  	v61 =	vsel vm5, v27, v42;
	v27 =	vsel vm5, v42, v27;
	v29 =	vsel vm6, v21, v25  }
0x1bf: {  	v21 =	vsel vm6, v25, v21;
	v62 =	vsel vm6, v27, v38;
	vm7 =	vgt.f32 v29, v20  }
0x1c0: {  	v3 =	vld [tilespmem:$0x1FF70];
	v25 =	vsel vm6, v38, v27;
	v63 =	vsel vm7, v29, v20;
	v20 =	vsel vm7, v20, v29  }
0x1c1: {  	[tilespmem:$0x1FF80] =	vst v1;
	v1 =	vsel vm7, v25, v30;
	v25 =	vsel vm7, v30, v25;
	vm8 =	vgt.f32 v20, v26  }
0x1c2: {  	vm9 =	vgt.f32 v28, v14;
	v27 =	vsel vm8, v20, v26;
	v20 =	vsel vm8, v26, v20  }
0x1c3: {  	v26 =	vsel vm8, v25, v33;
	v29 =	vsel vm9, v14, v28;
	v25 =	vsel vm8, v33, v25  }
0x1c4: {  	v14 =	vsel vm9, v28, v14;
	vm10 =	vgt.f32 v20, v15;
	vm11 =	vgt.f32 v29, v11  }
0x1c5: {  	v15 =	vsel vm10, v20, v15;
	v3 =	vsel vm10, v25, v3;
	v20 =	vsel vm11, v11, v29  }
0x1c6: {  	[tilespmem:$0x1FF90] =	vst v3;
	v3 =	vsel vm9, s30, v16;
	v16 =	vnsel vm9, s30, v16;
	vm12 =	vgt.f32 v20, v7  }
0x1c7: {  	v11 =	vsel vm11, v29, v11;
	v28 =	vsel vm11, v16, v39;
	v29 =	vsel vm12, v7, v20  }
0x1c8: {  	v16 =	vsel vm11, v39, v16;
	v7 =	vsel vm12, v20, v7;
	vm13 =	vgt.f32 v29, v10  }
0x1c9: {  	v20 =	vsel vm12, v16, v51;
	v16 =	vsel vm12, v51, v16;
	v30 =	vsel vm13, v10, v29  }
0x1ca: {  	v25 =	vld [tilespmem:s17+$0x80];
	v51 =	vsel vm13, v29, v10;
	v10 =	vsel vm13, v16, v17;
	vm14 =	vgt.f32 v30, v9  }
0x1cb: {  	v16 =	vsel vm13, v17, v16;
	v17 =	vsel vm14, v30, v9;
	v9 =	vsel vm14, v9, v30  }
0x1cc: {  	vm5 =	vgt.f32 v9, v6  }
0x1cd: {  	v6 =	vsel vm5, v9, v6;
	v9 =	vld [tilespmem:$0x1FF80]  }
0x1ce: {  	v29 =	vsel vm14, v16, v5;
	v5 =	vsel vm14, v5, v16;
	v16 =	vld [tilespmem:s17+$0x90]  }
0x1cf: {  	v24 =	vsel vm15, v46, v24;
	vm15 =	vgt.f32 v25, v2  }
0x1d0: {  	v30 =	vsel vm15, v2, v25  }
0x1d1: {  	vm6 =	vgt.f32 v30, v22  }
0x1d2: {  	s31 =	sadd.s32 $0x3, s18;
	v46 =	vsel vm6, v30, v22;
	v5 =	vsel vm5, v5, v9  }
0x1d3: {  	vm10 =	vgt.f32 v16, v8;
	v9 =	vnsel vm15, s31, v18;
	[tilespmem:$0x1FFA0] =	vst v5;
	v5 =	vsel vm6, v22, v30  }
0x1d4: {  	v41 =	vsel vm6, v9, v31;
	v9 =	vsel vm6, v31, v9;
	vm7 =	vgt.f32 v5, v0  }
0x1d5: {  	v22 =	vsel vm7, v0, v5;
	v45 =	vsel vm7, v5, v0;
	v40 =	vsel vm7, v9, v53  }
0x1d6: {  	v0 =	vsel vm7, v53, v9;
	v9 =	vsel vm10, v8, v16;
	vm8 =	vgt.f32 v22, v13  }
0x1d7: {  	v39 =	vsel vm10, v16, v8;
	vm11 =	vgt.f32 v9, v35;
	v44 =	vsel vm8, v22, v13  }
0x1d8: {  	v5 =	vsel vm8, v13, v22;
	v38 =	vsel vm8, v0, v52;
	v0 =	vsel vm8, v52, v0  }
0x1d9: {  	v13 =	vsel vm11, v35, v9;
	v35 =	vsel vm11, v9, v35;
	vm9 =	vgt.f32 v5, v47  }
0x1da: {  	vm12 =	vgt.f32 v13, v48;
	v43 =	vsel vm9, v5, v47;
	v5 =	vsel vm9, v47, v5  }
0x1db: {  	v37 =	vsel vm9, v0, v54;
	v0 =	vsel vm9, v54, v0;
	v32 =	vsel vm12, v13, v48  }
0x1dc: {  	v9 =	vsel vm12, v48, v13;
	v13 =	vld [tilespmem:s17+$0xA0];
	v48 =	vsel vm15, v25, v2;
	vm3 =	vgt.f32 v5, v55  }
0x1dd: {  	v47 =	vsel vm15, s31, v18;
	vm13 =	vgt.f32 v9, v50;
	v42 =	vsel vm3, v5, v55  }
0x1de: {  	v36 =	vsel vm3, v0, v36;
	v0 =	vnsel vm10, s31, v12;
	v2 =	vsel vm13, v50, v9  }
0x1df: {  	v5 =	vsel vm11, v0, v56;
	v0 =	vsel vm11, v56, v0;
	vm14 =	vgt.f32 v2, v59  }
0x1e0: {  	v56 =	vsel vm12, v0, v57;
	v0 =	vsel vm12, v57, v0;
	v31 =	vsel vm14, v2, v59  }
0x1e1: {  	v2 =	vsel vm14, v59, v2;
	v53 =	vsel vm13, v0, v58;
	vm15 =	vgt.f32 v13, v24  }
0x1e2: {  	v0 =	vsel vm13, v58, v0;
	vm4 =	vgt.f32 v2, v49;
	v8 =	vsel vm15, v24, v13  }
0x1e3: {  	v25 =	vsel vm14, v0, v60;
	v0 =	vsel vm14, v60, v0;
	vm5 =	vgt.f32 v8, v23  }
0x1e4: {  	v54 =	vsel vm4, v0, v19;
	v0 =	vsel vm5, v23, v8  }
0x1e5: {  	v30 =	vsel vm4, v2, v49;
	v2 =	vnsel vm15, s31, v4;
	vm6 =	vgt.f32 v0, v21  }
0x1e6: {  	v33 =	vsel vm13, v9, v50;
	v59 =	vsel vm5, v2, v61;
	v9 =	vsel vm6, v21, v0  }
0x1e7: {  	v2 =	vsel vm5, v61, v2;
	v22 =	vsel vm6, v0, v21;
	vm7 =	vgt.f32 v9, v63  }
0x1e8: {  	v16 =	vsel vm6, v2, v62;
	v0 =	vsel vm6, v62, v2;
	v2 =	vsel vm7, v63, v9  }
0x1e9: {  	v23 =	vsel vm5, v8, v23;
	v8 =	vld [tilespmem:s17+$0xB0];
	vm8 =	vgt.f32 v2, v27  }
0x1ea: {  	v55 =	vsel vm7, v0, v1;
	v0 =	vsel vm7, v1, v0;
	v1 =	vsel vm8, v27, v2  }
0x1eb: {  	v34 =	vsel vm10, s31, v12;
	vm10 =	vgt.f32 v1, v15  }
0x1ec: {  	v19 =	vsel vm10, v1, v15;
	v1 =	vld [tilespmem:$0x1FF90];
	_ =	sdelay $0x1  }
0x1ed: {  	v24 =	vsel vm15, v13, v24;
	vm9 =	vgt.f32 v8, v14  }
0x1ee: {  	v21 =	vsel vm15, s31, v4;
	v18 =	vsel vm8, v2, v27;
	v2 =	vsel vm9, v14, v8  }
0x1ef: {  	v13 =	vsel vm8, v0, v26;
	v0 =	vsel vm8, v26, v0;
	vm11 =	vgt.f32 v2, v11  }
0x1f0: {  	v57 =	vsel vm7, v9, v63;
	v12 =	vsel vm10, v0, v1;
	v0 =	vsel vm11, v11, v2  }
0x1f1: {  	v14 =	vsel vm9, v8, v14;
	v1 =	vnsel vm9, s31, v3;
	vm12 =	vgt.f32 v0, v7  }
0x1f2: {  	v11 =	vsel vm11, v2, v11;
	v60 =	vsel vm11, v1, v28;
	v2 =	vsel vm12, v7, v0  }
0x1f3: {  	v1 =	vsel vm11, v28, v1;
	v58 =	vsel vm12, v0, v7;
	vm13 =	vgt.f32 v2, v51  }
0x1f4: {  	v4 =	vsel vm12, v1, v20;
	v0 =	vsel vm12, v20, v1;
	v1 =	vsel vm13, v51, v2  }
0x1f5: {  	v7 =	vsel vm9, s31, v3;
	v9 =	vsel vm13, v2, v51;
	vm14 =	vgt.f32 v1, v17  }
0x1f6: {  	v3 =	vsel vm13, v0, v10;
	v0 =	vsel vm13, v10, v0;
	v10 =	vsel vm14, v17, v1  }
0x1f7: {  	p1 =	slt.u32 s18, $0xFC;
	v8 =	vsel vm14, v1, v17;
	v1 =	vsel vm14, v29, v0;
	v2 =	vsel vm14, v0, v29;
	v0 =	vld [tilespmem:$0x1FFA0]  }
.Ltmp2:
0x1f8: {  	_ = 	snop;
	(pc) =	sbr.rel @p1 .LBB2_7-.Ltmp2, $3  }
0x1f9: {  	_ =	sdelay $0x1  }
0x1fa: {  	vm15 =	vgt.f32 v10, v6  }
0x1fb: {  	s18 =	sadd.s32 $0x4, s18;
	s17 =	sadd.s32 $0x200, s17;
	v6 =	vsel vm15, v10, v6;
	v1 =	vsel vm15, v1, v0  }
0x1fc: {  	_ =	sdelay $0x3  }
0x1fd: {  	v0 =	vld.idx.msk [tilespmem:v47+s9+$0x0], $0xffff  }
0x1fe: {  	v10 =	vld.idx.msk [tilespmem:v41+s9+$0x0], $0xffff;
	_ =	sdelay $0x1  }
0x1ff: {  	v15 =	vld.idx.msk [tilespmem:v40+s9+$0x0], $0xffff;
	_ =	sdelay $0x1  }
0x200: {  	v17 =	vld.idx.msk [tilespmem:v38+s9+$0x0], $0xffff  }
0x201: {  	v0 =	vsub.f32 v48, v0;
	v10 =	vsub.f32 v46, v10  }
0x202: {  	v20 =	vld.idx.msk [tilespmem:v37+s9+$0x0], $0xffff  }
0x203: {  	v15 =	vsub.f32 v45, v15;
	v26 =	vadd.f32 v10, v0  }
0x204: {  	v27 =	vld.idx.msk [tilespmem:v36+s9+$0x0], $0xffff  }
0x205: {  	v17 =	vsub.f32 v44, v17;
	v26 =	vadd.f32 v15, v26;
	_ =	sdelay $0x1  }
0x206: {  	v20 =	vsub.f32 v43, v20;
	v26 =	vadd.f32 v17, v26;
	_ =	sdelay $0x1  }
0x207: {  	v27 =	vsub.f32 v42, v27;
	v26 =	vadd.f32 v20, v26;
	_ =	sdelay $0x1  }
0x208: {  	v26 =	vadd.f32 v27, v26;
	_ =	sdelay $0x1  }
0x209: {  	(erf) = vrcp.f32 v26;
	_ =	sdelay $0x6  }
0x20a: {  	v43 =	vlaneseq.u32  }
0x20b: {  	v49 =	vor.u32 $0x400, v43  }
0x20c: {  	v26 =	vor.u32 s16, v49;
	v28 =	vpop (erf)  }
0x20d: {  	v29 =	vor.u32 $0x480, v43;
	v28 =	vmul.f32 $1.500000000e+00, v28  }
0x20e: {  	v29 =	vor.u32 s16, v29  }
0x20f: {  	v50 =	vor.u32 $0x500, v43;
	v0 =	vmul.f32 v28, v0  }
0x210: {  	v42 =	vor.u32 s16, v50  }
0x211: {  	v52 =	vor.u32 $0x580, v43;
	v51 =	vmul.f32 v28, v10;
	[tilespmem:v26+s13+$0x0] =	vst.idx.msk $0xffff, v0  }
0x212: {  	v10 =	vor.u32 s16, v52;
	[tilespmem:v26+s14+$0x0] =	vst.idx.msk $0xffff, v47  }
0x213: {  	v62 =	vor.u32 $0x600, v43;
	v61 =	vmul.f32 v28, v15;
	[tilespmem:v29+s13+$0x0] =	vst.idx.msk $0xffff, v51  }
0x214: {  	v15 =	vor.u32 s16, v62;
	[tilespmem:v29+s14+$0x0] =	vst.idx.msk $0xffff, v41  }
0x215: {  	v63 =	vmul.f32 v28, v17;
	v26 =	vor.u32 $0x680, v43;
	[tilespmem:v42+s13+$0x0] =	vst.idx.msk $0xffff, v61  }
0x216: {  	v17 =	vor.u32 s16, v26;
	[tilespmem:v42+s14+$0x0] =	vst.idx.msk $0xffff, v40  }
0x217: {  	v29 =	vmul.f32 v28, v20;
	[tilespmem:v10+s13+$0x0] =	vst.idx.msk $0xffff, v63  }
0x218: {  	[tilespmem:v10+s14+$0x0] =	vst.idx.msk $0xffff, v38  }
0x219: {  	v40 =	vmul.f32 v28, v27;
	[tilespmem:v15+s13+$0x0] =	vst.idx.msk $0xffff, v29  }
0x21a: {  	[tilespmem:v15+s14+$0x0] =	vst.idx.msk $0xffff, v37  }
0x21b: {  	[tilespmem:v17+s13+$0x0] =	vst.idx.msk $0xffff, v40  }
0x21c: {  	[tilespmem:v17+s14+$0x0] =	vst.idx.msk $0xffff, v36  }
0x21d: {  	v0 =	vld.idx.msk [tilespmem:v34+s9+$0x0], $0xffff  }
0x21e: {  	v10 =	vld.idx.msk [tilespmem:v5+s9+$0x0], $0xffff;
	_ =	sdelay $0x1  }
0x21f: {  	v15 =	vld.idx.msk [tilespmem:v56+s9+$0x0], $0xffff;
	_ =	sdelay $0x1  }
0x220: {  	v17 =	vld.idx.msk [tilespmem:v53+s9+$0x0], $0xffff  }
0x221: {  	v0 =	vsub.f32 v39, v0;
	v10 =	vsub.f32 v35, v10  }
0x222: {  	v41 =	vld.idx.msk [tilespmem:v25+s9+$0x0], $0xffff  }
0x223: {  	v15 =	vsub.f32 v32, v15;
	v42 =	vadd.f32 v10, v0  }
0x224: {  	v44 =	vld.idx.msk [tilespmem:v54+s9+$0x0], $0xffff  }
0x225: {  	v17 =	vsub.f32 v33, v17;
	v26 =	vadd.f32 v15, v42;
	_ =	sdelay $0x1  }
0x226: {  	v20 =	vsub.f32 v31, v41;
	v26 =	vadd.f32 v17, v26;
	_ =	sdelay $0x1  }
0x227: {  	v27 =	vsub.f32 v30, v44;
	v26 =	vadd.f32 v20, v26;
	_ =	sdelay $0x1  }
0x228: {  	v26 =	vadd.f32 v27, v26;
	_ =	sdelay $0x1  }
0x229: {  	(erf) = vrcp.f32 v26;
	_ =	sdelay $0x5  }
0x22a: {  	s17 =	sor.u32 $0x10, s16  }
0x22b: {  	v45 =	vor.u32 s17, v43  }
0x22c: {  	v26 =	vand.u32 $0x5F, v45  }
0x22d: {  	v47 =	vor.u32 $0x400, v26;
	v46 =	vpop (erf)  }
0x22e: {  	v28 =	vmul.f32 $1.500000000e+00, v46  }
0x22f: {  	v48 =	vor.u32 $0x480, v26  }
0x230: {  	v0 =	vmul.f32 v28, v0  }
0x231: {  	v49 =	vor.u32 $0x500, v26  }
0x232: {  	v50 =	vmul.f32 v28, v10;
	[tilespmem:v47+s13+$0x0] =	vst.idx.msk $0xffff, v0  }
0x233: {  	v51 =	vor.u32 $0x580, v26;
	[tilespmem:v47+s14+$0x0] =	vst.idx.msk $0xffff, v34  }
0x234: {  	v52 =	vmul.f32 v28, v15;
	[tilespmem:v48+s13+$0x0] =	vst.idx.msk $0xffff, v50  }
0x235: {  	v61 =	vor.u32 $0x600, v26;
	[tilespmem:v48+s14+$0x0] =	vst.idx.msk $0xffff, v5  }
0x236: {  	v62 =	vmul.f32 v28, v17;
	[tilespmem:v49+s13+$0x0] =	vst.idx.msk $0xffff, v52  }
0x237: {  	v63 =	vor.u32 $0x680, v26;
	[tilespmem:v49+s14+$0x0] =	vst.idx.msk $0xffff, v56  }
0x238: {  	v26 =	vmul.f32 v28, v20;
	[tilespmem:v51+s13+$0x0] =	vst.idx.msk $0xffff, v62  }
0x239: {  	[tilespmem:v51+s14+$0x0] =	vst.idx.msk $0xffff, v53  }
0x23a: {  	v27 =	vmul.f32 v28, v27;
	[tilespmem:v61+s13+$0x0] =	vst.idx.msk $0xffff, v26  }
0x23b: {  	[tilespmem:v61+s14+$0x0] =	vst.idx.msk $0xffff, v25  }
0x23c: {  	[tilespmem:v63+s13+$0x0] =	vst.idx.msk $0xffff, v27  }
0x23d: {  	[tilespmem:v63+s14+$0x0] =	vst.idx.msk $0xffff, v54  }
0x23e: {  	v0 =	vld.idx.msk [tilespmem:v21+s9+$0x0], $0xffff  }
0x23f: {  	v5 =	vld.idx.msk [tilespmem:v59+s9+$0x0], $0xffff;
	_ =	sdelay $0x1  }
0x240: {  	v10 =	vld.idx.msk [tilespmem:v16+s9+$0x0], $0xffff;
	_ =	sdelay $0x1  }
0x241: {  	v15 =	vld.idx.msk [tilespmem:v55+s9+$0x0], $0xffff  }
0x242: {  	v0 =	vsub.f32 v24, v0;
	v5 =	vsub.f32 v23, v5  }
0x243: {  	v28 =	vld.idx.msk [tilespmem:v13+s9+$0x0], $0xffff  }
0x244: {  	v10 =	vsub.f32 v22, v10;
	v29 =	vadd.f32 v5, v0  }
0x245: {  	v30 =	vld.idx.msk [tilespmem:v12+s9+$0x0], $0xffff  }
0x246: {  	v15 =	vsub.f32 v57, v15;
	v20 =	vadd.f32 v10, v29;
	_ =	sdelay $0x1  }
0x247: {  	v17 =	vsub.f32 v18, v28;
	v31 =	vadd.f32 v15, v20;
	_ =	sdelay $0x1  }
0x248: {  	v19 =	vsub.f32 v19, v30;
	v18 =	vadd.f32 v17, v31;
	_ =	sdelay $0x1  }
0x249: {  	v18 =	vadd.f32 v19, v18;
	_ =	sdelay $0x1  }
0x24a: {  	(erf) = vrcp.f32 v18;
	_ =	sdelay $0x5  }
0x24b: {  	s30 =	sor.u32 $0x20, s16  }
0x24c: {  	v32 =	vor.u32 s30, v43  }
0x24d: {  	v18 =	vand.u32 $0x6F, v32  }
0x24e: {  	v34 =	vor.u32 $0x400, v18;
	v33 =	vpop (erf)  }
0x24f: {  	v20 =	vmul.f32 $1.500000000e+00, v33  }
0x250: {  	v35 =	vor.u32 $0x480, v18  }
0x251: {  	v0 =	vmul.f32 v20, v0  }
0x252: {  	v36 =	vor.u32 $0x500, v18  }
0x253: {  	v37 =	vmul.f32 v20, v5;
	[tilespmem:v34+s13+$0x0] =	vst.idx.msk $0xffff, v0  }
0x254: {  	v38 =	vor.u32 $0x580, v18;
	[tilespmem:v34+s14+$0x0] =	vst.idx.msk $0xffff, v21  }
0x255: {  	v39 =	vmul.f32 v20, v10;
	[tilespmem:v35+s13+$0x0] =	vst.idx.msk $0xffff, v37  }
0x256: {  	v40 =	vor.u32 $0x600, v18;
	[tilespmem:v35+s14+$0x0] =	vst.idx.msk $0xffff, v59  }
0x257: {  	v41 =	vmul.f32 v20, v15;
	[tilespmem:v36+s13+$0x0] =	vst.idx.msk $0xffff, v39  }
0x258: {  	v42 =	vor.u32 $0x680, v18;
	[tilespmem:v36+s14+$0x0] =	vst.idx.msk $0xffff, v16  }
0x259: {  	v44 =	vmul.f32 v20, v17;
	[tilespmem:v38+s13+$0x0] =	vst.idx.msk $0xffff, v41  }
0x25a: {  	[tilespmem:v38+s14+$0x0] =	vst.idx.msk $0xffff, v55  }
0x25b: {  	v45 =	vmul.f32 v20, v19;
	[tilespmem:v40+s13+$0x0] =	vst.idx.msk $0xffff, v44  }
0x25c: {  	[tilespmem:v40+s14+$0x0] =	vst.idx.msk $0xffff, v13  }
0x25d: {  	[tilespmem:v42+s13+$0x0] =	vst.idx.msk $0xffff, v45  }
0x25e: {  	[tilespmem:v42+s14+$0x0] =	vst.idx.msk $0xffff, v12  }
0x25f: {  	v0 =	vld.idx.msk [tilespmem:v7+s9+$0x0], $0xffff  }
0x260: {  	v5 =	vld.idx.msk [tilespmem:v60+s9+$0x0], $0xffff;
	_ =	sdelay $0x1  }
0x261: {  	v10 =	vld.idx.msk [tilespmem:v4+s9+$0x0], $0xffff;
	_ =	sdelay $0x1  }
0x262: {  	v12 =	vld.idx.msk [tilespmem:v3+s9+$0x0], $0xffff  }
0x263: {  	v0 =	vsub.f32 v14, v0;
	v5 =	vsub.f32 v11, v5  }
0x264: {  	v46 =	vld.idx.msk [tilespmem:v2+s9+$0x0], $0xffff  }
0x265: {  	v10 =	vsub.f32 v58, v10;
	v47 =	vadd.f32 v5, v0  }
0x266: {  	v48 =	vld.idx.msk [tilespmem:v1+s9+$0x0], $0xffff  }
0x267: {  	v9 =	vsub.f32 v9, v12;
	v49 =	vadd.f32 v10, v47;
	_ =	sdelay $0x1  }
0x268: {  	v8 =	vsub.f32 v8, v46;
	v50 =	vadd.f32 v9, v49;
	_ =	sdelay $0x1  }
0x269: {  	v6 =	vsub.f32 v6, v48;
	v11 =	vadd.f32 v8, v50;
	_ =	sdelay $0x1  }
0x26a: {  	v11 =	vadd.f32 v6, v11;
	_ =	sdelay $0x1  }
0x26b: {  	(erf) = vrcp.f32 v11;
	_ =	sdelay $0x5  }
0x26c: {  	s31 =	sor.u32 $0x30, s16  }
0x26d: {  	v51 =	vor.u32 s31, v43  }
0x26e: {  	v11 =	vand.u32 $0x7F, v51  }
0x26f: {  	v53 =	vor.u32 $0x400, v11;
	v52 =	vpop (erf)  }
0x270: {  	v12 =	vmul.f32 $1.500000000e+00, v52  }
0x271: {  	v54 =	vor.u32 $0x480, v11  }
0x272: {  	v0 =	vmul.f32 v12, v0  }
0x273: {  	v55 =	vor.u32 $0x500, v11  }
0x274: {  	v56 =	vmul.f32 v12, v5;
	[tilespmem:v53+s13+$0x0] =	vst.idx.msk $0xffff, v0  }
0x275: {  	v57 =	vor.u32 $0x580, v11;
	[tilespmem:v53+s14+$0x0] =	vst.idx.msk $0xffff, v7  }
0x276: {  	v58 =	vmul.f32 v12, v10;
	[tilespmem:v54+s13+$0x0] =	vst.idx.msk $0xffff, v56  }
0x277: {  	v59 =	vor.u32 $0x600, v11;
	[tilespmem:v54+s14+$0x0] =	vst.idx.msk $0xffff, v60  }
0x278: {  	v60 =	vmul.f32 v12, v9;
	[tilespmem:v55+s13+$0x0] =	vst.idx.msk $0xffff, v58  }
0x279: {  	v61 =	vor.u32 $0x680, v11;
	[tilespmem:v55+s14+$0x0] =	vst.idx.msk $0xffff, v4  }
0x27a: {  	v62 =	vmul.f32 v12, v8;
	[tilespmem:v57+s13+$0x0] =	vst.idx.msk $0xffff, v60  }
.Ltmp3:
0x27b: {  	[tilespmem:v57+s14+$0x0] =	vst.idx.msk $0xffff, v3;
	(pc) =	sbr.rel @p0 .LBB2_6-.Ltmp3, $4  }
0x27c: {  	v63 =	vmul.f32 v12, v6;
	[tilespmem:v59+s13+$0x0] =	vst.idx.msk $0xffff, v62  }
0x27d: {  	[tilespmem:v59+s14+$0x0] =	vst.idx.msk $0xffff, v2  }
0x27e: {  	[tilespmem:v61+s13+$0x0] =	vst.idx.msk $0xffff, v63  }
0x27f: {  	p1 =	por $0x0, $0x0;
	s16 =	simm.s32 $0x40;
	[tilespmem:v61+s14+$0x0] =	vst.idx.msk $0xffff, v1  }
0x280: {  	[hbm4b:s6+s3] =	stream.linear.scatter [tilespmem:s13], [sflag:$0x1], $0x800, $0x38;
	[tilespmem:$0x9100] =	vst v63  }
0x281: {  	s15 =	sadd.s32 $0x1, s15;
	_ =	swait.ge [sflag:s10], $0x800  }
0x282: {  	p0 =	sne.s32 s15, s8;
	[sflag:s10] =	ssyncset.done $0x0  }
.Ltmp4:
0x283: {  	[sflag:s10] =	ssyncadd.s32 $0xFFFFF800;
	(pc) =	sbr.rel @p0 .LBB2_1-.Ltmp4, $4  }
0x284: {  	[hbm4b:s7+s3] =	stream.linear.scatter [tilespmem:s14], [sflag:$0x1], $0x800, $0x38;
	[tilespmem:$0x9100] =	vst v63  }
0x285: {  	_ =	swait.ge [sflag:s10], $0x800  }
0x286: {  	[sflag:s10] =	ssyncset.done $0x0  }
0x287: {  	[sflag:s10] =	ssyncadd.s32 $0xFFFFF800  }
0x288: {  	_ =	sfence.sel $0x180000  }
0x289: {  	[bflag:$0x0] =	sbarrier.arrive $0xFFFF  }
0x28a: {  	p0 =	sne.s32 s2, $0x0;
	_ =	strace $0x90000047  }
0x28b: {  	s0 =	sadd.s32 @!p0 $0x100000, s0;
	[bflag:$0x2] =	sbarrier.arrive $0xFFFF  }
0x28c: {  	[sflag:s0] =	ssyncadd.tile.s32 @!p0 $0x1;
	_ =	shalt  }
.Lfunc_end2:
_tile_overlayer_lowered:
.L_overlay_start_2:
0x28d: {  	(tag) =	ssettag $0x2  }
0x28e: {  	s0 =	rddreg [dreg:$0x0];
	s2 =	stileid.u32  }
0x28f: {  	s1 =	rddreg [dreg:$0x1];
	p0 =	sne.s32 s2, $0x0  }
0x290: {  	s3 =	rddreg [dreg:$0x2];
	[bflag:$0x3] =	sbarrier.arrive $0xFFFF;
	s2 =	simm.s32 @!p0 $0x1C01  }
0x291: {  	[timem:s3], [sflag:s2] =	dma.local @!p0 [hbm:s0], s1  }
0x292: {  	s0 =	simm.s32 @!p0 $0x1  }
0x293: {  	_ =	swait.ge @!p0 [sflag:s0], s1  }
0x294: {  	s1 =	ssub.s32 @!p0 $0x0, s1;
	[sflag:s0] =	ssyncset.done @!p0 $0x0  }
0x295: {  	[sflag:s0] =	ssyncadd.s32 @!p0 s1  }
0x296: {  	[bflag:$0x3] =	sbarrier.arrive $0xFFFF  }
0x297: {  	_ =	shalt  }

</sc_bundles>
